<compile_context>
chip_gen: v7x
topology: tpu7x:2x2x1
jax: 0.10.2.dev20260603
libtpu: 0.0.44.dev20260713+nightly
codegen_flags: <defaults>
</compile_context>

<pallas_src>
import functools

import jax
import jax.numpy as jnp
from jax import lax
from jax.experimental import pallas as pl
from jax.experimental.pallas import tpu as pltpu
from jax.experimental.pallas import tpu_sc as plsc

_N = 10000
_D = 128
_EPS = 1e-7
_NC = 2
_NS = 16
_CHUNK = 64
_P = 10112
_PA = 10008
_RPT = 624


_NBUF = 5


def _edge_body(G):
    def body(tbl, srcs, dsts, zeros, out, sidx, didx, *rest):
        rows = rest[:_NBUF]
        acc = rest[_NBUF]
        gsem = rest[_NBUF + 1:_NBUF + 1 + _NBUF]
        ssem = rest[_NBUF + 1 + _NBUF:_NBUF + 1 + 2 * _NBUF]
        isem = rest[_NBUF + 1 + 2 * _NBUF]
        c = lax.axis_index("c")
        s = lax.axis_index("s")

        @pl.when(s < _NS - 1)
        def _():
            pltpu.sync_copy(zeros.at[pl.ds(0, _RPT)],
                            acc.at[pl.ds(s * _RPT, _RPT)])

        @pl.when(s == _NS - 1)
        def _():
            pltpu.sync_copy(zeros, acc.at[pl.ds((_NS - 1) * _RPT, 640)])

        pltpu.async_copy(srcs.at[c, s, 0], sidx.at[0], isem)
        pltpu.async_copy(dsts.at[s, 0], didx.at[0], isem)
        plsc.subcore_barrier()

        def step(g, carry):
            bank = g % 2
            pltpu.make_async_copy(srcs.at[c, s, g], sidx.at[bank], isem).wait()
            pltpu.make_async_copy(dsts.at[s, g], didx.at[bank], isem).wait()
            for b in range(_NBUF):
                @pl.when(g > 0)
                def _(b=b):
                    pltpu.make_async_copy(
                        rows[b], acc.at[didx.at[1 - bank, b]], ssem[b]).wait()
                pltpu.async_copy(tbl.at[sidx.at[bank, b]], rows[b], gsem[b])
            pltpu.async_copy(srcs.at[c, s, g + 1], sidx.at[1 - bank], isem)
            pltpu.async_copy(dsts.at[s, g + 1], didx.at[1 - bank], isem)
            for b in range(_NBUF):
                pltpu.make_async_copy(tbl.at[sidx.at[bank, b]], rows[b],
                                      gsem[b]).wait()
                pltpu.async_copy(rows[b], acc.at[didx.at[bank, b]],
                                 ssem[b], add=True)
            return carry

        lax.fori_loop(0, G, step, 0)
        pltpu.make_async_copy(srcs.at[c, s, G], sidx.at[G % 2], isem).wait()
        pltpu.make_async_copy(dsts.at[s, G], didx.at[G % 2], isem).wait()
        for b in range(_NBUF):
            pltpu.make_async_copy(rows[b], acc.at[didx.at[(G - 1) % 2, b]],
                                  ssem[b]).wait()
        plsc.subcore_barrier()

        @pl.when(s < _NS - 1)
        def _():
            pltpu.sync_copy(acc.at[pl.ds(s * _RPT, _RPT)],
                            out.at[c, pl.ds(s * _RPT, _RPT)])

        @pl.when(s == _NS - 1)
        def _():
            pltpu.sync_copy(acc.at[pl.ds((_NS - 1) * _RPT, 640)],
                            out.at[c, pl.ds((_NS - 1) * _RPT, 640)])

    return body


@functools.lru_cache(maxsize=None)
def _make_edge_fn(G):
    mesh = plsc.VectorSubcoreMesh(core_axis_name="c", subcore_axis_name="s")
    return pl.kernel(
        _edge_body(G),
        out_type=jax.ShapeDtypeStruct((_NC, _P, _D), jnp.float32),
        mesh=mesh,
        scratch_types=(
            [pltpu.VMEM((2, _NBUF, _CHUNK), jnp.int32),
             pltpu.VMEM((2, _NBUF, _CHUNK), jnp.int32)]
            + [pltpu.VMEM((_CHUNK, _D), jnp.float32) for _ in range(_NBUF)]
            + [pltpu.VMEM_SHARED((_PA, _D), jnp.float32)]
            + [pltpu.SemaphoreType.DMA for _ in range(2 * _NBUF)]
            + [pltpu.SemaphoreType.DMA]
        ),
    )


def _write_tables(z, tbl_ref):
    u = z + _EPS
    w = jnp.exp(u)
    tbl_ref[pl.ds(0, _N), :] = u * w
    tbl_ref[pl.ds(_P, _N), :] = w


def _prep_body(x_ref, tbl_ref):
    _write_tables(jnp.maximum(x_ref[...], 0.0), tbl_ref)


@functools.lru_cache(maxsize=None)
def _make_prep():
    return pl.pallas_call(
        _prep_body,
        out_shape=jax.ShapeDtypeStruct((2 * _P, _D), jnp.float32),
    )


def _dense_body(make_tbl, x_ref, S_ref, W1_ref, b1_ref, g_ref, be_ref,
                W2_ref, b2_ref, L_ref, lb_ref, z_ref, *maybe_tbl):
    s1 = S_ref[0, pl.ds(0, _N), :]
    s2 = S_ref[1, pl.ds(0, _N), :]
    out = s1 / (s2 + 1e-16) + x_ref[...]
    h = jnp.dot(out, W1_ref[...], preferred_element_type=jnp.float32) + b1_ref[...]
    mu = jnp.mean(h, axis=0, keepdims=True)
    var = jnp.mean((h - mu) ** 2, axis=0, keepdims=True)
    h = (h - mu) * (g_ref[...] * jax.lax.rsqrt(var + 1e-5)) + be_ref[...]
    h = jnp.maximum(h, 0.0)
    y = jnp.dot(h, W2_ref[...], preferred_element_type=jnp.float32) + b2_ref[...]
    z = jnp.maximum(
        jnp.dot(y, L_ref[...], preferred_element_type=jnp.float32) + lb_ref[...],
        0.0)
    z_ref[...] = z
    if make_tbl:
        _write_tables(z, maybe_tbl[0])


@functools.lru_cache(maxsize=None)
def _make_dense(make_tbl):
    out_shape = [jax.ShapeDtypeStruct((_N, _D), jnp.float32)]
    if make_tbl:
        out_shape.append(jax.ShapeDtypeStruct((2 * _P, _D), jnp.float32))
    return pl.pallas_call(
        functools.partial(_dense_body, make_tbl),
        out_shape=out_shape,
    )


def kernel(x, edge_index,
           W1a, b1a, g1, be1, W1b, b1b, L1, lb1,
           W2a, b2a, g2, be2, W2b, b2b, L2, lb2,
           W3a, b3a, g3, be3, W3b, b3b, L3, lb3):
    E = edge_index.shape[1]
    per_tile = -(-E // _NS)
    G = -(-per_tile // (_CHUNK * _NBUF))
    J = G * _NBUF
    EP = _NS * J * _CHUNK
    pad = EP - E

    ei = edge_index.astype(jnp.int32)
    srcp = jnp.concatenate([ei[0], jnp.full((pad,), _N, jnp.int32)])
    dstp = jnp.concatenate([ei[1], jnp.full((pad,), _N, jnp.int32)])
    xtra = jnp.zeros((_NS, 1, _NBUF, _CHUNK), jnp.int32)
    srcs = jnp.stack([srcp, srcp + _P]).reshape(_NC, _NS, G, _NBUF, _CHUNK)
    srcs = jnp.concatenate(
        [srcs, jnp.broadcast_to(xtra[None], (_NC, _NS, 1, _NBUF, _CHUNK))],
        axis=2)
    dsts = dstp.reshape(_NS, G, _NBUF, _CHUNK)
    dsts = jnp.concatenate([dsts, xtra], axis=1)
    zeros = jnp.zeros((640, _D), jnp.float32)

    edge_fn = _make_edge_fn(G)
    dense_t = _make_dense(True)
    dense_f = _make_dense(False)

    def vec(v):
        return v.reshape(1, -1)

    tbl = _make_prep()(x)
    S = edge_fn(tbl, srcs, dsts, zeros)
    z, tbl = dense_t(x, S, W1a, vec(b1a), vec(g1), vec(be1), W1b, vec(b1b),
                     L1, vec(lb1))
    S = edge_fn(tbl, srcs, dsts, zeros)
    z, tbl = dense_t(z, S, W2a, vec(b2a), vec(g2), vec(be2), W2b, vec(b2b),
                     L2, vec(lb2))
    S = edge_fn(tbl, srcs, dsts, zeros)
    z = dense_f(z, S, W3a, vec(b3a), vec(g3), vec(be3), W3b, vec(b3b),
                L3, vec(lb3))[0]
    return z

# --- scband reference (transcript-rebuilt; emitter-appended) ---
"""Pipeline reference for scband-encoder-genconv-80015240725025 (READ-ONLY COPY).

The authoritative reference and input builder live on the scoring server;
editing this copy changes nothing except your own understanding.
"""

import jax, jax.numpy as jnp
import numpy as np

N = 10000
E = 320000
D = 128
H = 128
EPS = 1e-7


def segment_softmax(scores, idx, n):
    m = jax.ops.segment_max(scores, idx, num_segments=n)
    m = jnp.where(jnp.isfinite(m), m, 0.0)
    e = jnp.exp(scores - m[idx])
    s = jax.ops.segment_sum(e, idx, num_segments=n)
    return e / (s[idx] + 1e-16)


def gen_conv(x, ei, W1, b1, g, be, W2, b2):
    # GENConv with default softmax aggregation (t=1.0), eps=1e-7,
    # MLP [in, 2*out, out] with BatchNorm + ReLU on hidden layer.
    src, dst = ei[0], ei[1]
    msg = jax.nn.relu(x[src]) + EPS
    alpha = segment_softmax(msg, dst, x.shape[0])
    agg = jax.ops.segment_sum(msg * alpha, dst, num_segments=x.shape[0])
    out = agg + x
    h = out @ W1 + b1
    mu = jnp.mean(h, axis=0)
    var = jnp.var(h, axis=0)
    h = (h - mu) / jnp.sqrt(var + 1e-5) * g + be
    h = jax.nn.relu(h)
    return h @ W2 + b2


def setup_inputs(seed: int = 0):
    key = jax.random.key(seed)
    inp = {}
    inp['x'] = jax.random.normal(jax.random.fold_in(key, 0), (N, D), dtype=jnp.float32)
    inp['edge_index'] = jax.random.randint(jax.random.fold_in(key, 1), (2, E), 0, N)
    kc = 10
    for i in (1, 2, 3):
        inp['W%da' % i] = jax.random.normal(jax.random.fold_in(key, kc + 0), (H, 2 * H), dtype=jnp.float32) * 0.05
        inp['b%da' % i] = jnp.zeros((2 * H,), dtype=jnp.float32)
        inp['g%d' % i] = jnp.ones((2 * H,), dtype=jnp.float32)
        inp['be%d' % i] = jnp.zeros((2 * H,), dtype=jnp.float32)
        inp['W%db' % i] = jax.random.normal(jax.random.fold_in(key, kc + 1), (2 * H, H), dtype=jnp.float32) * 0.05
        inp['b%db' % i] = jnp.zeros((H,), dtype=jnp.float32)
        inp['L%d' % i] = jax.random.normal(jax.random.fold_in(key, kc + 2), (H, H), dtype=jnp.float32) * 0.05
        inp['lb%d' % i] = jnp.zeros((H,), dtype=jnp.float32)
        kc += 10
    return inp


def reference(x, edge_index,
              W1a, b1a, g1, be1, W1b, b1b, L1, lb1,
              W2a, b2a, g2, be2, W2b, b2b, L2, lb2,
              W3a, b3a, g3, be3, W3b, b3b, L3, lb3):
    h = gen_conv(x, edge_index, W1a, b1a, g1, be1, W1b, b1b)
    h = jax.nn.relu(h @ L1 + lb1)
    h = gen_conv(h, edge_index, W2a, b2a, g2, be2, W2b, b2b)
    h = jax.nn.relu(h @ L2 + lb2)
    h = gen_conv(h, edge_index, W3a, b3a, g3, be3, W3b, b3b)
    h = jax.nn.relu(h @ L3 + lb3)
    return h

if __name__ == "__main__":
    import jax
    _d = setup_inputs()
    print(jax.jit(kernel)(*tuple(_d.values())))

</pallas_src>

<mosaic_0001>
#map = affine_map<(d0, d1) -> (0, 0)>
#map1 = affine_map<(d0, d1) -> (0, 0, 0, 0, 0)>
#map2 = affine_map<(d0, d1) -> (0, 0, 0, 0)>
#map3 = affine_map<(d0, d1) -> (0, 0, 0)>
module attributes {stable_mosaic.version = 14 : i64} {
  func.func @body(%arg0: i32, %arg1: i32, %arg2: memref<20224x128xf32, #tpu.memory_space<hbm>>, %arg3: memref<2x16x64x5x64xi32, #tpu.memory_space<hbm>>, %arg4: memref<16x64x5x64xi32, #tpu.memory_space<hbm>>, %arg5: memref<640x128xf32, #tpu.memory_space<hbm>>, %arg6: memref<2x10112x128xf32, #tpu.memory_space<hbm>>, %arg7: memref<2x5x64xi32, #tpu.memory_space<vmem>>, %arg8: memref<2x5x64xi32, #tpu.memory_space<vmem>>, %arg9: memref<64x128xf32, #tpu.memory_space<vmem>>, %arg10: memref<64x128xf32, #tpu.memory_space<vmem>>, %arg11: memref<64x128xf32, #tpu.memory_space<vmem>>, %arg12: memref<64x128xf32, #tpu.memory_space<vmem>>, %arg13: memref<64x128xf32, #tpu.memory_space<vmem>>, %arg14: memref<10008x128xf32, #tpu.memory_space<vmem_shared>>, %arg15: memref<!tpu.dma_semaphore, #tpu.memory_space<semaphore_mem>>, %arg16: memref<!tpu.dma_semaphore, #tpu.memory_space<semaphore_mem>>, %arg17: memref<!tpu.dma_semaphore, #tpu.memory_space<semaphore_mem>>, %arg18: memref<!tpu.dma_semaphore, #tpu.memory_space<semaphore_mem>>, %arg19: memref<!tpu.dma_semaphore, #tpu.memory_space<semaphore_mem>>, %arg20: memref<!tpu.dma_semaphore, #tpu.memory_space<semaphore_mem>>, %arg21: memref<!tpu.dma_semaphore, #tpu.memory_space<semaphore_mem>>, %arg22: memref<!tpu.dma_semaphore, #tpu.memory_space<semaphore_mem>>, %arg23: memref<!tpu.dma_semaphore, #tpu.memory_space<semaphore_mem>>, %arg24: memref<!tpu.dma_semaphore, #tpu.memory_space<semaphore_mem>>, %arg25: memref<!tpu.dma_semaphore, #tpu.memory_space<semaphore_mem>>) attributes {dimension_semantics = [#tpu.dimension_semantics<core_parallel>, #tpu.dimension_semantics<subcore_parallel>], iteration_bounds = array<i64: 2, 16>, scalar_prefetch = 0 : i64, scratch_operands = 19 : i64, tpu.core_type = #tpu.core_type<sc_vector_subcore>, window_params = [{transform_indices = #map}, {transform_indices = #map1}, {transform_indices = #map2}, {transform_indices = #map}, {transform_indices = #map3}]} {
    %lt3A = arith.constant 15 : i32
    %lt3A_0 = arith.cmpi slt, %arg1, %lt3A : i32
    %convert_element_type3A = arith.extui %lt3A_0 : i1 to i32
    %cond3A = arith.constant 0 : i32
    %cond3A_1 = arith.cmpi ne, %convert_element_type3A, %cond3A : i32
    scf.if %cond3A_1 {
      %mul3A = arith.constant 624 : i32
      %mul3A_132 = arith.muli %arg1, %mul3A : i32
      "tpu.region"() ({
        %run_scoped3A = tpu.sem_alloc : memref<!tpu.dma_semaphore, #tpu.memory_space<semaphore_mem>>
        %dma_start3A_133 = arith.constant 0 : i32
        %dma_start3A_134 = tpu.memref_slice %arg14[%mul3A_132, %dma_start3A_133] : memref<10008x128xf32, #tpu.memory_space<vmem_shared>> -> memref<624x128xf32, #tpu.memory_space<vmem_shared>>
        %dma_start3A_135 = arith.constant 0 : i32
        %dma_start3A_136 = arith.constant 0 : i32
        %dma_start3A_137 = tpu.memref_slice %arg5[%dma_start3A_135, %dma_start3A_136] : memref<640x128xf32, #tpu.memory_space<hbm>> -> memref<624x128xf32, #tpu.memory_space<hbm>>
        tpu.enqueue_dma source(%dma_start3A_137 : memref<624x128xf32, #tpu.memory_space<hbm>>) target(%dma_start3A_134 : memref<624x128xf32, #tpu.memory_space<vmem_shared>>) target_semaphore(%run_scoped3A : memref<!tpu.dma_semaphore, #tpu.memory_space<semaphore_mem>>)
        %dma_wait3A_138 = arith.constant 0 : i32
        %dma_wait3A_139 = tpu.memref_slice %arg14[%mul3A_132, %dma_wait3A_138] : memref<10008x128xf32, #tpu.memory_space<vmem_shared>> -> memref<624x128xf32, #tpu.memory_space<vmem_shared>>
        %dma_wait3A_140 = arith.constant 0 : i32
        %dma_wait3A_141 = arith.constant 0 : i32
        %dma_wait3A_142 = tpu.memref_slice %arg5[%dma_wait3A_140, %dma_wait3A_141] : memref<640x128xf32, #tpu.memory_space<hbm>> -> memref<624x128xf32, #tpu.memory_space<hbm>>
        tpu.wait_dma2 semaphore(%run_scoped3A : memref<!tpu.dma_semaphore, #tpu.memory_space<semaphore_mem>>) src(%dma_wait3A_142 : memref<624x128xf32, #tpu.memory_space<hbm>>) dst(%dma_wait3A_139 : memref<624x128xf32, #tpu.memory_space<vmem_shared>>)
        tpu.yield
      }) : () -> ()
    } else {
    }
    %eq3A = arith.constant 15 : i32
    %eq3A_2 = arith.cmpi eq, %arg1, %eq3A : i32
    %convert_element_type3A_3 = arith.extui %eq3A_2 : i1 to i32
    %cond3A_4 = arith.constant 0 : i32
    %cond3A_5 = arith.cmpi ne, %convert_element_type3A_3, %cond3A_4 : i32
    scf.if %cond3A_5 {
      "tpu.region"() ({
        %run_scoped3A = tpu.sem_alloc : memref<!tpu.dma_semaphore, #tpu.memory_space<semaphore_mem>>
        %dma_start3A_132 = arith.constant 9360 : i32
        %dma_start3A_133 = arith.constant 0 : i32
        %dma_start3A_134 = tpu.memref_slice %arg14[%dma_start3A_132, %dma_start3A_133] : memref<10008x128xf32, #tpu.memory_space<vmem_shared>> -> memref<640x128xf32, #tpu.memory_space<vmem_shared>>
        tpu.enqueue_dma source(%arg5 : memref<640x128xf32, #tpu.memory_space<hbm>>) target(%dma_start3A_134 : memref<640x128xf32, #tpu.memory_space<vmem_shared>>) target_semaphore(%run_scoped3A : memref<!tpu.dma_semaphore, #tpu.memory_space<semaphore_mem>>)
        %dma_wait3A_135 = arith.constant 9360 : i32
        %dma_wait3A_136 = arith.constant 0 : i32
        %dma_wait3A_137 = tpu.memref_slice %arg14[%dma_wait3A_135, %dma_wait3A_136] : memref<10008x128xf32, #tpu.memory_space<vmem_shared>> -> memref<640x128xf32, #tpu.memory_space<vmem_shared>>
        tpu.wait_dma2 semaphore(%run_scoped3A : memref<!tpu.dma_semaphore, #tpu.memory_space<semaphore_mem>>) src(%arg5 : memref<640x128xf32, #tpu.memory_space<hbm>>) dst(%dma_wait3A_137 : memref<640x128xf32, #tpu.memory_space<vmem_shared>>)
        tpu.yield
      }) : () -> ()
    } else {
    }
    %dma_start3A = arith.constant 0 : i32
    %dma_start3A_6 = arith.constant 0 : i32
    %dma_start3A_7 = arith.constant 0 : i32
    %dma_start3A_8 = arith.constant 0 : i32
    %dma_start3A_9 = tpu.memref_slice %arg7[%dma_start3A_6, %dma_start3A_7, %dma_start3A_8] : memref<2x5x64xi32, #tpu.memory_space<vmem>> -> memref<1x5x64xi32, #tpu.memory_space<vmem>>
    %dma_start3A_10 = tpu.memref_squeeze %dma_start3A_9 : memref<1x5x64xi32, #tpu.memory_space<vmem>> -> memref<5x64xi32, #tpu.memory_space<vmem>>
    %dma_start3A_11 = arith.constant 0 : i32
    %dma_start3A_12 = arith.constant 0 : i32
    %dma_start3A_13 = tpu.memref_slice %arg3[%arg0, %arg1, %dma_start3A, %dma_start3A_11, %dma_start3A_12] : memref<2x16x64x5x64xi32, #tpu.memory_space<hbm>> -> memref<1x1x1x5x64xi32, #tpu.memory_space<hbm>>
    %dma_start3A_14 = tpu.memref_squeeze %dma_start3A_13 : memref<1x1x1x5x64xi32, #tpu.memory_space<hbm>> -> memref<5x64xi32, #tpu.memory_space<hbm>>
    %dma_start3A_15 = arith.constant 0 : i32
    %dma_start3A_16 = arith.constant 0 : i32
    %dma_start3A_17 = tpu.memref_slice %arg7[%dma_start3A_6, %dma_start3A_15, %dma_start3A_16] : memref<2x5x64xi32, #tpu.memory_space<vmem>> -> memref<1x5x64xi32, #tpu.memory_space<vmem>>
    %dma_start3A_18 = tpu.memref_squeeze %dma_start3A_17 : memref<1x5x64xi32, #tpu.memory_space<vmem>> -> memref<5x64xi32, #tpu.memory_space<vmem>>
    %dma_start3A_19 = arith.constant 0 : i32
    %dma_start3A_20 = arith.constant 0 : i32
    %dma_start3A_21 = tpu.memref_slice %arg3[%arg0, %arg1, %dma_start3A, %dma_start3A_19, %dma_start3A_20] : memref<2x16x64x5x64xi32, #tpu.memory_space<hbm>> -> memref<1x1x1x5x64xi32, #tpu.memory_space<hbm>>
    %dma_start3A_22 = tpu.memref_squeeze %dma_start3A_21 : memref<1x1x1x5x64xi32, #tpu.memory_space<hbm>> -> memref<5x64xi32, #tpu.memory_space<hbm>>
    tpu.enqueue_dma source(%dma_start3A_22 : memref<5x64xi32, #tpu.memory_space<hbm>>) target(%dma_start3A_18 : memref<5x64xi32, #tpu.memory_space<vmem>>) target_semaphore(%arg25 : memref<!tpu.dma_semaphore, #tpu.memory_space<semaphore_mem>>)
    %dma_start3A_23 = arith.constant 0 : i32
    %dma_start3A_24 = arith.constant 0 : i32
    %dma_start3A_25 = arith.constant 0 : i32
    %dma_start3A_26 = arith.constant 0 : i32
    %dma_start3A_27 = tpu.memref_slice %arg8[%dma_start3A_24, %dma_start3A_25, %dma_start3A_26] : memref<2x5x64xi32, #tpu.memory_space<vmem>> -> memref<1x5x64xi32, #tpu.memory_space<vmem>>
    %dma_start3A_28 = tpu.memref_squeeze %dma_start3A_27 : memref<1x5x64xi32, #tpu.memory_space<vmem>> -> memref<5x64xi32, #tpu.memory_space<vmem>>
    %dma_start3A_29 = arith.constant 0 : i32
    %dma_start3A_30 = arith.constant 0 : i32
    %dma_start3A_31 = tpu.memref_slice %arg4[%arg1, %dma_start3A_23, %dma_start3A_29, %dma_start3A_30] : memref<16x64x5x64xi32, #tpu.memory_space<hbm>> -> memref<1x1x5x64xi32, #tpu.memory_space<hbm>>
    %dma_start3A_32 = tpu.memref_squeeze %dma_start3A_31 : memref<1x1x5x64xi32, #tpu.memory_space<hbm>> -> memref<5x64xi32, #tpu.memory_space<hbm>>
    %dma_start3A_33 = arith.constant 0 : i32
    %dma_start3A_34 = arith.constant 0 : i32
    %dma_start3A_35 = tpu.memref_slice %arg8[%dma_start3A_24, %dma_start3A_33, %dma_start3A_34] : memref<2x5x64xi32, #tpu.memory_space<vmem>> -> memref<1x5x64xi32, #tpu.memory_space<vmem>>
    %dma_start3A_36 = tpu.memref_squeeze %dma_start3A_35 : memref<1x5x64xi32, #tpu.memory_space<vmem>> -> memref<5x64xi32, #tpu.memory_space<vmem>>
    %dma_start3A_37 = arith.constant 0 : i32
    %dma_start3A_38 = arith.constant 0 : i32
    %dma_start3A_39 = tpu.memref_slice %arg4[%arg1, %dma_start3A_23, %dma_start3A_37, %dma_start3A_38] : memref<16x64x5x64xi32, #tpu.memory_space<hbm>> -> memref<1x1x5x64xi32, #tpu.memory_space<hbm>>
    %dma_start3A_40 = tpu.memref_squeeze %dma_start3A_39 : memref<1x1x5x64xi32, #tpu.memory_space<hbm>> -> memref<5x64xi32, #tpu.memory_space<hbm>>
    tpu.enqueue_dma source(%dma_start3A_40 : memref<5x64xi32, #tpu.memory_space<hbm>>) target(%dma_start3A_36 : memref<5x64xi32, #tpu.memory_space<vmem>>) target_semaphore(%arg25 : memref<!tpu.dma_semaphore, #tpu.memory_space<semaphore_mem>>)
    %barrier3A = arith.constant 0 : index
    tpu.barrier barrier_id(%barrier3A)
    %scan3A = arith.constant 0 : i32
    %scan3A_41 = arith.constant 0 : i32
    %scan3A_42 = arith.constant 63 : i32
    %scan3A_43 = arith.addi %scan3A_41, %scan3A_42 : i32
    %scan3A_44 = arith.constant 1 : i32
    scf.for %scan3A_132 = %scan3A_41 to %scan3A_43 step %scan3A_44  : i32 {
      %jit3A = arith.constant 2 : i32
      %eq3A_133 = arith.constant 0 : i32
      %eq3A_134 = arith.cmpi eq, %jit3A, %eq3A_133 : i32
      %jit3A_135 = arith.constant 1 : i32
      %select_n3A = arith.select %eq3A_134, %jit3A_135, %jit3A : i32
      %rem3A = arith.remsi %scan3A_132, %select_n3A : i32
      %ne3A = arith.constant 0 : i32
      %ne3A_136 = arith.cmpi ne, %rem3A, %ne3A : i32
      %lt3A_137 = arith.constant 0 : i32
      %lt3A_138 = arith.cmpi slt, %rem3A, %lt3A_137 : i32
      %lt3A_139 = arith.constant 0 : i32
      %lt3A_140 = arith.cmpi slt, %select_n3A, %lt3A_139 : i32
      %ne3A_141 = arith.xori %lt3A_138, %lt3A_140 : i1
      %and3A = arith.andi %ne3A_141, %ne3A_136 : i1
      %add3A = arith.addi %rem3A, %select_n3A : i32
      %select_n3A_142 = arith.select %and3A, %add3A, %rem3A : i32
      %dma_wait3A_143 = arith.constant 0 : i32
      %dma_wait3A_144 = arith.constant 0 : i32
      %dma_wait3A_145 = tpu.memref_slice %arg7[%select_n3A_142, %dma_wait3A_143, %dma_wait3A_144] : memref<2x5x64xi32, #tpu.memory_space<vmem>> -> memref<1x5x64xi32, #tpu.memory_space<vmem>>
      %dma_wait3A_146 = tpu.memref_squeeze %dma_wait3A_145 : memref<1x5x64xi32, #tpu.memory_space<vmem>> -> memref<5x64xi32, #tpu.memory_space<vmem>>
      %dma_wait3A_147 = arith.constant 0 : i32
      %dma_wait3A_148 = arith.constant 0 : i32
      %dma_wait3A_149 = tpu.memref_slice %arg3[%arg0, %arg1, %scan3A_132, %dma_wait3A_147, %dma_wait3A_148] : memref<2x16x64x5x64xi32, #tpu.memory_space<hbm>> -> memref<1x1x1x5x64xi32, #tpu.memory_space<hbm>>
      %dma_wait3A_150 = tpu.memref_squeeze %dma_wait3A_149 : memref<1x1x1x5x64xi32, #tpu.memory_space<hbm>> -> memref<5x64xi32, #tpu.memory_space<hbm>>
      %dma_wait3A_151 = arith.constant 0 : i32
      %dma_wait3A_152 = arith.constant 0 : i32
      %dma_wait3A_153 = tpu.memref_slice %arg7[%select_n3A_142, %dma_wait3A_151, %dma_wait3A_152] : memref<2x5x64xi32, #tpu.memory_space<vmem>> -> memref<1x5x64xi32, #tpu.memory_space<vmem>>
      %dma_wait3A_154 = tpu.memref_squeeze %dma_wait3A_153 : memref<1x5x64xi32, #tpu.memory_space<vmem>> -> memref<5x64xi32, #tpu.memory_space<vmem>>
      %dma_wait3A_155 = arith.constant 0 : i32
      %dma_wait3A_156 = arith.constant 0 : i32
      %dma_wait3A_157 = tpu.memref_slice %arg3[%arg0, %arg1, %scan3A_132, %dma_wait3A_155, %dma_wait3A_156] : memref<2x16x64x5x64xi32, #tpu.memory_space<hbm>> -> memref<1x1x1x5x64xi32, #tpu.memory_space<hbm>>
      %dma_wait3A_158 = tpu.memref_squeeze %dma_wait3A_157 : memref<1x1x1x5x64xi32, #tpu.memory_space<hbm>> -> memref<5x64xi32, #tpu.memory_space<hbm>>
      tpu.wait_dma2 semaphore(%arg25 : memref<!tpu.dma_semaphore, #tpu.memory_space<semaphore_mem>>) src(%dma_wait3A_158 : memref<5x64xi32, #tpu.memory_space<hbm>>) dst(%dma_wait3A_154 : memref<5x64xi32, #tpu.memory_space<vmem>>)
      %dma_wait3A_159 = arith.constant 0 : i32
      %dma_wait3A_160 = arith.constant 0 : i32
      %dma_wait3A_161 = tpu.memref_slice %arg8[%select_n3A_142, %dma_wait3A_159, %dma_wait3A_160] : memref<2x5x64xi32, #tpu.memory_space<vmem>> -> memref<1x5x64xi32, #tpu.memory_space<vmem>>
      %dma_wait3A_162 = tpu.memref_squeeze %dma_wait3A_161 : memref<1x5x64xi32, #tpu.memory_space<vmem>> -> memref<5x64xi32, #tpu.memory_space<vmem>>
      %dma_wait3A_163 = arith.constant 0 : i32
      %dma_wait3A_164 = arith.constant 0 : i32
      %dma_wait3A_165 = tpu.memref_slice %arg4[%arg1, %scan3A_132, %dma_wait3A_163, %dma_wait3A_164] : memref<16x64x5x64xi32, #tpu.memory_space<hbm>> -> memref<1x1x5x64xi32, #tpu.memory_space<hbm>>
      %dma_wait3A_166 = tpu.memref_squeeze %dma_wait3A_165 : memref<1x1x5x64xi32, #tpu.memory_space<hbm>> -> memref<5x64xi32, #tpu.memory_space<hbm>>
      %dma_wait3A_167 = arith.constant 0 : i32
      %dma_wait3A_168 = arith.constant 0 : i32
      %dma_wait3A_169 = tpu.memref_slice %arg8[%select_n3A_142, %dma_wait3A_167, %dma_wait3A_168] : memref<2x5x64xi32, #tpu.memory_space<vmem>> -> memref<1x5x64xi32, #tpu.memory_space<vmem>>
      %dma_wait3A_170 = tpu.memref_squeeze %dma_wait3A_169 : memref<1x5x64xi32, #tpu.memory_space<vmem>> -> memref<5x64xi32, #tpu.memory_space<vmem>>
      %dma_wait3A_171 = arith.constant 0 : i32
      %dma_wait3A_172 = arith.constant 0 : i32
      %dma_wait3A_173 = tpu.memref_slice %arg4[%arg1, %scan3A_132, %dma_wait3A_171, %dma_wait3A_172] : memref<16x64x5x64xi32, #tpu.memory_space<hbm>> -> memref<1x1x5x64xi32, #tpu.memory_space<hbm>>
      %dma_wait3A_174 = tpu.memref_squeeze %dma_wait3A_173 : memref<1x1x5x64xi32, #tpu.memory_space<hbm>> -> memref<5x64xi32, #tpu.memory_space<hbm>>
      tpu.wait_dma2 semaphore(%arg25 : memref<!tpu.dma_semaphore, #tpu.memory_space<semaphore_mem>>) src(%dma_wait3A_174 : memref<5x64xi32, #tpu.memory_space<hbm>>) dst(%dma_wait3A_170 : memref<5x64xi32, #tpu.memory_space<vmem>>)
      %gt3A = arith.constant 0 : i32
      %gt3A_175 = arith.cmpi sgt, %scan3A_132, %gt3A : i32
      %convert_element_type3A_176 = arith.extui %gt3A_175 : i1 to i32
      %cond3A_177 = arith.constant 0 : i32
      %cond3A_178 = arith.cmpi ne, %convert_element_type3A_176, %cond3A_177 : i32
      scf.if %cond3A_178 {
        %sub3A_343 = arith.constant 1 : i32
        %sub3A_344 = arith.subi %sub3A_343, %select_n3A_142 : i32
        %dma_wait3A_345 = arith.constant 0 : i32
        %dma_wait3A_346 = arith.constant 0 : i32
        %dma_wait3A_347 = tpu.memref_slice %arg8[%sub3A_344, %dma_wait3A_345, %dma_wait3A_346] : memref<2x5x64xi32, #tpu.memory_space<vmem>> -> memref<1x1x64xi32, #tpu.memory_space<vmem>>
        %dma_wait3A_348 = tpu.memref_squeeze %dma_wait3A_347 : memref<1x1x64xi32, #tpu.memory_space<vmem>> -> memref<64xi32, #tpu.memory_space<vmem>>
        %dma_wait3A_349 = arith.constant 0 : i32
        %dma_wait3A_350 = arith.constant 0 : i32
        %dma_wait3A_351 = tpu.memref_slice %arg14[%dma_wait3A_349, %dma_wait3A_350] : memref<10008x128xf32, #tpu.memory_space<vmem_shared>> -> memref<10008x128xf32, #tpu.memory_space<vmem_shared>>
        tpu.wait_indirect_dma semaphore(%arg20 : memref<!tpu.dma_semaphore, #tpu.memory_space<semaphore_mem>>) src(%arg9 : memref<64x128xf32, #tpu.memory_space<vmem>>) dst(%dma_wait3A_351 : memref<10008x128xf32, #tpu.memory_space<vmem_shared>>)
      } else {
      }
      %dma_start3A_179 = arith.constant 0 : i32
      %dma_start3A_180 = arith.constant 0 : i32
      %dma_start3A_181 = tpu.memref_slice %arg7[%select_n3A_142, %dma_start3A_179, %dma_start3A_180] : memref<2x5x64xi32, #tpu.memory_space<vmem>> -> memref<1x1x64xi32, #tpu.memory_space<vmem>>
      %dma_start3A_182 = tpu.memref_squeeze %dma_start3A_181 : memref<1x1x64xi32, #tpu.memory_space<vmem>> -> memref<64xi32, #tpu.memory_space<vmem>>
      %dma_start3A_183 = arith.constant 0 : i32
      %dma_start3A_184 = arith.constant 0 : i32
      %dma_start3A_185 = tpu.memref_slice %arg2[%dma_start3A_183, %dma_start3A_184] : memref<20224x128xf32, #tpu.memory_space<hbm>> -> memref<20224x128xf32, #tpu.memory_space<hbm>>
      tpu.enqueue_indirect_dma source(%dma_start3A_185 : memref<20224x128xf32, #tpu.memory_space<hbm>>) target(%arg9 : memref<64x128xf32, #tpu.memory_space<vmem>>) offsets(%dma_start3A_182 : memref<64xi32, #tpu.memory_space<vmem>>) semaphore(%arg15 : memref<!tpu.dma_semaphore, #tpu.memory_space<semaphore_mem>>)
      %gt3A_186 = arith.constant 0 : i32
      %gt3A_187 = arith.cmpi sgt, %scan3A_132, %gt3A_186 : i32
      %convert_element_type3A_188 = arith.extui %gt3A_187 : i1 to i32
      %cond3A_189 = arith.constant 0 : i32
      %cond3A_190 = arith.cmpi ne, %convert_element_type3A_188, %cond3A_189 : i32
      scf.if %cond3A_190 {
        %sub3A_343 = arith.constant 1 : i32
        %sub3A_344 = arith.subi %sub3A_343, %select_n3A_142 : i32
        %dma_wait3A_345 = arith.constant 1 : i32
        %dma_wait3A_346 = arith.constant 0 : i32
        %dma_wait3A_347 = tpu.memref_slice %arg8[%sub3A_344, %dma_wait3A_345, %dma_wait3A_346] : memref<2x5x64xi32, #tpu.memory_space<vmem>> -> memref<1x1x64xi32, #tpu.memory_space<vmem>>
        %dma_wait3A_348 = tpu.memref_squeeze %dma_wait3A_347 : memref<1x1x64xi32, #tpu.memory_space<vmem>> -> memref<64xi32, #tpu.memory_space<vmem>>
        %dma_wait3A_349 = arith.constant 0 : i32
        %dma_wait3A_350 = arith.constant 0 : i32
        %dma_wait3A_351 = tpu.memref_slice %arg14[%dma_wait3A_349, %dma_wait3A_350] : memref<10008x128xf32, #tpu.memory_space<vmem_shared>> -> memref<10008x128xf32, #tpu.memory_space<vmem_shared>>
        tpu.wait_indirect_dma semaphore(%arg21 : memref<!tpu.dma_semaphore, #tpu.memory_space<semaphore_mem>>) src(%arg10 : memref<64x128xf32, #tpu.memory_space<vmem>>) dst(%dma_wait3A_351 : memref<10008x128xf32, #tpu.memory_space<vmem_shared>>)
      } else {
      }
      %dma_start3A_191 = arith.constant 1 : i32
      %dma_start3A_192 = arith.constant 0 : i32
      %dma_start3A_193 = tpu.memref_slice %arg7[%select_n3A_142, %dma_start3A_191, %dma_start3A_192] : memref<2x5x64xi32, #tpu.memory_space<vmem>> -> memref<1x1x64xi32, #tpu.memory_space<vmem>>
      %dma_start3A_194 = tpu.memref_squeeze %dma_start3A_193 : memref<1x1x64xi32, #tpu.memory_space<vmem>> -> memref<64xi32, #tpu.memory_space<vmem>>
      %dma_start3A_195 = arith.constant 0 : i32
      %dma_start3A_196 = arith.constant 0 : i32
      %dma_start3A_197 = tpu.memref_slice %arg2[%dma_start3A_195, %dma_start3A_196] : memref<20224x128xf32, #tpu.memory_space<hbm>> -> memref<20224x128xf32, #tpu.memory_space<hbm>>
      tpu.enqueue_indirect_dma source(%dma_start3A_197 : memref<20224x128xf32, #tpu.memory_space<hbm>>) target(%arg10 : memref<64x128xf32, #tpu.memory_space<vmem>>) offsets(%dma_start3A_194 : memref<64xi32, #tpu.memory_space<vmem>>) semaphore(%arg16 : memref<!tpu.dma_semaphore, #tpu.memory_space<semaphore_mem>>)
      %gt3A_198 = arith.constant 0 : i32
      %gt3A_199 = arith.cmpi sgt, %scan3A_132, %gt3A_198 : i32
      %convert_element_type3A_200 = arith.extui %gt3A_199 : i1 to i32
      %cond3A_201 = arith.constant 0 : i32
      %cond3A_202 = arith.cmpi ne, %convert_element_type3A_200, %cond3A_201 : i32
      scf.if %cond3A_202 {
        %sub3A_343 = arith.constant 1 : i32
        %sub3A_344 = arith.subi %sub3A_343, %select_n3A_142 : i32
        %dma_wait3A_345 = arith.constant 2 : i32
        %dma_wait3A_346 = arith.constant 0 : i32
        %dma_wait3A_347 = tpu.memref_slice %arg8[%sub3A_344, %dma_wait3A_345, %dma_wait3A_346] : memref<2x5x64xi32, #tpu.memory_space<vmem>> -> memref<1x1x64xi32, #tpu.memory_space<vmem>>
        %dma_wait3A_348 = tpu.memref_squeeze %dma_wait3A_347 : memref<1x1x64xi32, #tpu.memory_space<vmem>> -> memref<64xi32, #tpu.memory_space<vmem>>
        %dma_wait3A_349 = arith.constant 0 : i32
        %dma_wait3A_350 = arith.constant 0 : i32
        %dma_wait3A_351 = tpu.memref_slice %arg14[%dma_wait3A_349, %dma_wait3A_350] : memref<10008x128xf32, #tpu.memory_space<vmem_shared>> -> memref<10008x128xf32, #tpu.memory_space<vmem_shared>>
        tpu.wait_indirect_dma semaphore(%arg22 : memref<!tpu.dma_semaphore, #tpu.memory_space<semaphore_mem>>) src(%arg11 : memref<64x128xf32, #tpu.memory_space<vmem>>) dst(%dma_wait3A_351 : memref<10008x128xf32, #tpu.memory_space<vmem_shared>>)
      } else {
      }
      %dma_start3A_203 = arith.constant 2 : i32
      %dma_start3A_204 = arith.constant 0 : i32
      %dma_start3A_205 = tpu.memref_slice %arg7[%select_n3A_142, %dma_start3A_203, %dma_start3A_204] : memref<2x5x64xi32, #tpu.memory_space<vmem>> -> memref<1x1x64xi32, #tpu.memory_space<vmem>>
      %dma_start3A_206 = tpu.memref_squeeze %dma_start3A_205 : memref<1x1x64xi32, #tpu.memory_space<vmem>> -> memref<64xi32, #tpu.memory_space<vmem>>
      %dma_start3A_207 = arith.constant 0 : i32
      %dma_start3A_208 = arith.constant 0 : i32
      %dma_start3A_209 = tpu.memref_slice %arg2[%dma_start3A_207, %dma_start3A_208] : memref<20224x128xf32, #tpu.memory_space<hbm>> -> memref<20224x128xf32, #tpu.memory_space<hbm>>
      tpu.enqueue_indirect_dma source(%dma_start3A_209 : memref<20224x128xf32, #tpu.memory_space<hbm>>) target(%arg11 : memref<64x128xf32, #tpu.memory_space<vmem>>) offsets(%dma_start3A_206 : memref<64xi32, #tpu.memory_space<vmem>>) semaphore(%arg17 : memref<!tpu.dma_semaphore, #tpu.memory_space<semaphore_mem>>)
      %gt3A_210 = arith.constant 0 : i32
      %gt3A_211 = arith.cmpi sgt, %scan3A_132, %gt3A_210 : i32
      %convert_element_type3A_212 = arith.extui %gt3A_211 : i1 to i32
      %cond3A_213 = arith.constant 0 : i32
      %cond3A_214 = arith.cmpi ne, %convert_element_type3A_212, %cond3A_213 : i32
      scf.if %cond3A_214 {
        %sub3A_343 = arith.constant 1 : i32
        %sub3A_344 = arith.subi %sub3A_343, %select_n3A_142 : i32
        %dma_wait3A_345 = arith.constant 3 : i32
        %dma_wait3A_346 = arith.constant 0 : i32
        %dma_wait3A_347 = tpu.memref_slice %arg8[%sub3A_344, %dma_wait3A_345, %dma_wait3A_346] : memref<2x5x64xi32, #tpu.memory_space<vmem>> -> memref<1x1x64xi32, #tpu.memory_space<vmem>>
        %dma_wait3A_348 = tpu.memref_squeeze %dma_wait3A_347 : memref<1x1x64xi32, #tpu.memory_space<vmem>> -> memref<64xi32, #tpu.memory_space<vmem>>
        %dma_wait3A_349 = arith.constant 0 : i32
        %dma_wait3A_350 = arith.constant 0 : i32
        %dma_wait3A_351 = tpu.memref_slice %arg14[%dma_wait3A_349, %dma_wait3A_350] : memref<10008x128xf32, #tpu.memory_space<vmem_shared>> -> memref<10008x128xf32, #tpu.memory_space<vmem_shared>>
        tpu.wait_indirect_dma semaphore(%arg23 : memref<!tpu.dma_semaphore, #tpu.memory_space<semaphore_mem>>) src(%arg12 : memref<64x128xf32, #tpu.memory_space<vmem>>) dst(%dma_wait3A_351 : memref<10008x128xf32, #tpu.memory_space<vmem_shared>>)
      } else {
      }
      %dma_start3A_215 = arith.constant 3 : i32
      %dma_start3A_216 = arith.constant 0 : i32
      %dma_start3A_217 = tpu.memref_slice %arg7[%select_n3A_142, %dma_start3A_215, %dma_start3A_216] : memref<2x5x64xi32, #tpu.memory_space<vmem>> -> memref<1x1x64xi32, #tpu.memory_space<vmem>>
      %dma_start3A_218 = tpu.memref_squeeze %dma_start3A_217 : memref<1x1x64xi32, #tpu.memory_space<vmem>> -> memref<64xi32, #tpu.memory_space<vmem>>
      %dma_start3A_219 = arith.constant 0 : i32
      %dma_start3A_220 = arith.constant 0 : i32
      %dma_start3A_221 = tpu.memref_slice %arg2[%dma_start3A_219, %dma_start3A_220] : memref<20224x128xf32, #tpu.memory_space<hbm>> -> memref<20224x128xf32, #tpu.memory_space<hbm>>
      tpu.enqueue_indirect_dma source(%dma_start3A_221 : memref<20224x128xf32, #tpu.memory_space<hbm>>) target(%arg12 : memref<64x128xf32, #tpu.memory_space<vmem>>) offsets(%dma_start3A_218 : memref<64xi32, #tpu.memory_space<vmem>>) semaphore(%arg18 : memref<!tpu.dma_semaphore, #tpu.memory_space<semaphore_mem>>)
      %gt3A_222 = arith.constant 0 : i32
      %gt3A_223 = arith.cmpi sgt, %scan3A_132, %gt3A_222 : i32
      %convert_element_type3A_224 = arith.extui %gt3A_223 : i1 to i32
      %cond3A_225 = arith.constant 0 : i32
      %cond3A_226 = arith.cmpi ne, %convert_element_type3A_224, %cond3A_225 : i32
      scf.if %cond3A_226 {
        %sub3A_343 = arith.constant 1 : i32
        %sub3A_344 = arith.subi %sub3A_343, %select_n3A_142 : i32
        %dma_wait3A_345 = arith.constant 4 : i32
        %dma_wait3A_346 = arith.constant 0 : i32
        %dma_wait3A_347 = tpu.memref_slice %arg8[%sub3A_344, %dma_wait3A_345, %dma_wait3A_346] : memref<2x5x64xi32, #tpu.memory_space<vmem>> -> memref<1x1x64xi32, #tpu.memory_space<vmem>>
        %dma_wait3A_348 = tpu.memref_squeeze %dma_wait3A_347 : memref<1x1x64xi32, #tpu.memory_space<vmem>> -> memref<64xi32, #tpu.memory_space<vmem>>
        %dma_wait3A_349 = arith.constant 0 : i32
        %dma_wait3A_350 = arith.constant 0 : i32
        %dma_wait3A_351 = tpu.memref_slice %arg14[%dma_wait3A_349, %dma_wait3A_350] : memref<10008x128xf32, #tpu.memory_space<vmem_shared>> -> memref<10008x128xf32, #tpu.memory_space<vmem_shared>>
        tpu.wait_indirect_dma semaphore(%arg24 : memref<!tpu.dma_semaphore, #tpu.memory_space<semaphore_mem>>) src(%arg13 : memref<64x128xf32, #tpu.memory_space<vmem>>) dst(%dma_wait3A_351 : memref<10008x128xf32, #tpu.memory_space<vmem_shared>>)
      } else {
      }
      %dma_start3A_227 = arith.constant 4 : i32
      %dma_start3A_228 = arith.constant 0 : i32
      %dma_start3A_229 = tpu.memref_slice %arg7[%select_n3A_142, %dma_start3A_227, %dma_start3A_228] : memref<2x5x64xi32, #tpu.memory_space<vmem>> -> memref<1x1x64xi32, #tpu.memory_space<vmem>>
      %dma_start3A_230 = tpu.memref_squeeze %dma_start3A_229 : memref<1x1x64xi32, #tpu.memory_space<vmem>> -> memref<64xi32, #tpu.memory_space<vmem>>
      %dma_start3A_231 = arith.constant 0 : i32
      %dma_start3A_232 = arith.constant 0 : i32
      %dma_start3A_233 = tpu.memref_slice %arg2[%dma_start3A_231, %dma_start3A_232] : memref<20224x128xf32, #tpu.memory_space<hbm>> -> memref<20224x128xf32, #tpu.memory_space<hbm>>
      tpu.enqueue_indirect_dma source(%dma_start3A_233 : memref<20224x128xf32, #tpu.memory_space<hbm>>) target(%arg13 : memref<64x128xf32, #tpu.memory_space<vmem>>) offsets(%dma_start3A_230 : memref<64xi32, #tpu.memory_space<vmem>>) semaphore(%arg19 : memref<!tpu.dma_semaphore, #tpu.memory_space<semaphore_mem>>)
      %add3A_234 = arith.constant 1 : i32
      %add3A_235 = arith.addi %scan3A_132, %add3A_234 : i32
      %sub3A = arith.constant 1 : i32
      %sub3A_236 = arith.subi %sub3A, %select_n3A_142 : i32
      %dma_start3A_237 = arith.constant 0 : i32
      %dma_start3A_238 = arith.constant 0 : i32
      %dma_start3A_239 = tpu.memref_slice %arg7[%sub3A_236, %dma_start3A_237, %dma_start3A_238] : memref<2x5x64xi32, #tpu.memory_space<vmem>> -> memref<1x5x64xi32, #tpu.memory_space<vmem>>
      %dma_start3A_240 = tpu.memref_squeeze %dma_start3A_239 : memref<1x5x64xi32, #tpu.memory_space<vmem>> -> memref<5x64xi32, #tpu.memory_space<vmem>>
      %dma_start3A_241 = arith.constant 0 : i32
      %dma_start3A_242 = arith.constant 0 : i32
      %dma_start3A_243 = tpu.memref_slice %arg3[%arg0, %arg1, %add3A_235, %dma_start3A_241, %dma_start3A_242] : memref<2x16x64x5x64xi32, #tpu.memory_space<hbm>> -> memref<1x1x1x5x64xi32, #tpu.memory_space<hbm>>
      %dma_start3A_244 = tpu.memref_squeeze %dma_start3A_243 : memref<1x1x1x5x64xi32, #tpu.memory_space<hbm>> -> memref<5x64xi32, #tpu.memory_space<hbm>>
      %dma_start3A_245 = arith.constant 0 : i32
      %dma_start3A_246 = arith.constant 0 : i32
      %dma_start3A_247 = tpu.memref_slice %arg7[%sub3A_236, %dma_start3A_245, %dma_start3A_246] : memref<2x5x64xi32, #tpu.memory_space<vmem>> -> memref<1x5x64xi32, #tpu.memory_space<vmem>>
      %dma_start3A_248 = tpu.memref_squeeze %dma_start3A_247 : memref<1x5x64xi32, #tpu.memory_space<vmem>> -> memref<5x64xi32, #tpu.memory_space<vmem>>
      %dma_start3A_249 = arith.constant 0 : i32
      %dma_start3A_250 = arith.constant 0 : i32
      %dma_start3A_251 = tpu.memref_slice %arg3[%arg0, %arg1, %add3A_235, %dma_start3A_249, %dma_start3A_250] : memref<2x16x64x5x64xi32, #tpu.memory_space<hbm>> -> memref<1x1x1x5x64xi32, #tpu.memory_space<hbm>>
      %dma_start3A_252 = tpu.memref_squeeze %dma_start3A_251 : memref<1x1x1x5x64xi32, #tpu.memory_space<hbm>> -> memref<5x64xi32, #tpu.memory_space<hbm>>
      tpu.enqueue_dma source(%dma_start3A_252 : memref<5x64xi32, #tpu.memory_space<hbm>>) target(%dma_start3A_248 : memref<5x64xi32, #tpu.memory_space<vmem>>) target_semaphore(%arg25 : memref<!tpu.dma_semaphore, #tpu.memory_space<semaphore_mem>>)
      %add3A_253 = arith.constant 1 : i32
      %add3A_254 = arith.addi %scan3A_132, %add3A_253 : i32
      %sub3A_255 = arith.constant 1 : i32
      %sub3A_256 = arith.subi %sub3A_255, %select_n3A_142 : i32
      %dma_start3A_257 = arith.constant 0 : i32
      %dma_start3A_258 = arith.constant 0 : i32
      %dma_start3A_259 = tpu.memref_slice %arg8[%sub3A_256, %dma_start3A_257, %dma_start3A_258] : memref<2x5x64xi32, #tpu.memory_space<vmem>> -> memref<1x5x64xi32, #tpu.memory_space<vmem>>
      %dma_start3A_260 = tpu.memref_squeeze %dma_start3A_259 : memref<1x5x64xi32, #tpu.memory_space<vmem>> -> memref<5x64xi32, #tpu.memory_space<vmem>>
      %dma_start3A_261 = arith.constant 0 : i32
      %dma_start3A_262 = arith.constant 0 : i32
      %dma_start3A_263 = tpu.memref_slice %arg4[%arg1, %add3A_254, %dma_start3A_261, %dma_start3A_262] : memref<16x64x5x64xi32, #tpu.memory_space<hbm>> -> memref<1x1x5x64xi32, #tpu.memory_space<hbm>>
      %dma_start3A_264 = tpu.memref_squeeze %dma_start3A_263 : memref<1x1x5x64xi32, #tpu.memory_space<hbm>> -> memref<5x64xi32, #tpu.memory_space<hbm>>
      %dma_start3A_265 = arith.constant 0 : i32
      %dma_start3A_266 = arith.constant 0 : i32
      %dma_start3A_267 = tpu.memref_slice %arg8[%sub3A_256, %dma_start3A_265, %dma_start3A_266] : memref<2x5x64xi32, #tpu.memory_space<vmem>> -> memref<1x5x64xi32, #tpu.memory_space<vmem>>
      %dma_start3A_268 = tpu.memref_squeeze %dma_start3A_267 : memref<1x5x64xi32, #tpu.memory_space<vmem>> -> memref<5x64xi32, #tpu.memory_space<vmem>>
      %dma_start3A_269 = arith.constant 0 : i32
      %dma_start3A_270 = arith.constant 0 : i32
      %dma_start3A_271 = tpu.memref_slice %arg4[%arg1, %add3A_254, %dma_start3A_269, %dma_start3A_270] : memref<16x64x5x64xi32, #tpu.memory_space<hbm>> -> memref<1x1x5x64xi32, #tpu.memory_space<hbm>>
      %dma_start3A_272 = tpu.memref_squeeze %dma_start3A_271 : memref<1x1x5x64xi32, #tpu.memory_space<hbm>> -> memref<5x64xi32, #tpu.memory_space<hbm>>
      tpu.enqueue_dma source(%dma_start3A_272 : memref<5x64xi32, #tpu.memory_space<hbm>>) target(%dma_start3A_268 : memref<5x64xi32, #tpu.memory_space<vmem>>) target_semaphore(%arg25 : memref<!tpu.dma_semaphore, #tpu.memory_space<semaphore_mem>>)
      %dma_wait3A_273 = arith.constant 0 : i32
      %dma_wait3A_274 = arith.constant 0 : i32
      %dma_wait3A_275 = tpu.memref_slice %arg7[%select_n3A_142, %dma_wait3A_273, %dma_wait3A_274] : memref<2x5x64xi32, #tpu.memory_space<vmem>> -> memref<1x1x64xi32, #tpu.memory_space<vmem>>
      %dma_wait3A_276 = tpu.memref_squeeze %dma_wait3A_275 : memref<1x1x64xi32, #tpu.memory_space<vmem>> -> memref<64xi32, #tpu.memory_space<vmem>>
      %dma_wait3A_277 = arith.constant 0 : i32
      %dma_wait3A_278 = arith.constant 0 : i32
      %dma_wait3A_279 = tpu.memref_slice %arg2[%dma_wait3A_277, %dma_wait3A_278] : memref<20224x128xf32, #tpu.memory_space<hbm>> -> memref<20224x128xf32, #tpu.memory_space<hbm>>
      tpu.wait_indirect_dma semaphore(%arg15 : memref<!tpu.dma_semaphore, #tpu.memory_space<semaphore_mem>>) src(%dma_wait3A_279 : memref<20224x128xf32, #tpu.memory_space<hbm>>) dst(%arg9 : memref<64x128xf32, #tpu.memory_space<vmem>>)
      %dma_start3A_280 = arith.constant 0 : i32
      %dma_start3A_281 = arith.constant 0 : i32
      %dma_start3A_282 = tpu.memref_slice %arg8[%select_n3A_142, %dma_start3A_280, %dma_start3A_281] : memref<2x5x64xi32, #tpu.memory_space<vmem>> -> memref<1x1x64xi32, #tpu.memory_space<vmem>>
      %dma_start3A_283 = tpu.memref_squeeze %dma_start3A_282 : memref<1x1x64xi32, #tpu.memory_space<vmem>> -> memref<64xi32, #tpu.memory_space<vmem>>
      %dma_start3A_284 = arith.constant 0 : i32
      %dma_start3A_285 = arith.constant 0 : i32
      %dma_start3A_286 = tpu.memref_slice %arg14[%dma_start3A_284, %dma_start3A_285] : memref<10008x128xf32, #tpu.memory_space<vmem_shared>> -> memref<10008x128xf32, #tpu.memory_space<vmem_shared>>
      tpu.enqueue_indirect_dma source(%arg9 : memref<64x128xf32, #tpu.memory_space<vmem>>) target(%dma_start3A_286 : memref<10008x128xf32, #tpu.memory_space<vmem_shared>>) offsets(%dma_start3A_283 : memref<64xi32, #tpu.memory_space<vmem>>) semaphore(%arg20 : memref<!tpu.dma_semaphore, #tpu.memory_space<semaphore_mem>>) {add = true}
      %dma_wait3A_287 = arith.constant 1 : i32
      %dma_wait3A_288 = arith.constant 0 : i32
      %dma_wait3A_289 = tpu.memref_slice %arg7[%select_n3A_142, %dma_wait3A_287, %dma_wait3A_288] : memref<2x5x64xi32, #tpu.memory_space<vmem>> -> memref<1x1x64xi32, #tpu.memory_space<vmem>>
      %dma_wait3A_290 = tpu.memref_squeeze %dma_wait3A_289 : memref<1x1x64xi32, #tpu.memory_space<vmem>> -> memref<64xi32, #tpu.memory_space<vmem>>
      %dma_wait3A_291 = arith.constant 0 : i32
      %dma_wait3A_292 = arith.constant 0 : i32
      %dma_wait3A_293 = tpu.memref_slice %arg2[%dma_wait3A_291, %dma_wait3A_292] : memref<20224x128xf32, #tpu.memory_space<hbm>> -> memref<20224x128xf32, #tpu.memory_space<hbm>>
      tpu.wait_indirect_dma semaphore(%arg16 : memref<!tpu.dma_semaphore, #tpu.memory_space<semaphore_mem>>) src(%dma_wait3A_293 : memref<20224x128xf32, #tpu.memory_space<hbm>>) dst(%arg10 : memref<64x128xf32, #tpu.memory_space<vmem>>)
      %dma_start3A_294 = arith.constant 1 : i32
      %dma_start3A_295 = arith.constant 0 : i32
      %dma_start3A_296 = tpu.memref_slice %arg8[%select_n3A_142, %dma_start3A_294, %dma_start3A_295] : memref<2x5x64xi32, #tpu.memory_space<vmem>> -> memref<1x1x64xi32, #tpu.memory_space<vmem>>
      %dma_start3A_297 = tpu.memref_squeeze %dma_start3A_296 : memref<1x1x64xi32, #tpu.memory_space<vmem>> -> memref<64xi32, #tpu.memory_space<vmem>>
      %dma_start3A_298 = arith.constant 0 : i32
      %dma_start3A_299 = arith.constant 0 : i32
      %dma_start3A_300 = tpu.memref_slice %arg14[%dma_start3A_298, %dma_start3A_299] : memref<10008x128xf32, #tpu.memory_space<vmem_shared>> -> memref<10008x128xf32, #tpu.memory_space<vmem_shared>>
      tpu.enqueue_indirect_dma source(%arg10 : memref<64x128xf32, #tpu.memory_space<vmem>>) target(%dma_start3A_300 : memref<10008x128xf32, #tpu.memory_space<vmem_shared>>) offsets(%dma_start3A_297 : memref<64xi32, #tpu.memory_space<vmem>>) semaphore(%arg21 : memref<!tpu.dma_semaphore, #tpu.memory_space<semaphore_mem>>) {add = true}
      %dma_wait3A_301 = arith.constant 2 : i32
      %dma_wait3A_302 = arith.constant 0 : i32
      %dma_wait3A_303 = tpu.memref_slice %arg7[%select_n3A_142, %dma_wait3A_301, %dma_wait3A_302] : memref<2x5x64xi32, #tpu.memory_space<vmem>> -> memref<1x1x64xi32, #tpu.memory_space<vmem>>
      %dma_wait3A_304 = tpu.memref_squeeze %dma_wait3A_303 : memref<1x1x64xi32, #tpu.memory_space<vmem>> -> memref<64xi32, #tpu.memory_space<vmem>>
      %dma_wait3A_305 = arith.constant 0 : i32
      %dma_wait3A_306 = arith.constant 0 : i32
      %dma_wait3A_307 = tpu.memref_slice %arg2[%dma_wait3A_305, %dma_wait3A_306] : memref<20224x128xf32, #tpu.memory_space<hbm>> -> memref<20224x128xf32, #tpu.memory_space<hbm>>
      tpu.wait_indirect_dma semaphore(%arg17 : memref<!tpu.dma_semaphore, #tpu.memory_space<semaphore_mem>>) src(%dma_wait3A_307 : memref<20224x128xf32, #tpu.memory_space<hbm>>) dst(%arg11 : memref<64x128xf32, #tpu.memory_space<vmem>>)
      %dma_start3A_308 = arith.constant 2 : i32
      %dma_start3A_309 = arith.constant 0 : i32
      %dma_start3A_310 = tpu.memref_slice %arg8[%select_n3A_142, %dma_start3A_308, %dma_start3A_309] : memref<2x5x64xi32, #tpu.memory_space<vmem>> -> memref<1x1x64xi32, #tpu.memory_space<vmem>>
      %dma_start3A_311 = tpu.memref_squeeze %dma_start3A_310 : memref<1x1x64xi32, #tpu.memory_space<vmem>> -> memref<64xi32, #tpu.memory_space<vmem>>
      %dma_start3A_312 = arith.constant 0 : i32
      %dma_start3A_313 = arith.constant 0 : i32
      %dma_start3A_314 = tpu.memref_slice %arg14[%dma_start3A_312, %dma_start3A_313] : memref<10008x128xf32, #tpu.memory_space<vmem_shared>> -> memref<10008x128xf32, #tpu.memory_space<vmem_shared>>
      tpu.enqueue_indirect_dma source(%arg11 : memref<64x128xf32, #tpu.memory_space<vmem>>) target(%dma_start3A_314 : memref<10008x128xf32, #tpu.memory_space<vmem_shared>>) offsets(%dma_start3A_311 : memref<64xi32, #tpu.memory_space<vmem>>) semaphore(%arg22 : memref<!tpu.dma_semaphore, #tpu.memory_space<semaphore_mem>>) {add = true}
      %dma_wait3A_315 = arith.constant 3 : i32
      %dma_wait3A_316 = arith.constant 0 : i32
      %dma_wait3A_317 = tpu.memref_slice %arg7[%select_n3A_142, %dma_wait3A_315, %dma_wait3A_316] : memref<2x5x64xi32, #tpu.memory_space<vmem>> -> memref<1x1x64xi32, #tpu.memory_space<vmem>>
      %dma_wait3A_318 = tpu.memref_squeeze %dma_wait3A_317 : memref<1x1x64xi32, #tpu.memory_space<vmem>> -> memref<64xi32, #tpu.memory_space<vmem>>
      %dma_wait3A_319 = arith.constant 0 : i32
      %dma_wait3A_320 = arith.constant 0 : i32
      %dma_wait3A_321 = tpu.memref_slice %arg2[%dma_wait3A_319, %dma_wait3A_320] : memref<20224x128xf32, #tpu.memory_space<hbm>> -> memref<20224x128xf32, #tpu.memory_space<hbm>>
      tpu.wait_indirect_dma semaphore(%arg18 : memref<!tpu.dma_semaphore, #tpu.memory_space<semaphore_mem>>) src(%dma_wait3A_321 : memref<20224x128xf32, #tpu.memory_space<hbm>>) dst(%arg12 : memref<64x128xf32, #tpu.memory_space<vmem>>)
      %dma_start3A_322 = arith.constant 3 : i32
      %dma_start3A_323 = arith.constant 0 : i32
      %dma_start3A_324 = tpu.memref_slice %arg8[%select_n3A_142, %dma_start3A_322, %dma_start3A_323] : memref<2x5x64xi32, #tpu.memory_space<vmem>> -> memref<1x1x64xi32, #tpu.memory_space<vmem>>
      %dma_start3A_325 = tpu.memref_squeeze %dma_start3A_324 : memref<1x1x64xi32, #tpu.memory_space<vmem>> -> memref<64xi32, #tpu.memory_space<vmem>>
      %dma_start3A_326 = arith.constant 0 : i32
      %dma_start3A_327 = arith.constant 0 : i32
      %dma_start3A_328 = tpu.memref_slice %arg14[%dma_start3A_326, %dma_start3A_327] : memref<10008x128xf32, #tpu.memory_space<vmem_shared>> -> memref<10008x128xf32, #tpu.memory_space<vmem_shared>>
      tpu.enqueue_indirect_dma source(%arg12 : memref<64x128xf32, #tpu.memory_space<vmem>>) target(%dma_start3A_328 : memref<10008x128xf32, #tpu.memory_space<vmem_shared>>) offsets(%dma_start3A_325 : memref<64xi32, #tpu.memory_space<vmem>>) semaphore(%arg23 : memref<!tpu.dma_semaphore, #tpu.memory_space<semaphore_mem>>) {add = true}
      %dma_wait3A_329 = arith.constant 4 : i32
      %dma_wait3A_330 = arith.constant 0 : i32
      %dma_wait3A_331 = tpu.memref_slice %arg7[%select_n3A_142, %dma_wait3A_329, %dma_wait3A_330] : memref<2x5x64xi32, #tpu.memory_space<vmem>> -> memref<1x1x64xi32, #tpu.memory_space<vmem>>
      %dma_wait3A_332 = tpu.memref_squeeze %dma_wait3A_331 : memref<1x1x64xi32, #tpu.memory_space<vmem>> -> memref<64xi32, #tpu.memory_space<vmem>>
      %dma_wait3A_333 = arith.constant 0 : i32
      %dma_wait3A_334 = arith.constant 0 : i32
      %dma_wait3A_335 = tpu.memref_slice %arg2[%dma_wait3A_333, %dma_wait3A_334] : memref<20224x128xf32, #tpu.memory_space<hbm>> -> memref<20224x128xf32, #tpu.memory_space<hbm>>
      tpu.wait_indirect_dma semaphore(%arg19 : memref<!tpu.dma_semaphore, #tpu.memory_space<semaphore_mem>>) src(%dma_wait3A_335 : memref<20224x128xf32, #tpu.memory_space<hbm>>) dst(%arg13 : memref<64x128xf32, #tpu.memory_space<vmem>>)
      %dma_start3A_336 = arith.constant 4 : i32
      %dma_start3A_337 = arith.constant 0 : i32
      %dma_start3A_338 = tpu.memref_slice %arg8[%select_n3A_142, %dma_start3A_336, %dma_start3A_337] : memref<2x5x64xi32, #tpu.memory_space<vmem>> -> memref<1x1x64xi32, #tpu.memory_space<vmem>>
      %dma_start3A_339 = tpu.memref_squeeze %dma_start3A_338 : memref<1x1x64xi32, #tpu.memory_space<vmem>> -> memref<64xi32, #tpu.memory_space<vmem>>
      %dma_start3A_340 = arith.constant 0 : i32
      %dma_start3A_341 = arith.constant 0 : i32
      %dma_start3A_342 = tpu.memref_slice %arg14[%dma_start3A_340, %dma_start3A_341] : memref<10008x128xf32, #tpu.memory_space<vmem_shared>> -> memref<10008x128xf32, #tpu.memory_space<vmem_shared>>
      tpu.enqueue_indirect_dma source(%arg13 : memref<64x128xf32, #tpu.memory_space<vmem>>) target(%dma_start3A_342 : memref<10008x128xf32, #tpu.memory_space<vmem_shared>>) offsets(%dma_start3A_339 : memref<64xi32, #tpu.memory_space<vmem>>) semaphore(%arg24 : memref<!tpu.dma_semaphore, #tpu.memory_space<semaphore_mem>>) {add = true}
    }
    %scan3A_45 = arith.constant 63 : i32
    %dma_wait3A = arith.constant 63 : i32
    %dma_wait3A_46 = arith.constant 1 : i32
    %dma_wait3A_47 = arith.constant 0 : i32
    %dma_wait3A_48 = arith.constant 0 : i32
    %dma_wait3A_49 = tpu.memref_slice %arg7[%dma_wait3A_46, %dma_wait3A_47, %dma_wait3A_48] : memref<2x5x64xi32, #tpu.memory_space<vmem>> -> memref<1x5x64xi32, #tpu.memory_space<vmem>>
    %dma_wait3A_50 = tpu.memref_squeeze %dma_wait3A_49 : memref<1x5x64xi32, #tpu.memory_space<vmem>> -> memref<5x64xi32, #tpu.memory_space<vmem>>
    %dma_wait3A_51 = arith.constant 0 : i32
    %dma_wait3A_52 = arith.constant 0 : i32
    %dma_wait3A_53 = tpu.memref_slice %arg3[%arg0, %arg1, %dma_wait3A, %dma_wait3A_51, %dma_wait3A_52] : memref<2x16x64x5x64xi32, #tpu.memory_space<hbm>> -> memref<1x1x1x5x64xi32, #tpu.memory_space<hbm>>
    %dma_wait3A_54 = tpu.memref_squeeze %dma_wait3A_53 : memref<1x1x1x5x64xi32, #tpu.memory_space<hbm>> -> memref<5x64xi32, #tpu.memory_space<hbm>>
    %dma_wait3A_55 = arith.constant 0 : i32
    %dma_wait3A_56 = arith.constant 0 : i32
    %dma_wait3A_57 = tpu.memref_slice %arg7[%dma_wait3A_46, %dma_wait3A_55, %dma_wait3A_56] : memref<2x5x64xi32, #tpu.memory_space<vmem>> -> memref<1x5x64xi32, #tpu.memory_space<vmem>>
    %dma_wait3A_58 = tpu.memref_squeeze %dma_wait3A_57 : memref<1x5x64xi32, #tpu.memory_space<vmem>> -> memref<5x64xi32, #tpu.memory_space<vmem>>
    %dma_wait3A_59 = arith.constant 0 : i32
    %dma_wait3A_60 = arith.constant 0 : i32
    %dma_wait3A_61 = tpu.memref_slice %arg3[%arg0, %arg1, %dma_wait3A, %dma_wait3A_59, %dma_wait3A_60] : memref<2x16x64x5x64xi32, #tpu.memory_space<hbm>> -> memref<1x1x1x5x64xi32, #tpu.memory_space<hbm>>
    %dma_wait3A_62 = tpu.memref_squeeze %dma_wait3A_61 : memref<1x1x1x5x64xi32, #tpu.memory_space<hbm>> -> memref<5x64xi32, #tpu.memory_space<hbm>>
    tpu.wait_dma2 semaphore(%arg25 : memref<!tpu.dma_semaphore, #tpu.memory_space<semaphore_mem>>) src(%dma_wait3A_62 : memref<5x64xi32, #tpu.memory_space<hbm>>) dst(%dma_wait3A_58 : memref<5x64xi32, #tpu.memory_space<vmem>>)
    %dma_wait3A_63 = arith.constant 63 : i32
    %dma_wait3A_64 = arith.constant 1 : i32
    %dma_wait3A_65 = arith.constant 0 : i32
    %dma_wait3A_66 = arith.constant 0 : i32
    %dma_wait3A_67 = tpu.memref_slice %arg8[%dma_wait3A_64, %dma_wait3A_65, %dma_wait3A_66] : memref<2x5x64xi32, #tpu.memory_space<vmem>> -> memref<1x5x64xi32, #tpu.memory_space<vmem>>
    %dma_wait3A_68 = tpu.memref_squeeze %dma_wait3A_67 : memref<1x5x64xi32, #tpu.memory_space<vmem>> -> memref<5x64xi32, #tpu.memory_space<vmem>>
    %dma_wait3A_69 = arith.constant 0 : i32
    %dma_wait3A_70 = arith.constant 0 : i32
    %dma_wait3A_71 = tpu.memref_slice %arg4[%arg1, %dma_wait3A_63, %dma_wait3A_69, %dma_wait3A_70] : memref<16x64x5x64xi32, #tpu.memory_space<hbm>> -> memref<1x1x5x64xi32, #tpu.memory_space<hbm>>
    %dma_wait3A_72 = tpu.memref_squeeze %dma_wait3A_71 : memref<1x1x5x64xi32, #tpu.memory_space<hbm>> -> memref<5x64xi32, #tpu.memory_space<hbm>>
    %dma_wait3A_73 = arith.constant 0 : i32
    %dma_wait3A_74 = arith.constant 0 : i32
    %dma_wait3A_75 = tpu.memref_slice %arg8[%dma_wait3A_64, %dma_wait3A_73, %dma_wait3A_74] : memref<2x5x64xi32, #tpu.memory_space<vmem>> -> memref<1x5x64xi32, #tpu.memory_space<vmem>>
    %dma_wait3A_76 = tpu.memref_squeeze %dma_wait3A_75 : memref<1x5x64xi32, #tpu.memory_space<vmem>> -> memref<5x64xi32, #tpu.memory_space<vmem>>
    %dma_wait3A_77 = arith.constant 0 : i32
    %dma_wait3A_78 = arith.constant 0 : i32
    %dma_wait3A_79 = tpu.memref_slice %arg4[%arg1, %dma_wait3A_63, %dma_wait3A_77, %dma_wait3A_78] : memref<16x64x5x64xi32, #tpu.memory_space<hbm>> -> memref<1x1x5x64xi32, #tpu.memory_space<hbm>>
    %dma_wait3A_80 = tpu.memref_squeeze %dma_wait3A_79 : memref<1x1x5x64xi32, #tpu.memory_space<hbm>> -> memref<5x64xi32, #tpu.memory_space<hbm>>
    tpu.wait_dma2 semaphore(%arg25 : memref<!tpu.dma_semaphore, #tpu.memory_space<semaphore_mem>>) src(%dma_wait3A_80 : memref<5x64xi32, #tpu.memory_space<hbm>>) dst(%dma_wait3A_76 : memref<5x64xi32, #tpu.memory_space<vmem>>)
    %dma_wait3A_81 = arith.constant 0 : i32
    %dma_wait3A_82 = arith.constant 0 : i32
    %dma_wait3A_83 = arith.constant 0 : i32
    %dma_wait3A_84 = tpu.memref_slice %arg8[%dma_wait3A_81, %dma_wait3A_82, %dma_wait3A_83] : memref<2x5x64xi32, #tpu.memory_space<vmem>> -> memref<1x1x64xi32, #tpu.memory_space<vmem>>
    %dma_wait3A_85 = tpu.memref_squeeze %dma_wait3A_84 : memref<1x1x64xi32, #tpu.memory_space<vmem>> -> memref<64xi32, #tpu.memory_space<vmem>>
    %dma_wait3A_86 = arith.constant 0 : i32
    %dma_wait3A_87 = arith.constant 0 : i32
    %dma_wait3A_88 = tpu.memref_slice %arg14[%dma_wait3A_86, %dma_wait3A_87] : memref<10008x128xf32, #tpu.memory_space<vmem_shared>> -> memref<10008x128xf32, #tpu.memory_space<vmem_shared>>
    tpu.wait_indirect_dma semaphore(%arg20 : memref<!tpu.dma_semaphore, #tpu.memory_space<semaphore_mem>>) src(%arg9 : memref<64x128xf32, #tpu.memory_space<vmem>>) dst(%dma_wait3A_88 : memref<10008x128xf32, #tpu.memory_space<vmem_shared>>)
    %dma_wait3A_89 = arith.constant 0 : i32
    %dma_wait3A_90 = arith.constant 1 : i32
    %dma_wait3A_91 = arith.constant 0 : i32
    %dma_wait3A_92 = tpu.memref_slice %arg8[%dma_wait3A_89, %dma_wait3A_90, %dma_wait3A_91] : memref<2x5x64xi32, #tpu.memory_space<vmem>> -> memref<1x1x64xi32, #tpu.memory_space<vmem>>
    %dma_wait3A_93 = tpu.memref_squeeze %dma_wait3A_92 : memref<1x1x64xi32, #tpu.memory_space<vmem>> -> memref<64xi32, #tpu.memory_space<vmem>>
    %dma_wait3A_94 = arith.constant 0 : i32
    %dma_wait3A_95 = arith.constant 0 : i32
    %dma_wait3A_96 = tpu.memref_slice %arg14[%dma_wait3A_94, %dma_wait3A_95] : memref<10008x128xf32, #tpu.memory_space<vmem_shared>> -> memref<10008x128xf32, #tpu.memory_space<vmem_shared>>
    tpu.wait_indirect_dma semaphore(%arg21 : memref<!tpu.dma_semaphore, #tpu.memory_space<semaphore_mem>>) src(%arg10 : memref<64x128xf32, #tpu.memory_space<vmem>>) dst(%dma_wait3A_96 : memref<10008x128xf32, #tpu.memory_space<vmem_shared>>)
    %dma_wait3A_97 = arith.constant 0 : i32
    %dma_wait3A_98 = arith.constant 2 : i32
    %dma_wait3A_99 = arith.constant 0 : i32
    %dma_wait3A_100 = tpu.memref_slice %arg8[%dma_wait3A_97, %dma_wait3A_98, %dma_wait3A_99] : memref<2x5x64xi32, #tpu.memory_space<vmem>> -> memref<1x1x64xi32, #tpu.memory_space<vmem>>
    %dma_wait3A_101 = tpu.memref_squeeze %dma_wait3A_100 : memref<1x1x64xi32, #tpu.memory_space<vmem>> -> memref<64xi32, #tpu.memory_space<vmem>>
    %dma_wait3A_102 = arith.constant 0 : i32
    %dma_wait3A_103 = arith.constant 0 : i32
    %dma_wait3A_104 = tpu.memref_slice %arg14[%dma_wait3A_102, %dma_wait3A_103] : memref<10008x128xf32, #tpu.memory_space<vmem_shared>> -> memref<10008x128xf32, #tpu.memory_space<vmem_shared>>
    tpu.wait_indirect_dma semaphore(%arg22 : memref<!tpu.dma_semaphore, #tpu.memory_space<semaphore_mem>>) src(%arg11 : memref<64x128xf32, #tpu.memory_space<vmem>>) dst(%dma_wait3A_104 : memref<10008x128xf32, #tpu.memory_space<vmem_shared>>)
    %dma_wait3A_105 = arith.constant 0 : i32
    %dma_wait3A_106 = arith.constant 3 : i32
    %dma_wait3A_107 = arith.constant 0 : i32
    %dma_wait3A_108 = tpu.memref_slice %arg8[%dma_wait3A_105, %dma_wait3A_106, %dma_wait3A_107] : memref<2x5x64xi32, #tpu.memory_space<vmem>> -> memref<1x1x64xi32, #tpu.memory_space<vmem>>
    %dma_wait3A_109 = tpu.memref_squeeze %dma_wait3A_108 : memref<1x1x64xi32, #tpu.memory_space<vmem>> -> memref<64xi32, #tpu.memory_space<vmem>>
    %dma_wait3A_110 = arith.constant 0 : i32
    %dma_wait3A_111 = arith.constant 0 : i32
    %dma_wait3A_112 = tpu.memref_slice %arg14[%dma_wait3A_110, %dma_wait3A_111] : memref<10008x128xf32, #tpu.memory_space<vmem_shared>> -> memref<10008x128xf32, #tpu.memory_space<vmem_shared>>
    tpu.wait_indirect_dma semaphore(%arg23 : memref<!tpu.dma_semaphore, #tpu.memory_space<semaphore_mem>>) src(%arg12 : memref<64x128xf32, #tpu.memory_space<vmem>>) dst(%dma_wait3A_112 : memref<10008x128xf32, #tpu.memory_space<vmem_shared>>)
    %dma_wait3A_113 = arith.constant 0 : i32
    %dma_wait3A_114 = arith.constant 4 : i32
    %dma_wait3A_115 = arith.constant 0 : i32
    %dma_wait3A_116 = tpu.memref_slice %arg8[%dma_wait3A_113, %dma_wait3A_114, %dma_wait3A_115] : memref<2x5x64xi32, #tpu.memory_space<vmem>> -> memref<1x1x64xi32, #tpu.memory_space<vmem>>
    %dma_wait3A_117 = tpu.memref_squeeze %dma_wait3A_116 : memref<1x1x64xi32, #tpu.memory_space<vmem>> -> memref<64xi32, #tpu.memory_space<vmem>>
    %dma_wait3A_118 = arith.constant 0 : i32
    %dma_wait3A_119 = arith.constant 0 : i32
    %dma_wait3A_120 = tpu.memref_slice %arg14[%dma_wait3A_118, %dma_wait3A_119] : memref<10008x128xf32, #tpu.memory_space<vmem_shared>> -> memref<10008x128xf32, #tpu.memory_space<vmem_shared>>
    tpu.wait_indirect_dma semaphore(%arg24 : memref<!tpu.dma_semaphore, #tpu.memory_space<semaphore_mem>>) src(%arg13 : memref<64x128xf32, #tpu.memory_space<vmem>>) dst(%dma_wait3A_120 : memref<10008x128xf32, #tpu.memory_space<vmem_shared>>)
    %barrier3A_121 = arith.constant 0 : index
    tpu.barrier barrier_id(%barrier3A_121)
    %lt3A_122 = arith.constant 15 : i32
    %lt3A_123 = arith.cmpi slt, %arg1, %lt3A_122 : i32
    %convert_element_type3A_124 = arith.extui %lt3A_123 : i1 to i32
    %cond3A_125 = arith.constant 0 : i32
    %cond3A_126 = arith.cmpi ne, %convert_element_type3A_124, %cond3A_125 : i32
    scf.if %cond3A_126 {
      %mul3A = arith.constant 624 : i32
      %mul3A_132 = arith.muli %arg1, %mul3A : i32
      %mul3A_133 = arith.constant 624 : i32
      %mul3A_134 = arith.muli %arg1, %mul3A_133 : i32
      "tpu.region"() ({
        %run_scoped3A = tpu.sem_alloc : memref<!tpu.dma_semaphore, #tpu.memory_space<semaphore_mem>>
        %dma_start3A_135 = arith.constant 0 : i32
        %dma_start3A_136 = tpu.memref_slice %arg6[%arg0, %mul3A_134, %dma_start3A_135] : memref<2x10112x128xf32, #tpu.memory_space<hbm>> -> memref<1x624x128xf32, #tpu.memory_space<hbm>>
        %dma_start3A_137 = tpu.memref_squeeze %dma_start3A_136 : memref<1x624x128xf32, #tpu.memory_space<hbm>> -> memref<624x128xf32, #tpu.memory_space<hbm>>
        %dma_start3A_138 = arith.constant 0 : i32
        %dma_start3A_139 = tpu.memref_slice %arg14[%mul3A_132, %dma_start3A_138] : memref<10008x128xf32, #tpu.memory_space<vmem_shared>> -> memref<624x128xf32, #tpu.memory_space<vmem_shared>>
        tpu.enqueue_dma source(%dma_start3A_139 : memref<624x128xf32, #tpu.memory_space<vmem_shared>>) target(%dma_start3A_137 : memref<624x128xf32, #tpu.memory_space<hbm>>) target_semaphore(%run_scoped3A : memref<!tpu.dma_semaphore, #tpu.memory_space<semaphore_mem>>)
        %dma_wait3A_140 = arith.constant 0 : i32
        %dma_wait3A_141 = tpu.memref_slice %arg6[%arg0, %mul3A_134, %dma_wait3A_140] : memref<2x10112x128xf32, #tpu.memory_space<hbm>> -> memref<1x624x128xf32, #tpu.memory_space<hbm>>
        %dma_wait3A_142 = tpu.memref_squeeze %dma_wait3A_141 : memref<1x624x128xf32, #tpu.memory_space<hbm>> -> memref<624x128xf32, #tpu.memory_space<hbm>>
        %dma_wait3A_143 = arith.constant 0 : i32
        %dma_wait3A_144 = tpu.memref_slice %arg14[%mul3A_132, %dma_wait3A_143] : memref<10008x128xf32, #tpu.memory_space<vmem_shared>> -> memref<624x128xf32, #tpu.memory_space<vmem_shared>>
        tpu.wait_dma2 semaphore(%run_scoped3A : memref<!tpu.dma_semaphore, #tpu.memory_space<semaphore_mem>>) src(%dma_wait3A_144 : memref<624x128xf32, #tpu.memory_space<vmem_shared>>) dst(%dma_wait3A_142 : memref<624x128xf32, #tpu.memory_space<hbm>>)
        tpu.yield
      }) : () -> ()
    } else {
    }
    %eq3A_127 = arith.constant 15 : i32
    %eq3A_128 = arith.cmpi eq, %arg1, %eq3A_127 : i32
    %convert_element_type3A_129 = arith.extui %eq3A_128 : i1 to i32
    %cond3A_130 = arith.constant 0 : i32
    %cond3A_131 = arith.cmpi ne, %convert_element_type3A_129, %cond3A_130 : i32
    scf.if %cond3A_131 {
      "tpu.region"() ({
        %run_scoped3A = tpu.sem_alloc : memref<!tpu.dma_semaphore, #tpu.memory_space<semaphore_mem>>
        %dma_start3A_132 = arith.constant 9360 : i32
        %dma_start3A_133 = arith.constant 0 : i32
        %dma_start3A_134 = tpu.memref_slice %arg6[%arg0, %dma_start3A_132, %dma_start3A_133] : memref<2x10112x128xf32, #tpu.memory_space<hbm>> -> memref<1x640x128xf32, #tpu.memory_space<hbm>>
        %dma_start3A_135 = tpu.memref_squeeze %dma_start3A_134 : memref<1x640x128xf32, #tpu.memory_space<hbm>> -> memref<640x128xf32, #tpu.memory_space<hbm>>
        %dma_start3A_136 = arith.constant 9360 : i32
        %dma_start3A_137 = arith.constant 0 : i32
        %dma_start3A_138 = tpu.memref_slice %arg14[%dma_start3A_136, %dma_start3A_137] : memref<10008x128xf32, #tpu.memory_space<vmem_shared>> -> memref<640x128xf32, #tpu.memory_space<vmem_shared>>
        tpu.enqueue_dma source(%dma_start3A_138 : memref<640x128xf32, #tpu.memory_space<vmem_shared>>) target(%dma_start3A_135 : memref<640x128xf32, #tpu.memory_space<hbm>>) target_semaphore(%run_scoped3A : memref<!tpu.dma_semaphore, #tpu.memory_space<semaphore_mem>>)
        %dma_wait3A_139 = arith.constant 9360 : i32
        %dma_wait3A_140 = arith.constant 0 : i32
        %dma_wait3A_141 = tpu.memref_slice %arg6[%arg0, %dma_wait3A_139, %dma_wait3A_140] : memref<2x10112x128xf32, #tpu.memory_space<hbm>> -> memref<1x640x128xf32, #tpu.memory_space<hbm>>
        %dma_wait3A_142 = tpu.memref_squeeze %dma_wait3A_141 : memref<1x640x128xf32, #tpu.memory_space<hbm>> -> memref<640x128xf32, #tpu.memory_space<hbm>>
        %dma_wait3A_143 = arith.constant 9360 : i32
        %dma_wait3A_144 = arith.constant 0 : i32
        %dma_wait3A_145 = tpu.memref_slice %arg14[%dma_wait3A_143, %dma_wait3A_144] : memref<10008x128xf32, #tpu.memory_space<vmem_shared>> -> memref<640x128xf32, #tpu.memory_space<vmem_shared>>
        tpu.wait_dma2 semaphore(%run_scoped3A : memref<!tpu.dma_semaphore, #tpu.memory_space<semaphore_mem>>) src(%dma_wait3A_145 : memref<640x128xf32, #tpu.memory_space<vmem_shared>>) dst(%dma_wait3A_142 : memref<640x128xf32, #tpu.memory_space<hbm>>)
        tpu.yield
      }) : () -> ()
    } else {
    }
    return
  }
}

#map = affine_map<(d0, d1) -> (0, 0)>
#map1 = affine_map<(d0, d1) -> (0, 0, 0, 0, 0)>
#map2 = affine_map<(d0, d1) -> (0, 0, 0, 0)>
#map3 = affine_map<(d0, d1) -> (0, 0, 0)>
module attributes {stable_mosaic.version = 14 : i64} {
  func.func @body(%arg0: i32, %arg1: i32, %arg2: memref<20224x128xf32, #tpu.memory_space<hbm>>, %arg3: memref<2x16x64x5x64xi32, #tpu.memory_space<hbm>>, %arg4: memref<16x64x5x64xi32, #tpu.memory_space<hbm>>, %arg5: memref<640x128xf32, #tpu.memory_space<hbm>>, %arg6: memref<2x10112x128xf32, #tpu.memory_space<hbm>>, %arg7: memref<2x5x64xi32, #tpu.memory_space<vmem>>, %arg8: memref<2x5x64xi32, #tpu.memory_space<vmem>>, %arg9: memref<64x128xf32, #tpu.memory_space<vmem>>, %arg10: memref<64x128xf32, #tpu.memory_space<vmem>>, %arg11: memref<64x128xf32, #tpu.memory_space<vmem>>, %arg12: memref<64x128xf32, #tpu.memory_space<vmem>>, %arg13: memref<64x128xf32, #tpu.memory_space<vmem>>, %arg14: memref<10008x128xf32, #tpu.memory_space<vmem_shared>>, %arg15: memref<!tpu.dma_semaphore, #tpu.memory_space<semaphore_mem>>, %arg16: memref<!tpu.dma_semaphore, #tpu.memory_space<semaphore_mem>>, %arg17: memref<!tpu.dma_semaphore, #tpu.memory_space<semaphore_mem>>, %arg18: memref<!tpu.dma_semaphore, #tpu.memory_space<semaphore_mem>>, %arg19: memref<!tpu.dma_semaphore, #tpu.memory_space<semaphore_mem>>, %arg20: memref<!tpu.dma_semaphore, #tpu.memory_space<semaphore_mem>>, %arg21: memref<!tpu.dma_semaphore, #tpu.memory_space<semaphore_mem>>, %arg22: memref<!tpu.dma_semaphore, #tpu.memory_space<semaphore_mem>>, %arg23: memref<!tpu.dma_semaphore, #tpu.memory_space<semaphore_mem>>, %arg24: memref<!tpu.dma_semaphore, #tpu.memory_space<semaphore_mem>>, %arg25: memref<!tpu.dma_semaphore, #tpu.memory_space<semaphore_mem>>) attributes {dimension_semantics = [#tpu.dimension_semantics<core_parallel>, #tpu.dimension_semantics<subcore_parallel>], iteration_bounds = array<i64: 2, 16>, scalar_prefetch = 0 : i64, scratch_operands = 19 : i64, tpu.core_type = #tpu.core_type<sc_vector_subcore>, window_params = [{transform_indices = #map}, {transform_indices = #map1}, {transform_indices = #map2}, {transform_indices = #map}, {transform_indices = #map3}]} {
    %lt3A = arith.constant 15 : i32
    %lt3A_0 = arith.cmpi slt, %arg1, %lt3A : i32
    %convert_element_type3A = arith.extui %lt3A_0 : i1 to i32
    %cond3A = arith.constant 0 : i32
    %cond3A_1 = arith.cmpi ne, %convert_element_type3A, %cond3A : i32
    scf.if %cond3A_1 {
      %mul3A = arith.constant 624 : i32
      %mul3A_132 = arith.muli %arg1, %mul3A : i32
      "tpu.region"() ({
        %run_scoped3A = tpu.sem_alloc : memref<!tpu.dma_semaphore, #tpu.memory_space<semaphore_mem>>
        %dma_start3A_133 = arith.constant 0 : i32
        %dma_start3A_134 = tpu.memref_slice %arg14[%mul3A_132, %dma_start3A_133] : memref<10008x128xf32, #tpu.memory_space<vmem_shared>> -> memref<624x128xf32, #tpu.memory_space<vmem_shared>>
        %dma_start3A_135 = arith.constant 0 : i32
        %dma_start3A_136 = arith.constant 0 : i32
        %dma_start3A_137 = tpu.memref_slice %arg5[%dma_start3A_135, %dma_start3A_136] : memref<640x128xf32, #tpu.memory_space<hbm>> -> memref<624x128xf32, #tpu.memory_space<hbm>>
        tpu.enqueue_dma source(%dma_start3A_137 : memref<624x128xf32, #tpu.memory_space<hbm>>) target(%dma_start3A_134 : memref<624x128xf32, #tpu.memory_space<vmem_shared>>) target_semaphore(%run_scoped3A : memref<!tpu.dma_semaphore, #tpu.memory_space<semaphore_mem>>)
        %dma_wait3A_138 = arith.constant 0 : i32
        %dma_wait3A_139 = tpu.memref_slice %arg14[%mul3A_132, %dma_wait3A_138] : memref<10008x128xf32, #tpu.memory_space<vmem_shared>> -> memref<624x128xf32, #tpu.memory_space<vmem_shared>>
        %dma_wait3A_140 = arith.constant 0 : i32
        %dma_wait3A_141 = arith.constant 0 : i32
        %dma_wait3A_142 = tpu.memref_slice %arg5[%dma_wait3A_140, %dma_wait3A_141] : memref<640x128xf32, #tpu.memory_space<hbm>> -> memref<624x128xf32, #tpu.memory_space<hbm>>
        tpu.wait_dma2 semaphore(%run_scoped3A : memref<!tpu.dma_semaphore, #tpu.memory_space<semaphore_mem>>) src(%dma_wait3A_142 : memref<624x128xf32, #tpu.memory_space<hbm>>) dst(%dma_wait3A_139 : memref<624x128xf32, #tpu.memory_space<vmem_shared>>)
        tpu.yield
      }) : () -> ()
    } else {
    }
    %eq3A = arith.constant 15 : i32
    %eq3A_2 = arith.cmpi eq, %arg1, %eq3A : i32
    %convert_element_type3A_3 = arith.extui %eq3A_2 : i1 to i32
    %cond3A_4 = arith.constant 0 : i32
    %cond3A_5 = arith.cmpi ne, %convert_element_type3A_3, %cond3A_4 : i32
    scf.if %cond3A_5 {
      "tpu.region"() ({
        %run_scoped3A = tpu.sem_alloc : memref<!tpu.dma_semaphore, #tpu.memory_space<semaphore_mem>>
        %dma_start3A_132 = arith.constant 9360 : i32
        %dma_start3A_133 = arith.constant 0 : i32
        %dma_start3A_134 = tpu.memref_slice %arg14[%dma_start3A_132, %dma_start3A_133] : memref<10008x128xf32, #tpu.memory_space<vmem_shared>> -> memref<640x128xf32, #tpu.memory_space<vmem_shared>>
        tpu.enqueue_dma source(%arg5 : memref<640x128xf32, #tpu.memory_space<hbm>>) target(%dma_start3A_134 : memref<640x128xf32, #tpu.memory_space<vmem_shared>>) target_semaphore(%run_scoped3A : memref<!tpu.dma_semaphore, #tpu.memory_space<semaphore_mem>>)
        %dma_wait3A_135 = arith.constant 9360 : i32
        %dma_wait3A_136 = arith.constant 0 : i32
        %dma_wait3A_137 = tpu.memref_slice %arg14[%dma_wait3A_135, %dma_wait3A_136] : memref<10008x128xf32, #tpu.memory_space<vmem_shared>> -> memref<640x128xf32, #tpu.memory_space<vmem_shared>>
        tpu.wait_dma2 semaphore(%run_scoped3A : memref<!tpu.dma_semaphore, #tpu.memory_space<semaphore_mem>>) src(%arg5 : memref<640x128xf32, #tpu.memory_space<hbm>>) dst(%dma_wait3A_137 : memref<640x128xf32, #tpu.memory_space<vmem_shared>>)
        tpu.yield
      }) : () -> ()
    } else {
    }
    %dma_start3A = arith.constant 0 : i32
    %dma_start3A_6 = arith.constant 0 : i32
    %dma_start3A_7 = arith.constant 0 : i32
    %dma_start3A_8 = arith.constant 0 : i32
    %dma_start3A_9 = tpu.memref_slice %arg7[%dma_start3A_6, %dma_start3A_7, %dma_start3A_8] : memref<2x5x64xi32, #tpu.memory_space<vmem>> -> memref<1x5x64xi32, #tpu.memory_space<vmem>>
    %dma_start3A_10 = tpu.memref_squeeze %dma_start3A_9 : memref<1x5x64xi32, #tpu.memory_space<vmem>> -> memref<5x64xi32, #tpu.memory_space<vmem>>
    %dma_start3A_11 = arith.constant 0 : i32
    %dma_start3A_12 = arith.constant 0 : i32
    %dma_start3A_13 = tpu.memref_slice %arg3[%arg0, %arg1, %dma_start3A, %dma_start3A_11, %dma_start3A_12] : memref<2x16x64x5x64xi32, #tpu.memory_space<hbm>> -> memref<1x1x1x5x64xi32, #tpu.memory_space<hbm>>
    %dma_start3A_14 = tpu.memref_squeeze %dma_start3A_13 : memref<1x1x1x5x64xi32, #tpu.memory_space<hbm>> -> memref<5x64xi32, #tpu.memory_space<hbm>>
    %dma_start3A_15 = arith.constant 0 : i32
    %dma_start3A_16 = arith.constant 0 : i32
    %dma_start3A_17 = tpu.memref_slice %arg7[%dma_start3A_6, %dma_start3A_15, %dma_start3A_16] : memref<2x5x64xi32, #tpu.memory_space<vmem>> -> memref<1x5x64xi32, #tpu.memory_space<vmem>>
    %dma_start3A_18 = tpu.memref_squeeze %dma_start3A_17 : memref<1x5x64xi32, #tpu.memory_space<vmem>> -> memref<5x64xi32, #tpu.memory_space<vmem>>
    %dma_start3A_19 = arith.constant 0 : i32
    %dma_start3A_20 = arith.constant 0 : i32
    %dma_start3A_21 = tpu.memref_slice %arg3[%arg0, %arg1, %dma_start3A, %dma_start3A_19, %dma_start3A_20] : memref<2x16x64x5x64xi32, #tpu.memory_space<hbm>> -> memref<1x1x1x5x64xi32, #tpu.memory_space<hbm>>
    %dma_start3A_22 = tpu.memref_squeeze %dma_start3A_21 : memref<1x1x1x5x64xi32, #tpu.memory_space<hbm>> -> memref<5x64xi32, #tpu.memory_space<hbm>>
    tpu.enqueue_dma source(%dma_start3A_22 : memref<5x64xi32, #tpu.memory_space<hbm>>) target(%dma_start3A_18 : memref<5x64xi32, #tpu.memory_space<vmem>>) target_semaphore(%arg25 : memref<!tpu.dma_semaphore, #tpu.memory_space<semaphore_mem>>)
    %dma_start3A_23 = arith.constant 0 : i32
    %dma_start3A_24 = arith.constant 0 : i32
    %dma_start3A_25 = arith.constant 0 : i32
    %dma_start3A_26 = arith.constant 0 : i32
    %dma_start3A_27 = tpu.memref_slice %arg8[%dma_start3A_24, %dma_start3A_25, %dma_start3A_26] : memref<2x5x64xi32, #tpu.memory_space<vmem>> -> memref<1x5x64xi32, #tpu.memory_space<vmem>>
    %dma_start3A_28 = tpu.memref_squeeze %dma_start3A_27 : memref<1x5x64xi32, #tpu.memory_space<vmem>> -> memref<5x64xi32, #tpu.memory_space<vmem>>
    %dma_start3A_29 = arith.constant 0 : i32
    %dma_start3A_30 = arith.constant 0 : i32
    %dma_start3A_31 = tpu.memref_slice %arg4[%arg1, %dma_start3A_23, %dma_start3A_29, %dma_start3A_30] : memref<16x64x5x64xi32, #tpu.memory_space<hbm>> -> memref<1x1x5x64xi32, #tpu.memory_space<hbm>>
    %dma_start3A_32 = tpu.memref_squeeze %dma_start3A_31 : memref<1x1x5x64xi32, #tpu.memory_space<hbm>> -> memref<5x64xi32, #tpu.memory_space<hbm>>
    %dma_start3A_33 = arith.constant 0 : i32
    %dma_start3A_34 = arith.constant 0 : i32
    %dma_start3A_35 = tpu.memref_slice %arg8[%dma_start3A_24, %dma_start3A_33, %dma_start3A_34] : memref<2x5x64xi32, #tpu.memory_space<vmem>> -> memref<1x5x64xi32, #tpu.memory_space<vmem>>
    %dma_start3A_36 = tpu.memref_squeeze %dma_start3A_35 : memref<1x5x64xi32, #tpu.memory_space<vmem>> -> memref<5x64xi32, #tpu.memory_space<vmem>>
    %dma_start3A_37 = arith.constant 0 : i32
    %dma_start3A_38 = arith.constant 0 : i32
    %dma_start3A_39 = tpu.memref_slice %arg4[%arg1, %dma_start3A_23, %dma_start3A_37, %dma_start3A_38] : memref<16x64x5x64xi32, #tpu.memory_space<hbm>> -> memref<1x1x5x64xi32, #tpu.memory_space<hbm>>
    %dma_start3A_40 = tpu.memref_squeeze %dma_start3A_39 : memref<1x1x5x64xi32, #tpu.memory_space<hbm>> -> memref<5x64xi32, #tpu.memory_space<hbm>>
    tpu.enqueue_dma source(%dma_start3A_40 : memref<5x64xi32, #tpu.memory_space<hbm>>) target(%dma_start3A_36 : memref<5x64xi32, #tpu.memory_space<vmem>>) target_semaphore(%arg25 : memref<!tpu.dma_semaphore, #tpu.memory_space<semaphore_mem>>)
    %barrier3A = arith.constant 0 : index
    tpu.barrier barrier_id(%barrier3A)
    %scan3A = arith.constant 0 : i32
    %scan3A_41 = arith.constant 0 : i32
    %scan3A_42 = arith.constant 63 : i32
    %scan3A_43 = arith.addi %scan3A_41, %scan3A_42 : i32
    %scan3A_44 = arith.constant 1 : i32
    scf.for %scan3A_132 = %scan3A_41 to %scan3A_43 step %scan3A_44  : i32 {
      %jit3A = arith.constant 2 : i32
      %eq3A_133 = arith.constant 0 : i32
      %eq3A_134 = arith.cmpi eq, %jit3A, %eq3A_133 : i32
      %jit3A_135 = arith.constant 1 : i32
      %select_n3A = arith.select %eq3A_134, %jit3A_135, %jit3A : i32
      %rem3A = arith.remsi %scan3A_132, %select_n3A : i32
      %ne3A = arith.constant 0 : i32
      %ne3A_136 = arith.cmpi ne, %rem3A, %ne3A : i32
      %lt3A_137 = arith.constant 0 : i32
      %lt3A_138 = arith.cmpi slt, %rem3A, %lt3A_137 : i32
      %lt3A_139 = arith.constant 0 : i32
      %lt3A_140 = arith.cmpi slt, %select_n3A, %lt3A_139 : i32
      %ne3A_141 = arith.xori %lt3A_138, %lt3A_140 : i1
      %and3A = arith.andi %ne3A_141, %ne3A_136 : i1
      %add3A = arith.addi %rem3A, %select_n3A : i32
      %select_n3A_142 = arith.select %and3A, %add3A, %rem3A : i32
      %dma_wait3A_143 = arith.constant 0 : i32
      %dma_wait3A_144 = arith.constant 0 : i32
      %dma_wait3A_145 = tpu.memref_slice %arg7[%select_n3A_142, %dma_wait3A_143, %dma_wait3A_144] : memref<2x5x64xi32, #tpu.memory_space<vmem>> -> memref<1x5x64xi32, #tpu.memory_space<vmem>>
      %dma_wait3A_146 = tpu.memref_squeeze %dma_wait3A_145 : memref<1x5x64xi32, #tpu.memory_space<vmem>> -> memref<5x64xi32, #tpu.memory_space<vmem>>
      %dma_wait3A_147 = arith.constant 0 : i32
      %dma_wait3A_148 = arith.constant 0 : i32
      %dma_wait3A_149 = tpu.memref_slice %arg3[%arg0, %arg1, %scan3A_132, %dma_wait3A_147, %dma_wait3A_148] : memref<2x16x64x5x64xi32, #tpu.memory_space<hbm>> -> memref<1x1x1x5x64xi32, #tpu.memory_space<hbm>>
      %dma_wait3A_150 = tpu.memref_squeeze %dma_wait3A_149 : memref<1x1x1x5x64xi32, #tpu.memory_space<hbm>> -> memref<5x64xi32, #tpu.memory_space<hbm>>
      %dma_wait3A_151 = arith.constant 0 : i32
      %dma_wait3A_152 = arith.constant 0 : i32
      %dma_wait3A_153 = tpu.memref_slice %arg7[%select_n3A_142, %dma_wait3A_151, %dma_wait3A_152] : memref<2x5x64xi32, #tpu.memory_space<vmem>> -> memref<1x5x64xi32, #tpu.memory_space<vmem>>
      %dma_wait3A_154 = tpu.memref_squeeze %dma_wait3A_153 : memref<1x5x64xi32, #tpu.memory_space<vmem>> -> memref<5x64xi32, #tpu.memory_space<vmem>>
      %dma_wait3A_155 = arith.constant 0 : i32
      %dma_wait3A_156 = arith.constant 0 : i32
      %dma_wait3A_157 = tpu.memref_slice %arg3[%arg0, %arg1, %scan3A_132, %dma_wait3A_155, %dma_wait3A_156] : memref<2x16x64x5x64xi32, #tpu.memory_space<hbm>> -> memref<1x1x1x5x64xi32, #tpu.memory_space<hbm>>
      %dma_wait3A_158 = tpu.memref_squeeze %dma_wait3A_157 : memref<1x1x1x5x64xi32, #tpu.memory_space<hbm>> -> memref<5x64xi32, #tpu.memory_space<hbm>>
      tpu.wait_dma2 semaphore(%arg25 : memref<!tpu.dma_semaphore, #tpu.memory_space<semaphore_mem>>) src(%dma_wait3A_158 : memref<5x64xi32, #tpu.memory_space<hbm>>) dst(%dma_wait3A_154 : memref<5x64xi32, #tpu.memory_space<vmem>>)
      %dma_wait3A_159 = arith.constant 0 : i32
      %dma_wait3A_160 = arith.constant 0 : i32
      %dma_wait3A_161 = tpu.memref_slice %arg8[%select_n3A_142, %dma_wait3A_159, %dma_wait3A_160] : memref<2x5x64xi32, #tpu.memory_space<vmem>> -> memref<1x5x64xi32, #tpu.memory_space<vmem>>
      %dma_wait3A_162 = tpu.memref_squeeze %dma_wait3A_161 : memref<1x5x64xi32, #tpu.memory_space<vmem>> -> memref<5x64xi32, #tpu.memory_space<vmem>>
      %dma_wait3A_163 = arith.constant 0 : i32
      %dma_wait3A_164 = arith.constant 0 : i32
      %dma_wait3A_165 = tpu.memref_slice %arg4[%arg1, %scan3A_132, %dma_wait3A_163, %dma_wait3A_164] : memref<16x64x5x64xi32, #tpu.memory_space<hbm>> -> memref<1x1x5x64xi32, #tpu.memory_space<hbm>>
      %dma_wait3A_166 = tpu.memref_squeeze %dma_wait3A_165 : memref<1x1x5x64xi32, #tpu.memory_space<hbm>> -> memref<5x64xi32, #tpu.memory_space<hbm>>
      %dma_wait3A_167 = arith.constant 0 : i32
      %dma_wait3A_168 = arith.constant 0 : i32
      %dma_wait3A_169 = tpu.memref_slice %arg8[%select_n3A_142, %dma_wait3A_167, %dma_wait3A_168] : memref<2x5x64xi32, #tpu.memory_space<vmem>> -> memref<1x5x64xi32, #tpu.memory_space<vmem>>
      %dma_wait3A_170 = tpu.memref_squeeze %dma_wait3A_169 : memref<1x5x64xi32, #tpu.memory_space<vmem>> -> memref<5x64xi32, #tpu.memory_space<vmem>>
      %dma_wait3A_171 = arith.constant 0 : i32
      %dma_wait3A_172 = arith.constant 0 : i32
      %dma_wait3A_173 = tpu.memref_slice %arg4[%arg1, %scan3A_132, %dma_wait3A_171, %dma_wait3A_172] : memref<16x64x5x64xi32, #tpu.memory_space<hbm>> -> memref<1x1x5x64xi32, #tpu.memory_space<hbm>>
      %dma_wait3A_174 = tpu.memref_squeeze %dma_wait3A_173 : memref<1x1x5x64xi32, #tpu.memory_space<hbm>> -> memref<5x64xi32, #tpu.memory_space<hbm>>
      tpu.wait_dma2 semaphore(%arg25 : memref<!tpu.dma_semaphore, #tpu.memory_space<semaphore_mem>>) src(%dma_wait3A_174 : memref<5x64xi32, #tpu.memory_space<hbm>>) dst(%dma_wait3A_170 : memref<5x64xi32, #tpu.memory_space<vmem>>)
      %gt3A = arith.constant 0 : i32
      %gt3A_175 = arith.cmpi sgt, %scan3A_132, %gt3A : i32
      %convert_element_type3A_176 = arith.extui %gt3A_175 : i1 to i32
      %cond3A_177 = arith.constant 0 : i32
      %cond3A_178 = arith.cmpi ne, %convert_element_type3A_176, %cond3A_177 : i32
      scf.if %cond3A_178 {
        %sub3A_343 = arith.constant 1 : i32
        %sub3A_344 = arith.subi %sub3A_343, %select_n3A_142 : i32
        %dma_wait3A_345 = arith.constant 0 : i32
        %dma_wait3A_346 = arith.constant 0 : i32
        %dma_wait3A_347 = tpu.memref_slice %arg8[%sub3A_344, %dma_wait3A_345, %dma_wait3A_346] : memref<2x5x64xi32, #tpu.memory_space<vmem>> -> memref<1x1x64xi32, #tpu.memory_space<vmem>>
        %dma_wait3A_348 = tpu.memref_squeeze %dma_wait3A_347 : memref<1x1x64xi32, #tpu.memory_space<vmem>> -> memref<64xi32, #tpu.memory_space<vmem>>
        %dma_wait3A_349 = arith.constant 0 : i32
        %dma_wait3A_350 = arith.constant 0 : i32
        %dma_wait3A_351 = tpu.memref_slice %arg14[%dma_wait3A_349, %dma_wait3A_350] : memref<10008x128xf32, #tpu.memory_space<vmem_shared>> -> memref<10008x128xf32, #tpu.memory_space<vmem_shared>>
        tpu.wait_indirect_dma semaphore(%arg20 : memref<!tpu.dma_semaphore, #tpu.memory_space<semaphore_mem>>) src(%arg9 : memref<64x128xf32, #tpu.memory_space<vmem>>) dst(%dma_wait3A_351 : memref<10008x128xf32, #tpu.memory_space<vmem_shared>>)
      } else {
      }
      %dma_start3A_179 = arith.constant 0 : i32
      %dma_start3A_180 = arith.constant 0 : i32
      %dma_start3A_181 = tpu.memref_slice %arg7[%select_n3A_142, %dma_start3A_179, %dma_start3A_180] : memref<2x5x64xi32, #tpu.memory_space<vmem>> -> memref<1x1x64xi32, #tpu.memory_space<vmem>>
      %dma_start3A_182 = tpu.memref_squeeze %dma_start3A_181 : memref<1x1x64xi32, #tpu.memory_space<vmem>> -> memref<64xi32, #tpu.memory_space<vmem>>
      %dma_start3A_183 = arith.constant 0 : i32
      %dma_start3A_184 = arith.constant 0 : i32
      %dma_start3A_185 = tpu.memref_slice %arg2[%dma_start3A_183, %dma_start3A_184] : memref<20224x128xf32, #tpu.memory_space<hbm>> -> memref<20224x128xf32, #tpu.memory_space<hbm>>
      tpu.enqueue_indirect_dma source(%dma_start3A_185 : memref<20224x128xf32, #tpu.memory_space<hbm>>) target(%arg9 : memref<64x128xf32, #tpu.memory_space<vmem>>) offsets(%dma_start3A_182 : memref<64xi32, #tpu.memory_space<vmem>>) semaphore(%arg15 : memref<!tpu.dma_semaphore, #tpu.memory_space<semaphore_mem>>)
      %gt3A_186 = arith.constant 0 : i32
      %gt3A_187 = arith.cmpi sgt, %scan3A_132, %gt3A_186 : i32
      %convert_element_type3A_188 = arith.extui %gt3A_187 : i1 to i32
      %cond3A_189 = arith.constant 0 : i32
      %cond3A_190 = arith.cmpi ne, %convert_element_type3A_188, %cond3A_189 : i32
      scf.if %cond3A_190 {
        %sub3A_343 = arith.constant 1 : i32
        %sub3A_344 = arith.subi %sub3A_343, %select_n3A_142 : i32
        %dma_wait3A_345 = arith.constant 1 : i32
        %dma_wait3A_346 = arith.constant 0 : i32
        %dma_wait3A_347 = tpu.memref_slice %arg8[%sub3A_344, %dma_wait3A_345, %dma_wait3A_346] : memref<2x5x64xi32, #tpu.memory_space<vmem>> -> memref<1x1x64xi32, #tpu.memory_space<vmem>>
        %dma_wait3A_348 = tpu.memref_squeeze %dma_wait3A_347 : memref<1x1x64xi32, #tpu.memory_space<vmem>> -> memref<64xi32, #tpu.memory_space<vmem>>
        %dma_wait3A_349 = arith.constant 0 : i32
        %dma_wait3A_350 = arith.constant 0 : i32
        %dma_wait3A_351 = tpu.memref_slice %arg14[%dma_wait3A_349, %dma_wait3A_350] : memref<10008x128xf32, #tpu.memory_space<vmem_shared>> -> memref<10008x128xf32, #tpu.memory_space<vmem_shared>>
        tpu.wait_indirect_dma semaphore(%arg21 : memref<!tpu.dma_semaphore, #tpu.memory_space<semaphore_mem>>) src(%arg10 : memref<64x128xf32, #tpu.memory_space<vmem>>) dst(%dma_wait3A_351 : memref<10008x128xf32, #tpu.memory_space<vmem_shared>>)
      } else {
      }
      %dma_start3A_191 = arith.constant 1 : i32
      %dma_start3A_192 = arith.constant 0 : i32
      %dma_start3A_193 = tpu.memref_slice %arg7[%select_n3A_142, %dma_start3A_191, %dma_start3A_192] : memref<2x5x64xi32, #tpu.memory_space<vmem>> -> memref<1x1x64xi32, #tpu.memory_space<vmem>>
      %dma_start3A_194 = tpu.memref_squeeze %dma_start3A_193 : memref<1x1x64xi32, #tpu.memory_space<vmem>> -> memref<64xi32, #tpu.memory_space<vmem>>
      %dma_start3A_195 = arith.constant 0 : i32
      %dma_start3A_196 = arith.constant 0 : i32
      %dma_start3A_197 = tpu.memref_slice %arg2[%dma_start3A_195, %dma_start3A_196] : memref<20224x128xf32, #tpu.memory_space<hbm>> -> memref<20224x128xf32, #tpu.memory_space<hbm>>
      tpu.enqueue_indirect_dma source(%dma_start3A_197 : memref<20224x128xf32, #tpu.memory_space<hbm>>) target(%arg10 : memref<64x128xf32, #tpu.memory_space<vmem>>) offsets(%dma_start3A_194 : memref<64xi32, #tpu.memory_space<vmem>>) semaphore(%arg16 : memref<!tpu.dma_semaphore, #tpu.memory_space<semaphore_mem>>)
      %gt3A_198 = arith.constant 0 : i32
      %gt3A_199 = arith.cmpi sgt, %scan3A_132, %gt3A_198 : i32
      %convert_element_type3A_200 = arith.extui %gt3A_199 : i1 to i32
      %cond3A_201 = arith.constant 0 : i32
      %cond3A_202 = arith.cmpi ne, %convert_element_type3A_200, %cond3A_201 : i32
      scf.if %cond3A_202 {
        %sub3A_343 = arith.constant 1 : i32
        %sub3A_344 = arith.subi %sub3A_343, %select_n3A_142 : i32
        %dma_wait3A_345 = arith.constant 2 : i32
        %dma_wait3A_346 = arith.constant 0 : i32
        %dma_wait3A_347 = tpu.memref_slice %arg8[%sub3A_344, %dma_wait3A_345, %dma_wait3A_346] : memref<2x5x64xi32, #tpu.memory_space<vmem>> -> memref<1x1x64xi32, #tpu.memory_space<vmem>>
        %dma_wait3A_348 = tpu.memref_squeeze %dma_wait3A_347 : memref<1x1x64xi32, #tpu.memory_space<vmem>> -> memref<64xi32, #tpu.memory_space<vmem>>
        %dma_wait3A_349 = arith.constant 0 : i32
        %dma_wait3A_350 = arith.constant 0 : i32
        %dma_wait3A_351 = tpu.memref_slice %arg14[%dma_wait3A_349, %dma_wait3A_350] : memref<10008x128xf32, #tpu.memory_space<vmem_shared>> -> memref<10008x128xf32, #tpu.memory_space<vmem_shared>>
        tpu.wait_indirect_dma semaphore(%arg22 : memref<!tpu.dma_semaphore, #tpu.memory_space<semaphore_mem>>) src(%arg11 : memref<64x128xf32, #tpu.memory_space<vmem>>) dst(%dma_wait3A_351 : memref<10008x128xf32, #tpu.memory_space<vmem_shared>>)
      } else {
      }
      %dma_start3A_203 = arith.constant 2 : i32
      %dma_start3A_204 = arith.constant 0 : i32
      %dma_start3A_205 = tpu.memref_slice %arg7[%select_n3A_142, %dma_start3A_203, %dma_start3A_204] : memref<2x5x64xi32, #tpu.memory_space<vmem>> -> memref<1x1x64xi32, #tpu.memory_space<vmem>>
      %dma_start3A_206 = tpu.memref_squeeze %dma_start3A_205 : memref<1x1x64xi32, #tpu.memory_space<vmem>> -> memref<64xi32, #tpu.memory_space<vmem>>
      %dma_start3A_207 = arith.constant 0 : i32
      %dma_start3A_208 = arith.constant 0 : i32
      %dma_start3A_209 = tpu.memref_slice %arg2[%dma_start3A_207, %dma_start3A_208] : memref<20224x128xf32, #tpu.memory_space<hbm>> -> memref<20224x128xf32, #tpu.memory_space<hbm>>
      tpu.enqueue_indirect_dma source(%dma_start3A_209 : memref<20224x128xf32, #tpu.memory_space<hbm>>) target(%arg11 : memref<64x128xf32, #tpu.memory_space<vmem>>) offsets(%dma_start3A_206 : memref<64xi32, #tpu.memory_space<vmem>>) semaphore(%arg17 : memref<!tpu.dma_semaphore, #tpu.memory_space<semaphore_mem>>)
      %gt3A_210 = arith.constant 0 : i32
      %gt3A_211 = arith.cmpi sgt, %scan3A_132, %gt3A_210 : i32
      %convert_element_type3A_212 = arith.extui %gt3A_211 : i1 to i32
      %cond3A_213 = arith.constant 0 : i32
      %cond3A_214 = arith.cmpi ne, %convert_element_type3A_212, %cond3A_213 : i32
      scf.if %cond3A_214 {
        %sub3A_343 = arith.constant 1 : i32
        %sub3A_344 = arith.subi %sub3A_343, %select_n3A_142 : i32
        %dma_wait3A_345 = arith.constant 3 : i32
        %dma_wait3A_346 = arith.constant 0 : i32
        %dma_wait3A_347 = tpu.memref_slice %arg8[%sub3A_344, %dma_wait3A_345, %dma_wait3A_346] : memref<2x5x64xi32, #tpu.memory_space<vmem>> -> memref<1x1x64xi32, #tpu.memory_space<vmem>>
        %dma_wait3A_348 = tpu.memref_squeeze %dma_wait3A_347 : memref<1x1x64xi32, #tpu.memory_space<vmem>> -> memref<64xi32, #tpu.memory_space<vmem>>
        %dma_wait3A_349 = arith.constant 0 : i32
        %dma_wait3A_350 = arith.constant 0 : i32
        %dma_wait3A_351 = tpu.memref_slice %arg14[%dma_wait3A_349, %dma_wait3A_350] : memref<10008x128xf32, #tpu.memory_space<vmem_shared>> -> memref<10008x128xf32, #tpu.memory_space<vmem_shared>>
        tpu.wait_indirect_dma semaphore(%arg23 : memref<!tpu.dma_semaphore, #tpu.memory_space<semaphore_mem>>) src(%arg12 : memref<64x128xf32, #tpu.memory_space<vmem>>) dst(%dma_wait3A_351 : memref<10008x128xf32, #tpu.memory_space<vmem_shared>>)
      } else {
      }
      %dma_start3A_215 = arith.constant 3 : i32
      %dma_start3A_216 = arith.constant 0 : i32
      %dma_start3A_217 = tpu.memref_slice %arg7[%select_n3A_142, %dma_start3A_215, %dma_start3A_216] : memref<2x5x64xi32, #tpu.memory_space<vmem>> -> memref<1x1x64xi32, #tpu.memory_space<vmem>>
      %dma_start3A_218 = tpu.memref_squeeze %dma_start3A_217 : memref<1x1x64xi32, #tpu.memory_space<vmem>> -> memref<64xi32, #tpu.memory_space<vmem>>
      %dma_start3A_219 = arith.constant 0 : i32
      %dma_start3A_220 = arith.constant 0 : i32
      %dma_start3A_221 = tpu.memref_slice %arg2[%dma_start3A_219, %dma_start3A_220] : memref<20224x128xf32, #tpu.memory_space<hbm>> -> memref<20224x128xf32, #tpu.memory_space<hbm>>
      tpu.enqueue_indirect_dma source(%dma_start3A_221 : memref<20224x128xf32, #tpu.memory_space<hbm>>) target(%arg12 : memref<64x128xf32, #tpu.memory_space<vmem>>) offsets(%dma_start3A_218 : memref<64xi32, #tpu.memory_space<vmem>>) semaphore(%arg18 : memref<!tpu.dma_semaphore, #tpu.memory_space<semaphore_mem>>)
      %gt3A_222 = arith.constant 0 : i32
      %gt3A_223 = arith.cmpi sgt, %scan3A_132, %gt3A_222 : i32
      %convert_element_type3A_224 = arith.extui %gt3A_223 : i1 to i32
      %cond3A_225 = arith.constant 0 : i32
      %cond3A_226 = arith.cmpi ne, %convert_element_type3A_224, %cond3A_225 : i32
      scf.if %cond3A_226 {
        %sub3A_343 = arith.constant 1 : i32
        %sub3A_344 = arith.subi %sub3A_343, %select_n3A_142 : i32
        %dma_wait3A_345 = arith.constant 4 : i32
        %dma_wait3A_346 = arith.constant 0 : i32
        %dma_wait3A_347 = tpu.memref_slice %arg8[%sub3A_344, %dma_wait3A_345, %dma_wait3A_346] : memref<2x5x64xi32, #tpu.memory_space<vmem>> -> memref<1x1x64xi32, #tpu.memory_space<vmem>>
        %dma_wait3A_348 = tpu.memref_squeeze %dma_wait3A_347 : memref<1x1x64xi32, #tpu.memory_space<vmem>> -> memref<64xi32, #tpu.memory_space<vmem>>
        %dma_wait3A_349 = arith.constant 0 : i32
        %dma_wait3A_350 = arith.constant 0 : i32
        %dma_wait3A_351 = tpu.memref_slice %arg14[%dma_wait3A_349, %dma_wait3A_350] : memref<10008x128xf32, #tpu.memory_space<vmem_shared>> -> memref<10008x128xf32, #tpu.memory_space<vmem_shared>>
        tpu.wait_indirect_dma semaphore(%arg24 : memref<!tpu.dma_semaphore, #tpu.memory_space<semaphore_mem>>) src(%arg13 : memref<64x128xf32, #tpu.memory_space<vmem>>) dst(%dma_wait3A_351 : memref<10008x128xf32, #tpu.memory_space<vmem_shared>>)
      } else {
      }
      %dma_start3A_227 = arith.constant 4 : i32
      %dma_start3A_228 = arith.constant 0 : i32
      %dma_start3A_229 = tpu.memref_slice %arg7[%select_n3A_142, %dma_start3A_227, %dma_start3A_228] : memref<2x5x64xi32, #tpu.memory_space<vmem>> -> memref<1x1x64xi32, #tpu.memory_space<vmem>>
      %dma_start3A_230 = tpu.memref_squeeze %dma_start3A_229 : memref<1x1x64xi32, #tpu.memory_space<vmem>> -> memref<64xi32, #tpu.memory_space<vmem>>
      %dma_start3A_231 = arith.constant 0 : i32
      %dma_start3A_232 = arith.constant 0 : i32
      %dma_start3A_233 = tpu.memref_slice %arg2[%dma_start3A_231, %dma_start3A_232] : memref<20224x128xf32, #tpu.memory_space<hbm>> -> memref<20224x128xf32, #tpu.memory_space<hbm>>
      tpu.enqueue_indirect_dma source(%dma_start3A_233 : memref<20224x128xf32, #tpu.memory_space<hbm>>) target(%arg13 : memref<64x128xf32, #tpu.memory_space<vmem>>) offsets(%dma_start3A_230 : memref<64xi32, #tpu.memory_space<vmem>>) semaphore(%arg19 : memref<!tpu.dma_semaphore, #tpu.memory_space<semaphore_mem>>)
      %add3A_234 = arith.constant 1 : i32
      %add3A_235 = arith.addi %scan3A_132, %add3A_234 : i32
      %sub3A = arith.constant 1 : i32
      %sub3A_236 = arith.subi %sub3A, %select_n3A_142 : i32
      %dma_start3A_237 = arith.constant 0 : i32
      %dma_start3A_238 = arith.constant 0 : i32
      %dma_start3A_239 = tpu.memref_slice %arg7[%sub3A_236, %dma_start3A_237, %dma_start3A_238] : memref<2x5x64xi32, #tpu.memory_space<vmem>> -> memref<1x5x64xi32, #tpu.memory_space<vmem>>
      %dma_start3A_240 = tpu.memref_squeeze %dma_start3A_239 : memref<1x5x64xi32, #tpu.memory_space<vmem>> -> memref<5x64xi32, #tpu.memory_space<vmem>>
      %dma_start3A_241 = arith.constant 0 : i32
      %dma_start3A_242 = arith.constant 0 : i32
      %dma_start3A_243 = tpu.memref_slice %arg3[%arg0, %arg1, %add3A_235, %dma_start3A_241, %dma_start3A_242] : memref<2x16x64x5x64xi32, #tpu.memory_space<hbm>> -> memref<1x1x1x5x64xi32, #tpu.memory_space<hbm>>
      %dma_start3A_244 = tpu.memref_squeeze %dma_start3A_243 : memref<1x1x1x5x64xi32, #tpu.memory_space<hbm>> -> memref<5x64xi32, #tpu.memory_space<hbm>>
      %dma_start3A_245 = arith.constant 0 : i32
      %dma_start3A_246 = arith.constant 0 : i32
      %dma_start3A_247 = tpu.memref_slice %arg7[%sub3A_236, %dma_start3A_245, %dma_start3A_246] : memref<2x5x64xi32, #tpu.memory_space<vmem>> -> memref<1x5x64xi32, #tpu.memory_space<vmem>>
      %dma_start3A_248 = tpu.memref_squeeze %dma_start3A_247 : memref<1x5x64xi32, #tpu.memory_space<vmem>> -> memref<5x64xi32, #tpu.memory_space<vmem>>
      %dma_start3A_249 = arith.constant 0 : i32
      %dma_start3A_250 = arith.constant 0 : i32
      %dma_start3A_251 = tpu.memref_slice %arg3[%arg0, %arg1, %add3A_235, %dma_start3A_249, %dma_start3A_250] : memref<2x16x64x5x64xi32, #tpu.memory_space<hbm>> -> memref<1x1x1x5x64xi32, #tpu.memory_space<hbm>>
      %dma_start3A_252 = tpu.memref_squeeze %dma_start3A_251 : memref<1x1x1x5x64xi32, #tpu.memory_space<hbm>> -> memref<5x64xi32, #tpu.memory_space<hbm>>
      tpu.enqueue_dma source(%dma_start3A_252 : memref<5x64xi32, #tpu.memory_space<hbm>>) target(%dma_start3A_248 : memref<5x64xi32, #tpu.memory_space<vmem>>) target_semaphore(%arg25 : memref<!tpu.dma_semaphore, #tpu.memory_space<semaphore_mem>>)
      %add3A_253 = arith.constant 1 : i32
      %add3A_254 = arith.addi %scan3A_132, %add3A_253 : i32
      %sub3A_255 = arith.constant 1 : i32
      %sub3A_256 = arith.subi %sub3A_255, %select_n3A_142 : i32
      %dma_start3A_257 = arith.constant 0 : i32
      %dma_start3A_258 = arith.constant 0 : i32
      %dma_start3A_259 = tpu.memref_slice %arg8[%sub3A_256, %dma_start3A_257, %dma_start3A_258] : memref<2x5x64xi32, #tpu.memory_space<vmem>> -> memref<1x5x64xi32, #tpu.memory_space<vmem>>
      %dma_start3A_260 = tpu.memref_squeeze %dma_start3A_259 : memref<1x5x64xi32, #tpu.memory_space<vmem>> -> memref<5x64xi32, #tpu.memory_space<vmem>>
      %dma_start3A_261 = arith.constant 0 : i32
      %dma_start3A_262 = arith.constant 0 : i32
      %dma_start3A_263 = tpu.memref_slice %arg4[%arg1, %add3A_254, %dma_start3A_261, %dma_start3A_262] : memref<16x64x5x64xi32, #tpu.memory_space<hbm>> -> memref<1x1x5x64xi32, #tpu.memory_space<hbm>>
      %dma_start3A_264 = tpu.memref_squeeze %dma_start3A_263 : memref<1x1x5x64xi32, #tpu.memory_space<hbm>> -> memref<5x64xi32, #tpu.memory_space<hbm>>
      %dma_start3A_265 = arith.constant 0 : i32
      %dma_start3A_266 = arith.constant 0 : i32
      %dma_start3A_267 = tpu.memref_slice %arg8[%sub3A_256, %dma_start3A_265, %dma_start3A_266] : memref<2x5x64xi32, #tpu.memory_space<vmem>> -> memref<1x5x64xi32, #tpu.memory_space<vmem>>
      %dma_start3A_268 = tpu.memref_squeeze %dma_start3A_267 : memref<1x5x64xi32, #tpu.memory_space<vmem>> -> memref<5x64xi32, #tpu.memory_space<vmem>>
      %dma_start3A_269 = arith.constant 0 : i32
      %dma_start3A_270 = arith.constant 0 : i32
      %dma_start3A_271 = tpu.memref_slice %arg4[%arg1, %add3A_254, %dma_start3A_269, %dma_start3A_270] : memref<16x64x5x64xi32, #tpu.memory_space<hbm>> -> memref<1x1x5x64xi32, #tpu.memory_space<hbm>>
      %dma_start3A_272 = tpu.memref_squeeze %dma_start3A_271 : memref<1x1x5x64xi32, #tpu.memory_space<hbm>> -> memref<5x64xi32, #tpu.memory_space<hbm>>
      tpu.enqueue_dma source(%dma_start3A_272 : memref<5x64xi32, #tpu.memory_space<hbm>>) target(%dma_start3A_268 : memref<5x64xi32, #tpu.memory_space<vmem>>) target_semaphore(%arg25 : memref<!tpu.dma_semaphore, #tpu.memory_space<semaphore_mem>>)
      %dma_wait3A_273 = arith.constant 0 : i32
      %dma_wait3A_274 = arith.constant 0 : i32
      %dma_wait3A_275 = tpu.memref_slice %arg7[%select_n3A_142, %dma_wait3A_273, %dma_wait3A_274] : memref<2x5x64xi32, #tpu.memory_space<vmem>> -> memref<1x1x64xi32, #tpu.memory_space<vmem>>
      %dma_wait3A_276 = tpu.memref_squeeze %dma_wait3A_275 : memref<1x1x64xi32, #tpu.memory_space<vmem>> -> memref<64xi32, #tpu.memory_space<vmem>>
      %dma_wait3A_277 = arith.constant 0 : i32
      %dma_wait3A_278 = arith.constant 0 : i32
      %dma_wait3A_279 = tpu.memref_slice %arg2[%dma_wait3A_277, %dma_wait3A_278] : memref<20224x128xf32, #tpu.memory_space<hbm>> -> memref<20224x128xf32, #tpu.memory_space<hbm>>
      tpu.wait_indirect_dma semaphore(%arg15 : memref<!tpu.dma_semaphore, #tpu.memory_space<semaphore_mem>>) src(%dma_wait3A_279 : memref<20224x128xf32, #tpu.memory_space<hbm>>) dst(%arg9 : memref<64x128xf32, #tpu.memory_space<vmem>>)
      %dma_start3A_280 = arith.constant 0 : i32
      %dma_start3A_281 = arith.constant 0 : i32
      %dma_start3A_282 = tpu.memref_slice %arg8[%select_n3A_142, %dma_start3A_280, %dma_start3A_281] : memref<2x5x64xi32, #tpu.memory_space<vmem>> -> memref<1x1x64xi32, #tpu.memory_space<vmem>>
      %dma_start3A_283 = tpu.memref_squeeze %dma_start3A_282 : memref<1x1x64xi32, #tpu.memory_space<vmem>> -> memref<64xi32, #tpu.memory_space<vmem>>
      %dma_start3A_284 = arith.constant 0 : i32
      %dma_start3A_285 = arith.constant 0 : i32
      %dma_start3A_286 = tpu.memref_slice %arg14[%dma_start3A_284, %dma_start3A_285] : memref<10008x128xf32, #tpu.memory_space<vmem_shared>> -> memref<10008x128xf32, #tpu.memory_space<vmem_shared>>
      tpu.enqueue_indirect_dma source(%arg9 : memref<64x128xf32, #tpu.memory_space<vmem>>) target(%dma_start3A_286 : memref<10008x128xf32, #tpu.memory_space<vmem_shared>>) offsets(%dma_start3A_283 : memref<64xi32, #tpu.memory_space<vmem>>) semaphore(%arg20 : memref<!tpu.dma_semaphore, #tpu.memory_space<semaphore_mem>>) {add = true}
      %dma_wait3A_287 = arith.constant 1 : i32
      %dma_wait3A_288 = arith.constant 0 : i32
      %dma_wait3A_289 = tpu.memref_slice %arg7[%select_n3A_142, %dma_wait3A_287, %dma_wait3A_288] : memref<2x5x64xi32, #tpu.memory_space<vmem>> -> memref<1x1x64xi32, #tpu.memory_space<vmem>>
      %dma_wait3A_290 = tpu.memref_squeeze %dma_wait3A_289 : memref<1x1x64xi32, #tpu.memory_space<vmem>> -> memref<64xi32, #tpu.memory_space<vmem>>
      %dma_wait3A_291 = arith.constant 0 : i32
      %dma_wait3A_292 = arith.constant 0 : i32
      %dma_wait3A_293 = tpu.memref_slice %arg2[%dma_wait3A_291, %dma_wait3A_292] : memref<20224x128xf32, #tpu.memory_space<hbm>> -> memref<20224x128xf32, #tpu.memory_space<hbm>>
      tpu.wait_indirect_dma semaphore(%arg16 : memref<!tpu.dma_semaphore, #tpu.memory_space<semaphore_mem>>) src(%dma_wait3A_293 : memref<20224x128xf32, #tpu.memory_space<hbm>>) dst(%arg10 : memref<64x128xf32, #tpu.memory_space<vmem>>)
      %dma_start3A_294 = arith.constant 1 : i32
      %dma_start3A_295 = arith.constant 0 : i32
      %dma_start3A_296 = tpu.memref_slice %arg8[%select_n3A_142, %dma_start3A_294, %dma_start3A_295] : memref<2x5x64xi32, #tpu.memory_space<vmem>> -> memref<1x1x64xi32, #tpu.memory_space<vmem>>
      %dma_start3A_297 = tpu.memref_squeeze %dma_start3A_296 : memref<1x1x64xi32, #tpu.memory_space<vmem>> -> memref<64xi32, #tpu.memory_space<vmem>>
      %dma_start3A_298 = arith.constant 0 : i32
      %dma_start3A_299 = arith.constant 0 : i32
      %dma_start3A_300 = tpu.memref_slice %arg14[%dma_start3A_298, %dma_start3A_299] : memref<10008x128xf32, #tpu.memory_space<vmem_shared>> -> memref<10008x128xf32, #tpu.memory_space<vmem_shared>>
      tpu.enqueue_indirect_dma source(%arg10 : memref<64x128xf32, #tpu.memory_space<vmem>>) target(%dma_start3A_300 : memref<10008x128xf32, #tpu.memory_space<vmem_shared>>) offsets(%dma_start3A_297 : memref<64xi32, #tpu.memory_space<vmem>>) semaphore(%arg21 : memref<!tpu.dma_semaphore, #tpu.memory_space<semaphore_mem>>) {add = true}
      %dma_wait3A_301 = arith.constant 2 : i32
      %dma_wait3A_302 = arith.constant 0 : i32
      %dma_wait3A_303 = tpu.memref_slice %arg7[%select_n3A_142, %dma_wait3A_301, %dma_wait3A_302] : memref<2x5x64xi32, #tpu.memory_space<vmem>> -> memref<1x1x64xi32, #tpu.memory_space<vmem>>
      %dma_wait3A_304 = tpu.memref_squeeze %dma_wait3A_303 : memref<1x1x64xi32, #tpu.memory_space<vmem>> -> memref<64xi32, #tpu.memory_space<vmem>>
      %dma_wait3A_305 = arith.constant 0 : i32
      %dma_wait3A_306 = arith.constant 0 : i32
      %dma_wait3A_307 = tpu.memref_slice %arg2[%dma_wait3A_305, %dma_wait3A_306] : memref<20224x128xf32, #tpu.memory_space<hbm>> -> memref<20224x128xf32, #tpu.memory_space<hbm>>
      tpu.wait_indirect_dma semaphore(%arg17 : memref<!tpu.dma_semaphore, #tpu.memory_space<semaphore_mem>>) src(%dma_wait3A_307 : memref<20224x128xf32, #tpu.memory_space<hbm>>) dst(%arg11 : memref<64x128xf32, #tpu.memory_space<vmem>>)
      %dma_start3A_308 = arith.constant 2 : i32
      %dma_start3A_309 = arith.constant 0 : i32
      %dma_start3A_310 = tpu.memref_slice %arg8[%select_n3A_142, %dma_start3A_308, %dma_start3A_309] : memref<2x5x64xi32, #tpu.memory_space<vmem>> -> memref<1x1x64xi32, #tpu.memory_space<vmem>>
      %dma_start3A_311 = tpu.memref_squeeze %dma_start3A_310 : memref<1x1x64xi32, #tpu.memory_space<vmem>> -> memref<64xi32, #tpu.memory_space<vmem>>
      %dma_start3A_312 = arith.constant 0 : i32
      %dma_start3A_313 = arith.constant 0 : i32
      %dma_start3A_314 = tpu.memref_slice %arg14[%dma_start3A_312, %dma_start3A_313] : memref<10008x128xf32, #tpu.memory_space<vmem_shared>> -> memref<10008x128xf32, #tpu.memory_space<vmem_shared>>
      tpu.enqueue_indirect_dma source(%arg11 : memref<64x128xf32, #tpu.memory_space<vmem>>) target(%dma_start3A_314 : memref<10008x128xf32, #tpu.memory_space<vmem_shared>>) offsets(%dma_start3A_311 : memref<64xi32, #tpu.memory_space<vmem>>) semaphore(%arg22 : memref<!tpu.dma_semaphore, #tpu.memory_space<semaphore_mem>>) {add = true}
      %dma_wait3A_315 = arith.constant 3 : i32
      %dma_wait3A_316 = arith.constant 0 : i32
      %dma_wait3A_317 = tpu.memref_slice %arg7[%select_n3A_142, %dma_wait3A_315, %dma_wait3A_316] : memref<2x5x64xi32, #tpu.memory_space<vmem>> -> memref<1x1x64xi32, #tpu.memory_space<vmem>>
      %dma_wait3A_318 = tpu.memref_squeeze %dma_wait3A_317 : memref<1x1x64xi32, #tpu.memory_space<vmem>> -> memref<64xi32, #tpu.memory_space<vmem>>
      %dma_wait3A_319 = arith.constant 0 : i32
      %dma_wait3A_320 = arith.constant 0 : i32
      %dma_wait3A_321 = tpu.memref_slice %arg2[%dma_wait3A_319, %dma_wait3A_320] : memref<20224x128xf32, #tpu.memory_space<hbm>> -> memref<20224x128xf32, #tpu.memory_space<hbm>>
      tpu.wait_indirect_dma semaphore(%arg18 : memref<!tpu.dma_semaphore, #tpu.memory_space<semaphore_mem>>) src(%dma_wait3A_321 : memref<20224x128xf32, #tpu.memory_space<hbm>>) dst(%arg12 : memref<64x128xf32, #tpu.memory_space<vmem>>)
      %dma_start3A_322 = arith.constant 3 : i32
      %dma_start3A_323 = arith.constant 0 : i32
      %dma_start3A_324 = tpu.memref_slice %arg8[%select_n3A_142, %dma_start3A_322, %dma_start3A_323] : memref<2x5x64xi32, #tpu.memory_space<vmem>> -> memref<1x1x64xi32, #tpu.memory_space<vmem>>
      %dma_start3A_325 = tpu.memref_squeeze %dma_start3A_324 : memref<1x1x64xi32, #tpu.memory_space<vmem>> -> memref<64xi32, #tpu.memory_space<vmem>>
      %dma_start3A_326 = arith.constant 0 : i32
      %dma_start3A_327 = arith.constant 0 : i32
      %dma_start3A_328 = tpu.memref_slice %arg14[%dma_start3A_326, %dma_start3A_327] : memref<10008x128xf32, #tpu.memory_space<vmem_shared>> -> memref<10008x128xf32, #tpu.memory_space<vmem_shared>>
      tpu.enqueue_indirect_dma source(%arg12 : memref<64x128xf32, #tpu.memory_space<vmem>>) target(%dma_start3A_328 : memref<10008x128xf32, #tpu.memory_space<vmem_shared>>) offsets(%dma_start3A_325 : memref<64xi32, #tpu.memory_space<vmem>>) semaphore(%arg23 : memref<!tpu.dma_semaphore, #tpu.memory_space<semaphore_mem>>) {add = true}
      %dma_wait3A_329 = arith.constant 4 : i32
      %dma_wait3A_330 = arith.constant 0 : i32
      %dma_wait3A_331 = tpu.memref_slice %arg7[%select_n3A_142, %dma_wait3A_329, %dma_wait3A_330] : memref<2x5x64xi32, #tpu.memory_space<vmem>> -> memref<1x1x64xi32, #tpu.memory_space<vmem>>
      %dma_wait3A_332 = tpu.memref_squeeze %dma_wait3A_331 : memref<1x1x64xi32, #tpu.memory_space<vmem>> -> memref<64xi32, #tpu.memory_space<vmem>>
      %dma_wait3A_333 = arith.constant 0 : i32
      %dma_wait3A_334 = arith.constant 0 : i32
      %dma_wait3A_335 = tpu.memref_slice %arg2[%dma_wait3A_333, %dma_wait3A_334] : memref<20224x128xf32, #tpu.memory_space<hbm>> -> memref<20224x128xf32, #tpu.memory_space<hbm>>
      tpu.wait_indirect_dma semaphore(%arg19 : memref<!tpu.dma_semaphore, #tpu.memory_space<semaphore_mem>>) src(%dma_wait3A_335 : memref<20224x128xf32, #tpu.memory_space<hbm>>) dst(%arg13 : memref<64x128xf32, #tpu.memory_space<vmem>>)
      %dma_start3A_336 = arith.constant 4 : i32
      %dma_start3A_337 = arith.constant 0 : i32
      %dma_start3A_338 = tpu.memref_slice %arg8[%select_n3A_142, %dma_start3A_336, %dma_start3A_337] : memref<2x5x64xi32, #tpu.memory_space<vmem>> -> memref<1x1x64xi32, #tpu.memory_space<vmem>>
      %dma_start3A_339 = tpu.memref_squeeze %dma_start3A_338 : memref<1x1x64xi32, #tpu.memory_space<vmem>> -> memref<64xi32, #tpu.memory_space<vmem>>
      %dma_start3A_340 = arith.constant 0 : i32
      %dma_start3A_341 = arith.constant 0 : i32
      %dma_start3A_342 = tpu.memref_slice %arg14[%dma_start3A_340, %dma_start3A_341] : memref<10008x128xf32, #tpu.memory_space<vmem_shared>> -> memref<10008x128xf32, #tpu.memory_space<vmem_shared>>
      tpu.enqueue_indirect_dma source(%arg13 : memref<64x128xf32, #tpu.memory_space<vmem>>) target(%dma_start3A_342 : memref<10008x128xf32, #tpu.memory_space<vmem_shared>>) offsets(%dma_start3A_339 : memref<64xi32, #tpu.memory_space<vmem>>) semaphore(%arg24 : memref<!tpu.dma_semaphore, #tpu.memory_space<semaphore_mem>>) {add = true}
    }
    %scan3A_45 = arith.constant 63 : i32
    %dma_wait3A = arith.constant 63 : i32
    %dma_wait3A_46 = arith.constant 1 : i32
    %dma_wait3A_47 = arith.constant 0 : i32
    %dma_wait3A_48 = arith.constant 0 : i32
    %dma_wait3A_49 = tpu.memref_slice %arg7[%dma_wait3A_46, %dma_wait3A_47, %dma_wait3A_48] : memref<2x5x64xi32, #tpu.memory_space<vmem>> -> memref<1x5x64xi32, #tpu.memory_space<vmem>>
    %dma_wait3A_50 = tpu.memref_squeeze %dma_wait3A_49 : memref<1x5x64xi32, #tpu.memory_space<vmem>> -> memref<5x64xi32, #tpu.memory_space<vmem>>
    %dma_wait3A_51 = arith.constant 0 : i32
    %dma_wait3A_52 = arith.constant 0 : i32
    %dma_wait3A_53 = tpu.memref_slice %arg3[%arg0, %arg1, %dma_wait3A, %dma_wait3A_51, %dma_wait3A_52] : memref<2x16x64x5x64xi32, #tpu.memory_space<hbm>> -> memref<1x1x1x5x64xi32, #tpu.memory_space<hbm>>
    %dma_wait3A_54 = tpu.memref_squeeze %dma_wait3A_53 : memref<1x1x1x5x64xi32, #tpu.memory_space<hbm>> -> memref<5x64xi32, #tpu.memory_space<hbm>>
    %dma_wait3A_55 = arith.constant 0 : i32
    %dma_wait3A_56 = arith.constant 0 : i32
    %dma_wait3A_57 = tpu.memref_slice %arg7[%dma_wait3A_46, %dma_wait3A_55, %dma_wait3A_56] : memref<2x5x64xi32, #tpu.memory_space<vmem>> -> memref<1x5x64xi32, #tpu.memory_space<vmem>>
    %dma_wait3A_58 = tpu.memref_squeeze %dma_wait3A_57 : memref<1x5x64xi32, #tpu.memory_space<vmem>> -> memref<5x64xi32, #tpu.memory_space<vmem>>
    %dma_wait3A_59 = arith.constant 0 : i32
    %dma_wait3A_60 = arith.constant 0 : i32
    %dma_wait3A_61 = tpu.memref_slice %arg3[%arg0, %arg1, %dma_wait3A, %dma_wait3A_59, %dma_wait3A_60] : memref<2x16x64x5x64xi32, #tpu.memory_space<hbm>> -> memref<1x1x1x5x64xi32, #tpu.memory_space<hbm>>
    %dma_wait3A_62 = tpu.memref_squeeze %dma_wait3A_61 : memref<1x1x1x5x64xi32, #tpu.memory_space<hbm>> -> memref<5x64xi32, #tpu.memory_space<hbm>>
    tpu.wait_dma2 semaphore(%arg25 : memref<!tpu.dma_semaphore, #tpu.memory_space<semaphore_mem>>) src(%dma_wait3A_62 : memref<5x64xi32, #tpu.memory_space<hbm>>) dst(%dma_wait3A_58 : memref<5x64xi32, #tpu.memory_space<vmem>>)
    %dma_wait3A_63 = arith.constant 63 : i32
    %dma_wait3A_64 = arith.constant 1 : i32
    %dma_wait3A_65 = arith.constant 0 : i32
    %dma_wait3A_66 = arith.constant 0 : i32
    %dma_wait3A_67 = tpu.memref_slice %arg8[%dma_wait3A_64, %dma_wait3A_65, %dma_wait3A_66] : memref<2x5x64xi32, #tpu.memory_space<vmem>> -> memref<1x5x64xi32, #tpu.memory_space<vmem>>
    %dma_wait3A_68 = tpu.memref_squeeze %dma_wait3A_67 : memref<1x5x64xi32, #tpu.memory_space<vmem>> -> memref<5x64xi32, #tpu.memory_space<vmem>>
    %dma_wait3A_69 = arith.constant 0 : i32
    %dma_wait3A_70 = arith.constant 0 : i32
    %dma_wait3A_71 = tpu.memref_slice %arg4[%arg1, %dma_wait3A_63, %dma_wait3A_69, %dma_wait3A_70] : memref<16x64x5x64xi32, #tpu.memory_space<hbm>> -> memref<1x1x5x64xi32, #tpu.memory_space<hbm>>
    %dma_wait3A_72 = tpu.memref_squeeze %dma_wait3A_71 : memref<1x1x5x64xi32, #tpu.memory_space<hbm>> -> memref<5x64xi32, #tpu.memory_space<hbm>>
    %dma_wait3A_73 = arith.constant 0 : i32
    %dma_wait3A_74 = arith.constant 0 : i32
    %dma_wait3A_75 = tpu.memref_slice %arg8[%dma_wait3A_64, %dma_wait3A_73, %dma_wait3A_74] : memref<2x5x64xi32, #tpu.memory_space<vmem>> -> memref<1x5x64xi32, #tpu.memory_space<vmem>>
    %dma_wait3A_76 = tpu.memref_squeeze %dma_wait3A_75 : memref<1x5x64xi32, #tpu.memory_space<vmem>> -> memref<5x64xi32, #tpu.memory_space<vmem>>
    %dma_wait3A_77 = arith.constant 0 : i32
    %dma_wait3A_78 = arith.constant 0 : i32
    %dma_wait3A_79 = tpu.memref_slice %arg4[%arg1, %dma_wait3A_63, %dma_wait3A_77, %dma_wait3A_78] : memref<16x64x5x64xi32, #tpu.memory_space<hbm>> -> memref<1x1x5x64xi32, #tpu.memory_space<hbm>>
    %dma_wait3A_80 = tpu.memref_squeeze %dma_wait3A_79 : memref<1x1x5x64xi32, #tpu.memory_space<hbm>> -> memref<5x64xi32, #tpu.memory_space<hbm>>
    tpu.wait_dma2 semaphore(%arg25 : memref<!tpu.dma_semaphore, #tpu.memory_space<semaphore_mem>>) src(%dma_wait3A_80 : memref<5x64xi32, #tpu.memory_space<hbm>>) dst(%dma_wait3A_76 : memref<5x64xi32, #tpu.memory_space<vmem>>)
    %dma_wait3A_81 = arith.constant 0 : i32
    %dma_wait3A_82 = arith.constant 0 : i32
    %dma_wait3A_83 = arith.constant 0 : i32
    %dma_wait3A_84 = tpu.memref_slice %arg8[%dma_wait3A_81, %dma_wait3A_82, %dma_wait3A_83] : memref<2x5x64xi32, #tpu.memory_space<vmem>> -> memref<1x1x64xi32, #tpu.memory_space<vmem>>
    %dma_wait3A_85 = tpu.memref_squeeze %dma_wait3A_84 : memref<1x1x64xi32, #tpu.memory_space<vmem>> -> memref<64xi32, #tpu.memory_space<vmem>>
    %dma_wait3A_86 = arith.constant 0 : i32
    %dma_wait3A_87 = arith.constant 0 : i32
    %dma_wait3A_88 = tpu.memref_slice %arg14[%dma_wait3A_86, %dma_wait3A_87] : memref<10008x128xf32, #tpu.memory_space<vmem_shared>> -> memref<10008x128xf32, #tpu.memory_space<vmem_shared>>
    tpu.wait_indirect_dma semaphore(%arg20 : memref<!tpu.dma_semaphore, #tpu.memory_space<semaphore_mem>>) src(%arg9 : memref<64x128xf32, #tpu.memory_space<vmem>>) dst(%dma_wait3A_88 : memref<10008x128xf32, #tpu.memory_space<vmem_shared>>)
    %dma_wait3A_89 = arith.constant 0 : i32
    %dma_wait3A_90 = arith.constant 1 : i32
    %dma_wait3A_91 = arith.constant 0 : i32
    %dma_wait3A_92 = tpu.memref_slice %arg8[%dma_wait3A_89, %dma_wait3A_90, %dma_wait3A_91] : memref<2x5x64xi32, #tpu.memory_space<vmem>> -> memref<1x1x64xi32, #tpu.memory_space<vmem>>
    %dma_wait3A_93 = tpu.memref_squeeze %dma_wait3A_92 : memref<1x1x64xi32, #tpu.memory_space<vmem>> -> memref<64xi32, #tpu.memory_space<vmem>>
    %dma_wait3A_94 = arith.constant 0 : i32
    %dma_wait3A_95 = arith.constant 0 : i32
    %dma_wait3A_96 = tpu.memref_slice %arg14[%dma_wait3A_94, %dma_wait3A_95] : memref<10008x128xf32, #tpu.memory_space<vmem_shared>> -> memref<10008x128xf32, #tpu.memory_space<vmem_shared>>
    tpu.wait_indirect_dma semaphore(%arg21 : memref<!tpu.dma_semaphore, #tpu.memory_space<semaphore_mem>>) src(%arg10 : memref<64x128xf32, #tpu.memory_space<vmem>>) dst(%dma_wait3A_96 : memref<10008x128xf32, #tpu.memory_space<vmem_shared>>)
    %dma_wait3A_97 = arith.constant 0 : i32
    %dma_wait3A_98 = arith.constant 2 : i32
    %dma_wait3A_99 = arith.constant 0 : i32
    %dma_wait3A_100 = tpu.memref_slice %arg8[%dma_wait3A_97, %dma_wait3A_98, %dma_wait3A_99] : memref<2x5x64xi32, #tpu.memory_space<vmem>> -> memref<1x1x64xi32, #tpu.memory_space<vmem>>
    %dma_wait3A_101 = tpu.memref_squeeze %dma_wait3A_100 : memref<1x1x64xi32, #tpu.memory_space<vmem>> -> memref<64xi32, #tpu.memory_space<vmem>>
    %dma_wait3A_102 = arith.constant 0 : i32
    %dma_wait3A_103 = arith.constant 0 : i32
    %dma_wait3A_104 = tpu.memref_slice %arg14[%dma_wait3A_102, %dma_wait3A_103] : memref<10008x128xf32, #tpu.memory_space<vmem_shared>> -> memref<10008x128xf32, #tpu.memory_space<vmem_shared>>
    tpu.wait_indirect_dma semaphore(%arg22 : memref<!tpu.dma_semaphore, #tpu.memory_space<semaphore_mem>>) src(%arg11 : memref<64x128xf32, #tpu.memory_space<vmem>>) dst(%dma_wait3A_104 : memref<10008x128xf32, #tpu.memory_space<vmem_shared>>)
    %dma_wait3A_105 = arith.constant 0 : i32
    %dma_wait3A_106 = arith.constant 3 : i32
    %dma_wait3A_107 = arith.constant 0 : i32
    %dma_wait3A_108 = tpu.memref_slice %arg8[%dma_wait3A_105, %dma_wait3A_106, %dma_wait3A_107] : memref<2x5x64xi32, #tpu.memory_space<vmem>> -> memref<1x1x64xi32, #tpu.memory_space<vmem>>
    %dma_wait3A_109 = tpu.memref_squeeze %dma_wait3A_108 : memref<1x1x64xi32, #tpu.memory_space<vmem>> -> memref<64xi32, #tpu.memory_space<vmem>>
    %dma_wait3A_110 = arith.constant 0 : i32
    %dma_wait3A_111 = arith.constant 0 : i32
    %dma_wait3A_112 = tpu.memref_slice %arg14[%dma_wait3A_110, %dma_wait3A_111] : memref<10008x128xf32, #tpu.memory_space<vmem_shared>> -> memref<10008x128xf32, #tpu.memory_space<vmem_shared>>
    tpu.wait_indirect_dma semaphore(%arg23 : memref<!tpu.dma_semaphore, #tpu.memory_space<semaphore_mem>>) src(%arg12 : memref<64x128xf32, #tpu.memory_space<vmem>>) dst(%dma_wait3A_112 : memref<10008x128xf32, #tpu.memory_space<vmem_shared>>)
    %dma_wait3A_113 = arith.constant 0 : i32
    %dma_wait3A_114 = arith.constant 4 : i32
    %dma_wait3A_115 = arith.constant 0 : i32
    %dma_wait3A_116 = tpu.memref_slice %arg8[%dma_wait3A_113, %dma_wait3A_114, %dma_wait3A_115] : memref<2x5x64xi32, #tpu.memory_space<vmem>> -> memref<1x1x64xi32, #tpu.memory_space<vmem>>
    %dma_wait3A_117 = tpu.memref_squeeze %dma_wait3A_116 : memref<1x1x64xi32, #tpu.memory_space<vmem>> -> memref<64xi32, #tpu.memory_space<vmem>>
    %dma_wait3A_118 = arith.constant 0 : i32
    %dma_wait3A_119 = arith.constant 0 : i32
    %dma_wait3A_120 = tpu.memref_slice %arg14[%dma_wait3A_118, %dma_wait3A_119] : memref<10008x128xf32, #tpu.memory_space<vmem_shared>> -> memref<10008x128xf32, #tpu.memory_space<vmem_shared>>
    tpu.wait_indirect_dma semaphore(%arg24 : memref<!tpu.dma_semaphore, #tpu.memory_space<semaphore_mem>>) src(%arg13 : memref<64x128xf32, #tpu.memory_space<vmem>>) dst(%dma_wait3A_120 : memref<10008x128xf32, #tpu.memory_space<vmem_shared>>)
    %barrier3A_121 = arith.constant 0 : index
    tpu.barrier barrier_id(%barrier3A_121)
    %lt3A_122 = arith.constant 15 : i32
    %lt3A_123 = arith.cmpi slt, %arg1, %lt3A_122 : i32
    %convert_element_type3A_124 = arith.extui %lt3A_123 : i1 to i32
    %cond3A_125 = arith.constant 0 : i32
    %cond3A_126 = arith.cmpi ne, %convert_element_type3A_124, %cond3A_125 : i32
    scf.if %cond3A_126 {
      %mul3A = arith.constant 624 : i32
      %mul3A_132 = arith.muli %arg1, %mul3A : i32
      %mul3A_133 = arith.constant 624 : i32
      %mul3A_134 = arith.muli %arg1, %mul3A_133 : i32
      "tpu.region"() ({
        %run_scoped3A = tpu.sem_alloc : memref<!tpu.dma_semaphore, #tpu.memory_space<semaphore_mem>>
        %dma_start3A_135 = arith.constant 0 : i32
        %dma_start3A_136 = tpu.memref_slice %arg6[%arg0, %mul3A_134, %dma_start3A_135] : memref<2x10112x128xf32, #tpu.memory_space<hbm>> -> memref<1x624x128xf32, #tpu.memory_space<hbm>>
        %dma_start3A_137 = tpu.memref_squeeze %dma_start3A_136 : memref<1x624x128xf32, #tpu.memory_space<hbm>> -> memref<624x128xf32, #tpu.memory_space<hbm>>
        %dma_start3A_138 = arith.constant 0 : i32
        %dma_start3A_139 = tpu.memref_slice %arg14[%mul3A_132, %dma_start3A_138] : memref<10008x128xf32, #tpu.memory_space<vmem_shared>> -> memref<624x128xf32, #tpu.memory_space<vmem_shared>>
        tpu.enqueue_dma source(%dma_start3A_139 : memref<624x128xf32, #tpu.memory_space<vmem_shared>>) target(%dma_start3A_137 : memref<624x128xf32, #tpu.memory_space<hbm>>) target_semaphore(%run_scoped3A : memref<!tpu.dma_semaphore, #tpu.memory_space<semaphore_mem>>)
        %dma_wait3A_140 = arith.constant 0 : i32
        %dma_wait3A_141 = tpu.memref_slice %arg6[%arg0, %mul3A_134, %dma_wait3A_140] : memref<2x10112x128xf32, #tpu.memory_space<hbm>> -> memref<1x624x128xf32, #tpu.memory_space<hbm>>
        %dma_wait3A_142 = tpu.memref_squeeze %dma_wait3A_141 : memref<1x624x128xf32, #tpu.memory_space<hbm>> -> memref<624x128xf32, #tpu.memory_space<hbm>>
        %dma_wait3A_143 = arith.constant 0 : i32
        %dma_wait3A_144 = tpu.memref_slice %arg14[%mul3A_132, %dma_wait3A_143] : memref<10008x128xf32, #tpu.memory_space<vmem_shared>> -> memref<624x128xf32, #tpu.memory_space<vmem_shared>>
        tpu.wait_dma2 semaphore(%run_scoped3A : memref<!tpu.dma_semaphore, #tpu.memory_space<semaphore_mem>>) src(%dma_wait3A_144 : memref<624x128xf32, #tpu.memory_space<vmem_shared>>) dst(%dma_wait3A_142 : memref<624x128xf32, #tpu.memory_space<hbm>>)
        tpu.yield
      }) : () -> ()
    } else {
    }
    %eq3A_127 = arith.constant 15 : i32
    %eq3A_128 = arith.cmpi eq, %arg1, %eq3A_127 : i32
    %convert_element_type3A_129 = arith.extui %eq3A_128 : i1 to i32
    %cond3A_130 = arith.constant 0 : i32
    %cond3A_131 = arith.cmpi ne, %convert_element_type3A_129, %cond3A_130 : i32
    scf.if %cond3A_131 {
      "tpu.region"() ({
        %run_scoped3A = tpu.sem_alloc : memref<!tpu.dma_semaphore, #tpu.memory_space<semaphore_mem>>
        %dma_start3A_132 = arith.constant 9360 : i32
        %dma_start3A_133 = arith.constant 0 : i32
        %dma_start3A_134 = tpu.memref_slice %arg6[%arg0, %dma_start3A_132, %dma_start3A_133] : memref<2x10112x128xf32, #tpu.memory_space<hbm>> -> memref<1x640x128xf32, #tpu.memory_space<hbm>>
        %dma_start3A_135 = tpu.memref_squeeze %dma_start3A_134 : memref<1x640x128xf32, #tpu.memory_space<hbm>> -> memref<640x128xf32, #tpu.memory_space<hbm>>
        %dma_start3A_136 = arith.constant 9360 : i32
        %dma_start3A_137 = arith.constant 0 : i32
        %dma_start3A_138 = tpu.memref_slice %arg14[%dma_start3A_136, %dma_start3A_137] : memref<10008x128xf32, #tpu.memory_space<vmem_shared>> -> memref<640x128xf32, #tpu.memory_space<vmem_shared>>
        tpu.enqueue_dma source(%dma_start3A_138 : memref<640x128xf32, #tpu.memory_space<vmem_shared>>) target(%dma_start3A_135 : memref<640x128xf32, #tpu.memory_space<hbm>>) target_semaphore(%run_scoped3A : memref<!tpu.dma_semaphore, #tpu.memory_space<semaphore_mem>>)
        %dma_wait3A_139 = arith.constant 9360 : i32
        %dma_wait3A_140 = arith.constant 0 : i32
        %dma_wait3A_141 = tpu.memref_slice %arg6[%arg0, %dma_wait3A_139, %dma_wait3A_140] : memref<2x10112x128xf32, #tpu.memory_space<hbm>> -> memref<1x640x128xf32, #tpu.memory_space<hbm>>
        %dma_wait3A_142 = tpu.memref_squeeze %dma_wait3A_141 : memref<1x640x128xf32, #tpu.memory_space<hbm>> -> memref<640x128xf32, #tpu.memory_space<hbm>>
        %dma_wait3A_143 = arith.constant 9360 : i32
        %dma_wait3A_144 = arith.constant 0 : i32
        %dma_wait3A_145 = tpu.memref_slice %arg14[%dma_wait3A_143, %dma_wait3A_144] : memref<10008x128xf32, #tpu.memory_space<vmem_shared>> -> memref<640x128xf32, #tpu.memory_space<vmem_shared>>
        tpu.wait_dma2 semaphore(%run_scoped3A : memref<!tpu.dma_semaphore, #tpu.memory_space<semaphore_mem>>) src(%dma_wait3A_145 : memref<640x128xf32, #tpu.memory_space<vmem_shared>>) dst(%dma_wait3A_142 : memref<640x128xf32, #tpu.memory_space<hbm>>)
        tpu.yield
      }) : () -> ()
    } else {
    }
    return
  }
}

#map = affine_map<(d0, d1) -> (0, 0)>
#map1 = affine_map<(d0, d1) -> (0, 0, 0, 0, 0)>
#map2 = affine_map<(d0, d1) -> (0, 0, 0, 0)>
#map3 = affine_map<(d0, d1) -> (0, 0, 0)>
module attributes {stable_mosaic.version = 14 : i64} {
  func.func @body(%arg0: i32, %arg1: i32, %arg2: memref<20224x128xf32, #tpu.memory_space<hbm>>, %arg3: memref<2x16x64x5x64xi32, #tpu.memory_space<hbm>>, %arg4: memref<16x64x5x64xi32, #tpu.memory_space<hbm>>, %arg5: memref<640x128xf32, #tpu.memory_space<hbm>>, %arg6: memref<2x10112x128xf32, #tpu.memory_space<hbm>>, %arg7: memref<2x5x64xi32, #tpu.memory_space<vmem>>, %arg8: memref<2x5x64xi32, #tpu.memory_space<vmem>>, %arg9: memref<64x128xf32, #tpu.memory_space<vmem>>, %arg10: memref<64x128xf32, #tpu.memory_space<vmem>>, %arg11: memref<64x128xf32, #tpu.memory_space<vmem>>, %arg12: memref<64x128xf32, #tpu.memory_space<vmem>>, %arg13: memref<64x128xf32, #tpu.memory_space<vmem>>, %arg14: memref<10008x128xf32, #tpu.memory_space<vmem_shared>>, %arg15: memref<!tpu.dma_semaphore, #tpu.memory_space<semaphore_mem>>, %arg16: memref<!tpu.dma_semaphore, #tpu.memory_space<semaphore_mem>>, %arg17: memref<!tpu.dma_semaphore, #tpu.memory_space<semaphore_mem>>, %arg18: memref<!tpu.dma_semaphore, #tpu.memory_space<semaphore_mem>>, %arg19: memref<!tpu.dma_semaphore, #tpu.memory_space<semaphore_mem>>, %arg20: memref<!tpu.dma_semaphore, #tpu.memory_space<semaphore_mem>>, %arg21: memref<!tpu.dma_semaphore, #tpu.memory_space<semaphore_mem>>, %arg22: memref<!tpu.dma_semaphore, #tpu.memory_space<semaphore_mem>>, %arg23: memref<!tpu.dma_semaphore, #tpu.memory_space<semaphore_mem>>, %arg24: memref<!tpu.dma_semaphore, #tpu.memory_space<semaphore_mem>>, %arg25: memref<!tpu.dma_semaphore, #tpu.memory_space<semaphore_mem>>) attributes {dimension_semantics = [#tpu.dimension_semantics<core_parallel>, #tpu.dimension_semantics<subcore_parallel>], iteration_bounds = array<i64: 2, 16>, scalar_prefetch = 0 : i64, scratch_operands = 19 : i64, tpu.core_type = #tpu.core_type<sc_vector_subcore>, window_params = [{transform_indices = #map}, {transform_indices = #map1}, {transform_indices = #map2}, {transform_indices = #map}, {transform_indices = #map3}]} {
    %lt3A = arith.constant 15 : i32
    %lt3A_0 = arith.cmpi slt, %arg1, %lt3A : i32
    %convert_element_type3A = arith.extui %lt3A_0 : i1 to i32
    %cond3A = arith.constant 0 : i32
    %cond3A_1 = arith.cmpi ne, %convert_element_type3A, %cond3A : i32
    scf.if %cond3A_1 {
      %mul3A = arith.constant 624 : i32
      %mul3A_132 = arith.muli %arg1, %mul3A : i32
      "tpu.region"() ({
        %run_scoped3A = tpu.sem_alloc : memref<!tpu.dma_semaphore, #tpu.memory_space<semaphore_mem>>
        %dma_start3A_133 = arith.constant 0 : i32
        %dma_start3A_134 = tpu.memref_slice %arg14[%mul3A_132, %dma_start3A_133] : memref<10008x128xf32, #tpu.memory_space<vmem_shared>> -> memref<624x128xf32, #tpu.memory_space<vmem_shared>>
        %dma_start3A_135 = arith.constant 0 : i32
        %dma_start3A_136 = arith.constant 0 : i32
        %dma_start3A_137 = tpu.memref_slice %arg5[%dma_start3A_135, %dma_start3A_136] : memref<640x128xf32, #tpu.memory_space<hbm>> -> memref<624x128xf32, #tpu.memory_space<hbm>>
        tpu.enqueue_dma source(%dma_start3A_137 : memref<624x128xf32, #tpu.memory_space<hbm>>) target(%dma_start3A_134 : memref<624x128xf32, #tpu.memory_space<vmem_shared>>) target_semaphore(%run_scoped3A : memref<!tpu.dma_semaphore, #tpu.memory_space<semaphore_mem>>)
        %dma_wait3A_138 = arith.constant 0 : i32
        %dma_wait3A_139 = tpu.memref_slice %arg14[%mul3A_132, %dma_wait3A_138] : memref<10008x128xf32, #tpu.memory_space<vmem_shared>> -> memref<624x128xf32, #tpu.memory_space<vmem_shared>>
        %dma_wait3A_140 = arith.constant 0 : i32
        %dma_wait3A_141 = arith.constant 0 : i32
        %dma_wait3A_142 = tpu.memref_slice %arg5[%dma_wait3A_140, %dma_wait3A_141] : memref<640x128xf32, #tpu.memory_space<hbm>> -> memref<624x128xf32, #tpu.memory_space<hbm>>
        tpu.wait_dma2 semaphore(%run_scoped3A : memref<!tpu.dma_semaphore, #tpu.memory_space<semaphore_mem>>) src(%dma_wait3A_142 : memref<624x128xf32, #tpu.memory_space<hbm>>) dst(%dma_wait3A_139 : memref<624x128xf32, #tpu.memory_space<vmem_shared>>)
        tpu.yield
      }) : () -> ()
    } else {
    }
    %eq3A = arith.constant 15 : i32
    %eq3A_2 = arith.cmpi eq, %arg1, %eq3A : i32
    %convert_element_type3A_3 = arith.extui %eq3A_2 : i1 to i32
    %cond3A_4 = arith.constant 0 : i32
    %cond3A_5 = arith.cmpi ne, %convert_element_type3A_3, %cond3A_4 : i32
    scf.if %cond3A_5 {
      "tpu.region"() ({
        %run_scoped3A = tpu.sem_alloc : memref<!tpu.dma_semaphore, #tpu.memory_space<semaphore_mem>>
        %dma_start3A_132 = arith.constant 9360 : i32
        %dma_start3A_133 = arith.constant 0 : i32
        %dma_start3A_134 = tpu.memref_slice %arg14[%dma_start3A_132, %dma_start3A_133] : memref<10008x128xf32, #tpu.memory_space<vmem_shared>> -> memref<640x128xf32, #tpu.memory_space<vmem_shared>>
        tpu.enqueue_dma source(%arg5 : memref<640x128xf32, #tpu.memory_space<hbm>>) target(%dma_start3A_134 : memref<640x128xf32, #tpu.memory_space<vmem_shared>>) target_semaphore(%run_scoped3A : memref<!tpu.dma_semaphore, #tpu.memory_space<semaphore_mem>>)
        %dma_wait3A_135 = arith.constant 9360 : i32
        %dma_wait3A_136 = arith.constant 0 : i32
        %dma_wait3A_137 = tpu.memref_slice %arg14[%dma_wait3A_135, %dma_wait3A_136] : memref<10008x128xf32, #tpu.memory_space<vmem_shared>> -> memref<640x128xf32, #tpu.memory_space<vmem_shared>>
        tpu.wait_dma2 semaphore(%run_scoped3A : memref<!tpu.dma_semaphore, #tpu.memory_space<semaphore_mem>>) src(%arg5 : memref<640x128xf32, #tpu.memory_space<hbm>>) dst(%dma_wait3A_137 : memref<640x128xf32, #tpu.memory_space<vmem_shared>>)
        tpu.yield
      }) : () -> ()
    } else {
    }
    %dma_start3A = arith.constant 0 : i32
    %dma_start3A_6 = arith.constant 0 : i32
    %dma_start3A_7 = arith.constant 0 : i32
    %dma_start3A_8 = arith.constant 0 : i32
    %dma_start3A_9 = tpu.memref_slice %arg7[%dma_start3A_6, %dma_start3A_7, %dma_start3A_8] : memref<2x5x64xi32, #tpu.memory_space<vmem>> -> memref<1x5x64xi32, #tpu.memory_space<vmem>>
    %dma_start3A_10 = tpu.memref_squeeze %dma_start3A_9 : memref<1x5x64xi32, #tpu.memory_space<vmem>> -> memref<5x64xi32, #tpu.memory_space<vmem>>
    %dma_start3A_11 = arith.constant 0 : i32
    %dma_start3A_12 = arith.constant 0 : i32
    %dma_start3A_13 = tpu.memref_slice %arg3[%arg0, %arg1, %dma_start3A, %dma_start3A_11, %dma_start3A_12] : memref<2x16x64x5x64xi32, #tpu.memory_space<hbm>> -> memref<1x1x1x5x64xi32, #tpu.memory_space<hbm>>
    %dma_start3A_14 = tpu.memref_squeeze %dma_start3A_13 : memref<1x1x1x5x64xi32, #tpu.memory_space<hbm>> -> memref<5x64xi32, #tpu.memory_space<hbm>>
    %dma_start3A_15 = arith.constant 0 : i32
    %dma_start3A_16 = arith.constant 0 : i32
    %dma_start3A_17 = tpu.memref_slice %arg7[%dma_start3A_6, %dma_start3A_15, %dma_start3A_16] : memref<2x5x64xi32, #tpu.memory_space<vmem>> -> memref<1x5x64xi32, #tpu.memory_space<vmem>>
    %dma_start3A_18 = tpu.memref_squeeze %dma_start3A_17 : memref<1x5x64xi32, #tpu.memory_space<vmem>> -> memref<5x64xi32, #tpu.memory_space<vmem>>
    %dma_start3A_19 = arith.constant 0 : i32
    %dma_start3A_20 = arith.constant 0 : i32
    %dma_start3A_21 = tpu.memref_slice %arg3[%arg0, %arg1, %dma_start3A, %dma_start3A_19, %dma_start3A_20] : memref<2x16x64x5x64xi32, #tpu.memory_space<hbm>> -> memref<1x1x1x5x64xi32, #tpu.memory_space<hbm>>
    %dma_start3A_22 = tpu.memref_squeeze %dma_start3A_21 : memref<1x1x1x5x64xi32, #tpu.memory_space<hbm>> -> memref<5x64xi32, #tpu.memory_space<hbm>>
    tpu.enqueue_dma source(%dma_start3A_22 : memref<5x64xi32, #tpu.memory_space<hbm>>) target(%dma_start3A_18 : memref<5x64xi32, #tpu.memory_space<vmem>>) target_semaphore(%arg25 : memref<!tpu.dma_semaphore, #tpu.memory_space<semaphore_mem>>)
    %dma_start3A_23 = arith.constant 0 : i32
    %dma_start3A_24 = arith.constant 0 : i32
    %dma_start3A_25 = arith.constant 0 : i32
    %dma_start3A_26 = arith.constant 0 : i32
    %dma_start3A_27 = tpu.memref_slice %arg8[%dma_start3A_24, %dma_start3A_25, %dma_start3A_26] : memref<2x5x64xi32, #tpu.memory_space<vmem>> -> memref<1x5x64xi32, #tpu.memory_space<vmem>>
    %dma_start3A_28 = tpu.memref_squeeze %dma_start3A_27 : memref<1x5x64xi32, #tpu.memory_space<vmem>> -> memref<5x64xi32, #tpu.memory_space<vmem>>
    %dma_start3A_29 = arith.constant 0 : i32
    %dma_start3A_30 = arith.constant 0 : i32
    %dma_start3A_31 = tpu.memref_slice %arg4[%arg1, %dma_start3A_23, %dma_start3A_29, %dma_start3A_30] : memref<16x64x5x64xi32, #tpu.memory_space<hbm>> -> memref<1x1x5x64xi32, #tpu.memory_space<hbm>>
    %dma_start3A_32 = tpu.memref_squeeze %dma_start3A_31 : memref<1x1x5x64xi32, #tpu.memory_space<hbm>> -> memref<5x64xi32, #tpu.memory_space<hbm>>
    %dma_start3A_33 = arith.constant 0 : i32
    %dma_start3A_34 = arith.constant 0 : i32
    %dma_start3A_35 = tpu.memref_slice %arg8[%dma_start3A_24, %dma_start3A_33, %dma_start3A_34] : memref<2x5x64xi32, #tpu.memory_space<vmem>> -> memref<1x5x64xi32, #tpu.memory_space<vmem>>
    %dma_start3A_36 = tpu.memref_squeeze %dma_start3A_35 : memref<1x5x64xi32, #tpu.memory_space<vmem>> -> memref<5x64xi32, #tpu.memory_space<vmem>>
    %dma_start3A_37 = arith.constant 0 : i32
    %dma_start3A_38 = arith.constant 0 : i32
    %dma_start3A_39 = tpu.memref_slice %arg4[%arg1, %dma_start3A_23, %dma_start3A_37, %dma_start3A_38] : memref<16x64x5x64xi32, #tpu.memory_space<hbm>> -> memref<1x1x5x64xi32, #tpu.memory_space<hbm>>
    %dma_start3A_40 = tpu.memref_squeeze %dma_start3A_39 : memref<1x1x5x64xi32, #tpu.memory_space<hbm>> -> memref<5x64xi32, #tpu.memory_space<hbm>>
    tpu.enqueue_dma source(%dma_start3A_40 : memref<5x64xi32, #tpu.memory_space<hbm>>) target(%dma_start3A_36 : memref<5x64xi32, #tpu.memory_space<vmem>>) target_semaphore(%arg25 : memref<!tpu.dma_semaphore, #tpu.memory_space<semaphore_mem>>)
    %barrier3A = arith.constant 0 : index
    tpu.barrier barrier_id(%barrier3A)
    %scan3A = arith.constant 0 : i32
    %scan3A_41 = arith.constant 0 : i32
    %scan3A_42 = arith.constant 63 : i32
    %scan3A_43 = arith.addi %scan3A_41, %scan3A_42 : i32
    %scan3A_44 = arith.constant 1 : i32
    scf.for %scan3A_132 = %scan3A_41 to %scan3A_43 step %scan3A_44  : i32 {
      %jit3A = arith.constant 2 : i32
      %eq3A_133 = arith.constant 0 : i32
      %eq3A_134 = arith.cmpi eq, %jit3A, %eq3A_133 : i32
      %jit3A_135 = arith.constant 1 : i32
      %select_n3A = arith.select %eq3A_134, %jit3A_135, %jit3A : i32
      %rem3A = arith.remsi %scan3A_132, %select_n3A : i32
      %ne3A = arith.constant 0 : i32
      %ne3A_136 = arith.cmpi ne, %rem3A, %ne3A : i32
      %lt3A_137 = arith.constant 0 : i32
      %lt3A_138 = arith.cmpi slt, %rem3A, %lt3A_137 : i32
      %lt3A_139 = arith.constant 0 : i32
      %lt3A_140 = arith.cmpi slt, %select_n3A, %lt3A_139 : i32
      %ne3A_141 = arith.xori %lt3A_138, %lt3A_140 : i1
      %and3A = arith.andi %ne3A_141, %ne3A_136 : i1
      %add3A = arith.addi %rem3A, %select_n3A : i32
      %select_n3A_142 = arith.select %and3A, %add3A, %rem3A : i32
      %dma_wait3A_143 = arith.constant 0 : i32
      %dma_wait3A_144 = arith.constant 0 : i32
      %dma_wait3A_145 = tpu.memref_slice %arg7[%select_n3A_142, %dma_wait3A_143, %dma_wait3A_144] : memref<2x5x64xi32, #tpu.memory_space<vmem>> -> memref<1x5x64xi32, #tpu.memory_space<vmem>>
      %dma_wait3A_146 = tpu.memref_squeeze %dma_wait3A_145 : memref<1x5x64xi32, #tpu.memory_space<vmem>> -> memref<5x64xi32, #tpu.memory_space<vmem>>
      %dma_wait3A_147 = arith.constant 0 : i32
      %dma_wait3A_148 = arith.constant 0 : i32
      %dma_wait3A_149 = tpu.memref_slice %arg3[%arg0, %arg1, %scan3A_132, %dma_wait3A_147, %dma_wait3A_148] : memref<2x16x64x5x64xi32, #tpu.memory_space<hbm>> -> memref<1x1x1x5x64xi32, #tpu.memory_space<hbm>>
      %dma_wait3A_150 = tpu.memref_squeeze %dma_wait3A_149 : memref<1x1x1x5x64xi32, #tpu.memory_space<hbm>> -> memref<5x64xi32, #tpu.memory_space<hbm>>
      %dma_wait3A_151 = arith.constant 0 : i32
      %dma_wait3A_152 = arith.constant 0 : i32
      %dma_wait3A_153 = tpu.memref_slice %arg7[%select_n3A_142, %dma_wait3A_151, %dma_wait3A_152] : memref<2x5x64xi32, #tpu.memory_space<vmem>> -> memref<1x5x64xi32, #tpu.memory_space<vmem>>
      %dma_wait3A_154 = tpu.memref_squeeze %dma_wait3A_153 : memref<1x5x64xi32, #tpu.memory_space<vmem>> -> memref<5x64xi32, #tpu.memory_space<vmem>>
      %dma_wait3A_155 = arith.constant 0 : i32
      %dma_wait3A_156 = arith.constant 0 : i32
      %dma_wait3A_157 = tpu.memref_slice %arg3[%arg0, %arg1, %scan3A_132, %dma_wait3A_155, %dma_wait3A_156] : memref<2x16x64x5x64xi32, #tpu.memory_space<hbm>> -> memref<1x1x1x5x64xi32, #tpu.memory_space<hbm>>
      %dma_wait3A_158 = tpu.memref_squeeze %dma_wait3A_157 : memref<1x1x1x5x64xi32, #tpu.memory_space<hbm>> -> memref<5x64xi32, #tpu.memory_space<hbm>>
      tpu.wait_dma2 semaphore(%arg25 : memref<!tpu.dma_semaphore, #tpu.memory_space<semaphore_mem>>) src(%dma_wait3A_158 : memref<5x64xi32, #tpu.memory_space<hbm>>) dst(%dma_wait3A_154 : memref<5x64xi32, #tpu.memory_space<vmem>>)
      %dma_wait3A_159 = arith.constant 0 : i32
      %dma_wait3A_160 = arith.constant 0 : i32
      %dma_wait3A_161 = tpu.memref_slice %arg8[%select_n3A_142, %dma_wait3A_159, %dma_wait3A_160] : memref<2x5x64xi32, #tpu.memory_space<vmem>> -> memref<1x5x64xi32, #tpu.memory_space<vmem>>
      %dma_wait3A_162 = tpu.memref_squeeze %dma_wait3A_161 : memref<1x5x64xi32, #tpu.memory_space<vmem>> -> memref<5x64xi32, #tpu.memory_space<vmem>>
      %dma_wait3A_163 = arith.constant 0 : i32
      %dma_wait3A_164 = arith.constant 0 : i32
      %dma_wait3A_165 = tpu.memref_slice %arg4[%arg1, %scan3A_132, %dma_wait3A_163, %dma_wait3A_164] : memref<16x64x5x64xi32, #tpu.memory_space<hbm>> -> memref<1x1x5x64xi32, #tpu.memory_space<hbm>>
      %dma_wait3A_166 = tpu.memref_squeeze %dma_wait3A_165 : memref<1x1x5x64xi32, #tpu.memory_space<hbm>> -> memref<5x64xi32, #tpu.memory_space<hbm>>
      %dma_wait3A_167 = arith.constant 0 : i32
      %dma_wait3A_168 = arith.constant 0 : i32
      %dma_wait3A_169 = tpu.memref_slice %arg8[%select_n3A_142, %dma_wait3A_167, %dma_wait3A_168] : memref<2x5x64xi32, #tpu.memory_space<vmem>> -> memref<1x5x64xi32, #tpu.memory_space<vmem>>
      %dma_wait3A_170 = tpu.memref_squeeze %dma_wait3A_169 : memref<1x5x64xi32, #tpu.memory_space<vmem>> -> memref<5x64xi32, #tpu.memory_space<vmem>>
      %dma_wait3A_171 = arith.constant 0 : i32
      %dma_wait3A_172 = arith.constant 0 : i32
      %dma_wait3A_173 = tpu.memref_slice %arg4[%arg1, %scan3A_132, %dma_wait3A_171, %dma_wait3A_172] : memref<16x64x5x64xi32, #tpu.memory_space<hbm>> -> memref<1x1x5x64xi32, #tpu.memory_space<hbm>>
      %dma_wait3A_174 = tpu.memref_squeeze %dma_wait3A_173 : memref<1x1x5x64xi32, #tpu.memory_space<hbm>> -> memref<5x64xi32, #tpu.memory_space<hbm>>
      tpu.wait_dma2 semaphore(%arg25 : memref<!tpu.dma_semaphore, #tpu.memory_space<semaphore_mem>>) src(%dma_wait3A_174 : memref<5x64xi32, #tpu.memory_space<hbm>>) dst(%dma_wait3A_170 : memref<5x64xi32, #tpu.memory_space<vmem>>)
      %gt3A = arith.constant 0 : i32
      %gt3A_175 = arith.cmpi sgt, %scan3A_132, %gt3A : i32
      %convert_element_type3A_176 = arith.extui %gt3A_175 : i1 to i32
      %cond3A_177 = arith.constant 0 : i32
      %cond3A_178 = arith.cmpi ne, %convert_element_type3A_176, %cond3A_177 : i32
      scf.if %cond3A_178 {
        %sub3A_343 = arith.constant 1 : i32
        %sub3A_344 = arith.subi %sub3A_343, %select_n3A_142 : i32
        %dma_wait3A_345 = arith.constant 0 : i32
        %dma_wait3A_346 = arith.constant 0 : i32
        %dma_wait3A_347 = tpu.memref_slice %arg8[%sub3A_344, %dma_wait3A_345, %dma_wait3A_346] : memref<2x5x64xi32, #tpu.memory_space<vmem>> -> memref<1x1x64xi32, #tpu.memory_space<vmem>>
        %dma_wait3A_348 = tpu.memref_squeeze %dma_wait3A_347 : memref<1x1x64xi32, #tpu.memory_space<vmem>> -> memref<64xi32, #tpu.memory_space<vmem>>
        %dma_wait3A_349 = arith.constant 0 : i32
        %dma_wait3A_350 = arith.constant 0 : i32
        %dma_wait3A_351 = tpu.memref_slice %arg14[%dma_wait3A_349, %dma_wait3A_350] : memref<10008x128xf32, #tpu.memory_space<vmem_shared>> -> memref<10008x128xf32, #tpu.memory_space<vmem_shared>>
        tpu.wait_indirect_dma semaphore(%arg20 : memref<!tpu.dma_semaphore, #tpu.memory_space<semaphore_mem>>) src(%arg9 : memref<64x128xf32, #tpu.memory_space<vmem>>) dst(%dma_wait3A_351 : memref<10008x128xf32, #tpu.memory_space<vmem_shared>>)
      } else {
      }
      %dma_start3A_179 = arith.constant 0 : i32
      %dma_start3A_180 = arith.constant 0 : i32
      %dma_start3A_181 = tpu.memref_slice %arg7[%select_n3A_142, %dma_start3A_179, %dma_start3A_180] : memref<2x5x64xi32, #tpu.memory_space<vmem>> -> memref<1x1x64xi32, #tpu.memory_space<vmem>>
      %dma_start3A_182 = tpu.memref_squeeze %dma_start3A_181 : memref<1x1x64xi32, #tpu.memory_space<vmem>> -> memref<64xi32, #tpu.memory_space<vmem>>
      %dma_start3A_183 = arith.constant 0 : i32
      %dma_start3A_184 = arith.constant 0 : i32
      %dma_start3A_185 = tpu.memref_slice %arg2[%dma_start3A_183, %dma_start3A_184] : memref<20224x128xf32, #tpu.memory_space<hbm>> -> memref<20224x128xf32, #tpu.memory_space<hbm>>
      tpu.enqueue_indirect_dma source(%dma_start3A_185 : memref<20224x128xf32, #tpu.memory_space<hbm>>) target(%arg9 : memref<64x128xf32, #tpu.memory_space<vmem>>) offsets(%dma_start3A_182 : memref<64xi32, #tpu.memory_space<vmem>>) semaphore(%arg15 : memref<!tpu.dma_semaphore, #tpu.memory_space<semaphore_mem>>)
      %gt3A_186 = arith.constant 0 : i32
      %gt3A_187 = arith.cmpi sgt, %scan3A_132, %gt3A_186 : i32
      %convert_element_type3A_188 = arith.extui %gt3A_187 : i1 to i32
      %cond3A_189 = arith.constant 0 : i32
      %cond3A_190 = arith.cmpi ne, %convert_element_type3A_188, %cond3A_189 : i32
      scf.if %cond3A_190 {
        %sub3A_343 = arith.constant 1 : i32
        %sub3A_344 = arith.subi %sub3A_343, %select_n3A_142 : i32
        %dma_wait3A_345 = arith.constant 1 : i32
        %dma_wait3A_346 = arith.constant 0 : i32
        %dma_wait3A_347 = tpu.memref_slice %arg8[%sub3A_344, %dma_wait3A_345, %dma_wait3A_346] : memref<2x5x64xi32, #tpu.memory_space<vmem>> -> memref<1x1x64xi32, #tpu.memory_space<vmem>>
        %dma_wait3A_348 = tpu.memref_squeeze %dma_wait3A_347 : memref<1x1x64xi32, #tpu.memory_space<vmem>> -> memref<64xi32, #tpu.memory_space<vmem>>
        %dma_wait3A_349 = arith.constant 0 : i32
        %dma_wait3A_350 = arith.constant 0 : i32
        %dma_wait3A_351 = tpu.memref_slice %arg14[%dma_wait3A_349, %dma_wait3A_350] : memref<10008x128xf32, #tpu.memory_space<vmem_shared>> -> memref<10008x128xf32, #tpu.memory_space<vmem_shared>>
        tpu.wait_indirect_dma semaphore(%arg21 : memref<!tpu.dma_semaphore, #tpu.memory_space<semaphore_mem>>) src(%arg10 : memref<64x128xf32, #tpu.memory_space<vmem>>) dst(%dma_wait3A_351 : memref<10008x128xf32, #tpu.memory_space<vmem_shared>>)
      } else {
      }
      %dma_start3A_191 = arith.constant 1 : i32
      %dma_start3A_192 = arith.constant 0 : i32
      %dma_start3A_193 = tpu.memref_slice %arg7[%select_n3A_142, %dma_start3A_191, %dma_start3A_192] : memref<2x5x64xi32, #tpu.memory_space<vmem>> -> memref<1x1x64xi32, #tpu.memory_space<vmem>>
      %dma_start3A_194 = tpu.memref_squeeze %dma_start3A_193 : memref<1x1x64xi32, #tpu.memory_space<vmem>> -> memref<64xi32, #tpu.memory_space<vmem>>
      %dma_start3A_195 = arith.constant 0 : i32
      %dma_start3A_196 = arith.constant 0 : i32
      %dma_start3A_197 = tpu.memref_slice %arg2[%dma_start3A_195, %dma_start3A_196] : memref<20224x128xf32, #tpu.memory_space<hbm>> -> memref<20224x128xf32, #tpu.memory_space<hbm>>
      tpu.enqueue_indirect_dma source(%dma_start3A_197 : memref<20224x128xf32, #tpu.memory_space<hbm>>) target(%arg10 : memref<64x128xf32, #tpu.memory_space<vmem>>) offsets(%dma_start3A_194 : memref<64xi32, #tpu.memory_space<vmem>>) semaphore(%arg16 : memref<!tpu.dma_semaphore, #tpu.memory_space<semaphore_mem>>)
      %gt3A_198 = arith.constant 0 : i32
      %gt3A_199 = arith.cmpi sgt, %scan3A_132, %gt3A_198 : i32
      %convert_element_type3A_200 = arith.extui %gt3A_199 : i1 to i32
      %cond3A_201 = arith.constant 0 : i32
      %cond3A_202 = arith.cmpi ne, %convert_element_type3A_200, %cond3A_201 : i32
      scf.if %cond3A_202 {
        %sub3A_343 = arith.constant 1 : i32
        %sub3A_344 = arith.subi %sub3A_343, %select_n3A_142 : i32
        %dma_wait3A_345 = arith.constant 2 : i32
        %dma_wait3A_346 = arith.constant 0 : i32
        %dma_wait3A_347 = tpu.memref_slice %arg8[%sub3A_344, %dma_wait3A_345, %dma_wait3A_346] : memref<2x5x64xi32, #tpu.memory_space<vmem>> -> memref<1x1x64xi32, #tpu.memory_space<vmem>>
        %dma_wait3A_348 = tpu.memref_squeeze %dma_wait3A_347 : memref<1x1x64xi32, #tpu.memory_space<vmem>> -> memref<64xi32, #tpu.memory_space<vmem>>
        %dma_wait3A_349 = arith.constant 0 : i32
        %dma_wait3A_350 = arith.constant 0 : i32
        %dma_wait3A_351 = tpu.memref_slice %arg14[%dma_wait3A_349, %dma_wait3A_350] : memref<10008x128xf32, #tpu.memory_space<vmem_shared>> -> memref<10008x128xf32, #tpu.memory_space<vmem_shared>>
        tpu.wait_indirect_dma semaphore(%arg22 : memref<!tpu.dma_semaphore, #tpu.memory_space<semaphore_mem>>) src(%arg11 : memref<64x128xf32, #tpu.memory_space<vmem>>) dst(%dma_wait3A_351 : memref<10008x128xf32, #tpu.memory_space<vmem_shared>>)
      } else {
      }
      %dma_start3A_203 = arith.constant 2 : i32
      %dma_start3A_204 = arith.constant 0 : i32
      %dma_start3A_205 = tpu.memref_slice %arg7[%select_n3A_142, %dma_start3A_203, %dma_start3A_204] : memref<2x5x64xi32, #tpu.memory_space<vmem>> -> memref<1x1x64xi32, #tpu.memory_space<vmem>>
      %dma_start3A_206 = tpu.memref_squeeze %dma_start3A_205 : memref<1x1x64xi32, #tpu.memory_space<vmem>> -> memref<64xi32, #tpu.memory_space<vmem>>
      %dma_start3A_207 = arith.constant 0 : i32
      %dma_start3A_208 = arith.constant 0 : i32
      %dma_start3A_209 = tpu.memref_slice %arg2[%dma_start3A_207, %dma_start3A_208] : memref<20224x128xf32, #tpu.memory_space<hbm>> -> memref<20224x128xf32, #tpu.memory_space<hbm>>
      tpu.enqueue_indirect_dma source(%dma_start3A_209 : memref<20224x128xf32, #tpu.memory_space<hbm>>) target(%arg11 : memref<64x128xf32, #tpu.memory_space<vmem>>) offsets(%dma_start3A_206 : memref<64xi32, #tpu.memory_space<vmem>>) semaphore(%arg17 : memref<!tpu.dma_semaphore, #tpu.memory_space<semaphore_mem>>)
      %gt3A_210 = arith.constant 0 : i32
      %gt3A_211 = arith.cmpi sgt, %scan3A_132, %gt3A_210 : i32
      %convert_element_type3A_212 = arith.extui %gt3A_211 : i1 to i32
      %cond3A_213 = arith.constant 0 : i32
      %cond3A_214 = arith.cmpi ne, %convert_element_type3A_212, %cond3A_213 : i32
      scf.if %cond3A_214 {
        %sub3A_343 = arith.constant 1 : i32
        %sub3A_344 = arith.subi %sub3A_343, %select_n3A_142 : i32
        %dma_wait3A_345 = arith.constant 3 : i32
        %dma_wait3A_346 = arith.constant 0 : i32
        %dma_wait3A_347 = tpu.memref_slice %arg8[%sub3A_344, %dma_wait3A_345, %dma_wait3A_346] : memref<2x5x64xi32, #tpu.memory_space<vmem>> -> memref<1x1x64xi32, #tpu.memory_space<vmem>>
        %dma_wait3A_348 = tpu.memref_squeeze %dma_wait3A_347 : memref<1x1x64xi32, #tpu.memory_space<vmem>> -> memref<64xi32, #tpu.memory_space<vmem>>
        %dma_wait3A_349 = arith.constant 0 : i32
        %dma_wait3A_350 = arith.constant 0 : i32
        %dma_wait3A_351 = tpu.memref_slice %arg14[%dma_wait3A_349, %dma_wait3A_350] : memref<10008x128xf32, #tpu.memory_space<vmem_shared>> -> memref<10008x128xf32, #tpu.memory_space<vmem_shared>>
        tpu.wait_indirect_dma semaphore(%arg23 : memref<!tpu.dma_semaphore, #tpu.memory_space<semaphore_mem>>) src(%arg12 : memref<64x128xf32, #tpu.memory_space<vmem>>) dst(%dma_wait3A_351 : memref<10008x128xf32, #tpu.memory_space<vmem_shared>>)
      } else {
      }
      %dma_start3A_215 = arith.constant 3 : i32
      %dma_start3A_216 = arith.constant 0 : i32
      %dma_start3A_217 = tpu.memref_slice %arg7[%select_n3A_142, %dma_start3A_215, %dma_start3A_216] : memref<2x5x64xi32, #tpu.memory_space<vmem>> -> memref<1x1x64xi32, #tpu.memory_space<vmem>>
      %dma_start3A_218 = tpu.memref_squeeze %dma_start3A_217 : memref<1x1x64xi32, #tpu.memory_space<vmem>> -> memref<64xi32, #tpu.memory_space<vmem>>
      %dma_start3A_219 = arith.constant 0 : i32
      %dma_start3A_220 = arith.constant 0 : i32
      %dma_start3A_221 = tpu.memref_slice %arg2[%dma_start3A_219, %dma_start3A_220] : memref<20224x128xf32, #tpu.memory_space<hbm>> -> memref<20224x128xf32, #tpu.memory_space<hbm>>
      tpu.enqueue_indirect_dma source(%dma_start3A_221 : memref<20224x128xf32, #tpu.memory_space<hbm>>) target(%arg12 : memref<64x128xf32, #tpu.memory_space<vmem>>) offsets(%dma_start3A_218 : memref<64xi32, #tpu.memory_space<vmem>>) semaphore(%arg18 : memref<!tpu.dma_semaphore, #tpu.memory_space<semaphore_mem>>)
      %gt3A_222 = arith.constant 0 : i32
      %gt3A_223 = arith.cmpi sgt, %scan3A_132, %gt3A_222 : i32
      %convert_element_type3A_224 = arith.extui %gt3A_223 : i1 to i32
      %cond3A_225 = arith.constant 0 : i32
      %cond3A_226 = arith.cmpi ne, %convert_element_type3A_224, %cond3A_225 : i32
      scf.if %cond3A_226 {
        %sub3A_343 = arith.constant 1 : i32
        %sub3A_344 = arith.subi %sub3A_343, %select_n3A_142 : i32
        %dma_wait3A_345 = arith.constant 4 : i32
        %dma_wait3A_346 = arith.constant 0 : i32
        %dma_wait3A_347 = tpu.memref_slice %arg8[%sub3A_344, %dma_wait3A_345, %dma_wait3A_346] : memref<2x5x64xi32, #tpu.memory_space<vmem>> -> memref<1x1x64xi32, #tpu.memory_space<vmem>>
        %dma_wait3A_348 = tpu.memref_squeeze %dma_wait3A_347 : memref<1x1x64xi32, #tpu.memory_space<vmem>> -> memref<64xi32, #tpu.memory_space<vmem>>
        %dma_wait3A_349 = arith.constant 0 : i32
        %dma_wait3A_350 = arith.constant 0 : i32
        %dma_wait3A_351 = tpu.memref_slice %arg14[%dma_wait3A_349, %dma_wait3A_350] : memref<10008x128xf32, #tpu.memory_space<vmem_shared>> -> memref<10008x128xf32, #tpu.memory_space<vmem_shared>>
        tpu.wait_indirect_dma semaphore(%arg24 : memref<!tpu.dma_semaphore, #tpu.memory_space<semaphore_mem>>) src(%arg13 : memref<64x128xf32, #tpu.memory_space<vmem>>) dst(%dma_wait3A_351 : memref<10008x128xf32, #tpu.memory_space<vmem_shared>>)
      } else {
      }
      %dma_start3A_227 = arith.constant 4 : i32
      %dma_start3A_228 = arith.constant 0 : i32
      %dma_start3A_229 = tpu.memref_slice %arg7[%select_n3A_142, %dma_start3A_227, %dma_start3A_228] : memref<2x5x64xi32, #tpu.memory_space<vmem>> -> memref<1x1x64xi32, #tpu.memory_space<vmem>>
      %dma_start3A_230 = tpu.memref_squeeze %dma_start3A_229 : memref<1x1x64xi32, #tpu.memory_space<vmem>> -> memref<64xi32, #tpu.memory_space<vmem>>
      %dma_start3A_231 = arith.constant 0 : i32
      %dma_start3A_232 = arith.constant 0 : i32
      %dma_start3A_233 = tpu.memref_slice %arg2[%dma_start3A_231, %dma_start3A_232] : memref<20224x128xf32, #tpu.memory_space<hbm>> -> memref<20224x128xf32, #tpu.memory_space<hbm>>
      tpu.enqueue_indirect_dma source(%dma_start3A_233 : memref<20224x128xf32, #tpu.memory_space<hbm>>) target(%arg13 : memref<64x128xf32, #tpu.memory_space<vmem>>) offsets(%dma_start3A_230 : memref<64xi32, #tpu.memory_space<vmem>>) semaphore(%arg19 : memref<!tpu.dma_semaphore, #tpu.memory_space<semaphore_mem>>)
      %add3A_234 = arith.constant 1 : i32
      %add3A_235 = arith.addi %scan3A_132, %add3A_234 : i32
      %sub3A = arith.constant 1 : i32
      %sub3A_236 = arith.subi %sub3A, %select_n3A_142 : i32
      %dma_start3A_237 = arith.constant 0 : i32
      %dma_start3A_238 = arith.constant 0 : i32
      %dma_start3A_239 = tpu.memref_slice %arg7[%sub3A_236, %dma_start3A_237, %dma_start3A_238] : memref<2x5x64xi32, #tpu.memory_space<vmem>> -> memref<1x5x64xi32, #tpu.memory_space<vmem>>
      %dma_start3A_240 = tpu.memref_squeeze %dma_start3A_239 : memref<1x5x64xi32, #tpu.memory_space<vmem>> -> memref<5x64xi32, #tpu.memory_space<vmem>>
      %dma_start3A_241 = arith.constant 0 : i32
      %dma_start3A_242 = arith.constant 0 : i32
      %dma_start3A_243 = tpu.memref_slice %arg3[%arg0, %arg1, %add3A_235, %dma_start3A_241, %dma_start3A_242] : memref<2x16x64x5x64xi32, #tpu.memory_space<hbm>> -> memref<1x1x1x5x64xi32, #tpu.memory_space<hbm>>
      %dma_start3A_244 = tpu.memref_squeeze %dma_start3A_243 : memref<1x1x1x5x64xi32, #tpu.memory_space<hbm>> -> memref<5x64xi32, #tpu.memory_space<hbm>>
      %dma_start3A_245 = arith.constant 0 : i32
      %dma_start3A_246 = arith.constant 0 : i32
      %dma_start3A_247 = tpu.memref_slice %arg7[%sub3A_236, %dma_start3A_245, %dma_start3A_246] : memref<2x5x64xi32, #tpu.memory_space<vmem>> -> memref<1x5x64xi32, #tpu.memory_space<vmem>>
      %dma_start3A_248 = tpu.memref_squeeze %dma_start3A_247 : memref<1x5x64xi32, #tpu.memory_space<vmem>> -> memref<5x64xi32, #tpu.memory_space<vmem>>
      %dma_start3A_249 = arith.constant 0 : i32
      %dma_start3A_250 = arith.constant 0 : i32
      %dma_start3A_251 = tpu.memref_slice %arg3[%arg0, %arg1, %add3A_235, %dma_start3A_249, %dma_start3A_250] : memref<2x16x64x5x64xi32, #tpu.memory_space<hbm>> -> memref<1x1x1x5x64xi32, #tpu.memory_space<hbm>>
      %dma_start3A_252 = tpu.memref_squeeze %dma_start3A_251 : memref<1x1x1x5x64xi32, #tpu.memory_space<hbm>> -> memref<5x64xi32, #tpu.memory_space<hbm>>
      tpu.enqueue_dma source(%dma_start3A_252 : memref<5x64xi32, #tpu.memory_space<hbm>>) target(%dma_start3A_248 : memref<5x64xi32, #tpu.memory_space<vmem>>) target_semaphore(%arg25 : memref<!tpu.dma_semaphore, #tpu.memory_space<semaphore_mem>>)
      %add3A_253 = arith.constant 1 : i32
      %add3A_254 = arith.addi %scan3A_132, %add3A_253 : i32
      %sub3A_255 = arith.constant 1 : i32
      %sub3A_256 = arith.subi %sub3A_255, %select_n3A_142 : i32
      %dma_start3A_257 = arith.constant 0 : i32
      %dma_start3A_258 = arith.constant 0 : i32
      %dma_start3A_259 = tpu.memref_slice %arg8[%sub3A_256, %dma_start3A_257, %dma_start3A_258] : memref<2x5x64xi32, #tpu.memory_space<vmem>> -> memref<1x5x64xi32, #tpu.memory_space<vmem>>
      %dma_start3A_260 = tpu.memref_squeeze %dma_start3A_259 : memref<1x5x64xi32, #tpu.memory_space<vmem>> -> memref<5x64xi32, #tpu.memory_space<vmem>>
      %dma_start3A_261 = arith.constant 0 : i32
      %dma_start3A_262 = arith.constant 0 : i32
      %dma_start3A_263 = tpu.memref_slice %arg4[%arg1, %add3A_254, %dma_start3A_261, %dma_start3A_262] : memref<16x64x5x64xi32, #tpu.memory_space<hbm>> -> memref<1x1x5x64xi32, #tpu.memory_space<hbm>>
      %dma_start3A_264 = tpu.memref_squeeze %dma_start3A_263 : memref<1x1x5x64xi32, #tpu.memory_space<hbm>> -> memref<5x64xi32, #tpu.memory_space<hbm>>
      %dma_start3A_265 = arith.constant 0 : i32
      %dma_start3A_266 = arith.constant 0 : i32
      %dma_start3A_267 = tpu.memref_slice %arg8[%sub3A_256, %dma_start3A_265, %dma_start3A_266] : memref<2x5x64xi32, #tpu.memory_space<vmem>> -> memref<1x5x64xi32, #tpu.memory_space<vmem>>
      %dma_start3A_268 = tpu.memref_squeeze %dma_start3A_267 : memref<1x5x64xi32, #tpu.memory_space<vmem>> -> memref<5x64xi32, #tpu.memory_space<vmem>>
      %dma_start3A_269 = arith.constant 0 : i32
      %dma_start3A_270 = arith.constant 0 : i32
      %dma_start3A_271 = tpu.memref_slice %arg4[%arg1, %add3A_254, %dma_start3A_269, %dma_start3A_270] : memref<16x64x5x64xi32, #tpu.memory_space<hbm>> -> memref<1x1x5x64xi32, #tpu.memory_space<hbm>>
      %dma_start3A_272 = tpu.memref_squeeze %dma_start3A_271 : memref<1x1x5x64xi32, #tpu.memory_space<hbm>> -> memref<5x64xi32, #tpu.memory_space<hbm>>
      tpu.enqueue_dma source(%dma_start3A_272 : memref<5x64xi32, #tpu.memory_space<hbm>>) target(%dma_start3A_268 : memref<5x64xi32, #tpu.memory_space<vmem>>) target_semaphore(%arg25 : memref<!tpu.dma_semaphore, #tpu.memory_space<semaphore_mem>>)
      %dma_wait3A_273 = arith.constant 0 : i32
      %dma_wait3A_274 = arith.constant 0 : i32
      %dma_wait3A_275 = tpu.memref_slice %arg7[%select_n3A_142, %dma_wait3A_273, %dma_wait3A_274] : memref<2x5x64xi32, #tpu.memory_space<vmem>> -> memref<1x1x64xi32, #tpu.memory_space<vmem>>
      %dma_wait3A_276 = tpu.memref_squeeze %dma_wait3A_275 : memref<1x1x64xi32, #tpu.memory_space<vmem>> -> memref<64xi32, #tpu.memory_space<vmem>>
      %dma_wait3A_277 = arith.constant 0 : i32
      %dma_wait3A_278 = arith.constant 0 : i32
      %dma_wait3A_279 = tpu.memref_slice %arg2[%dma_wait3A_277, %dma_wait3A_278] : memref<20224x128xf32, #tpu.memory_space<hbm>> -> memref<20224x128xf32, #tpu.memory_space<hbm>>
      tpu.wait_indirect_dma semaphore(%arg15 : memref<!tpu.dma_semaphore, #tpu.memory_space<semaphore_mem>>) src(%dma_wait3A_279 : memref<20224x128xf32, #tpu.memory_space<hbm>>) dst(%arg9 : memref<64x128xf32, #tpu.memory_space<vmem>>)
      %dma_start3A_280 = arith.constant 0 : i32
      %dma_start3A_281 = arith.constant 0 : i32
      %dma_start3A_282 = tpu.memref_slice %arg8[%select_n3A_142, %dma_start3A_280, %dma_start3A_281] : memref<2x5x64xi32, #tpu.memory_space<vmem>> -> memref<1x1x64xi32, #tpu.memory_space<vmem>>
      %dma_start3A_283 = tpu.memref_squeeze %dma_start3A_282 : memref<1x1x64xi32, #tpu.memory_space<vmem>> -> memref<64xi32, #tpu.memory_space<vmem>>
      %dma_start3A_284 = arith.constant 0 : i32
      %dma_start3A_285 = arith.constant 0 : i32
      %dma_start3A_286 = tpu.memref_slice %arg14[%dma_start3A_284, %dma_start3A_285] : memref<10008x128xf32, #tpu.memory_space<vmem_shared>> -> memref<10008x128xf32, #tpu.memory_space<vmem_shared>>
      tpu.enqueue_indirect_dma source(%arg9 : memref<64x128xf32, #tpu.memory_space<vmem>>) target(%dma_start3A_286 : memref<10008x128xf32, #tpu.memory_space<vmem_shared>>) offsets(%dma_start3A_283 : memref<64xi32, #tpu.memory_space<vmem>>) semaphore(%arg20 : memref<!tpu.dma_semaphore, #tpu.memory_space<semaphore_mem>>) {add = true}
      %dma_wait3A_287 = arith.constant 1 : i32
      %dma_wait3A_288 = arith.constant 0 : i32
      %dma_wait3A_289 = tpu.memref_slice %arg7[%select_n3A_142, %dma_wait3A_287, %dma_wait3A_288] : memref<2x5x64xi32, #tpu.memory_space<vmem>> -> memref<1x1x64xi32, #tpu.memory_space<vmem>>
      %dma_wait3A_290 = tpu.memref_squeeze %dma_wait3A_289 : memref<1x1x64xi32, #tpu.memory_space<vmem>> -> memref<64xi32, #tpu.memory_space<vmem>>
      %dma_wait3A_291 = arith.constant 0 : i32
      %dma_wait3A_292 = arith.constant 0 : i32
      %dma_wait3A_293 = tpu.memref_slice %arg2[%dma_wait3A_291, %dma_wait3A_292] : memref<20224x128xf32, #tpu.memory_space<hbm>> -> memref<20224x128xf32, #tpu.memory_space<hbm>>
      tpu.wait_indirect_dma semaphore(%arg16 : memref<!tpu.dma_semaphore, #tpu.memory_space<semaphore_mem>>) src(%dma_wait3A_293 : memref<20224x128xf32, #tpu.memory_space<hbm>>) dst(%arg10 : memref<64x128xf32, #tpu.memory_space<vmem>>)
      %dma_start3A_294 = arith.constant 1 : i32
      %dma_start3A_295 = arith.constant 0 : i32
      %dma_start3A_296 = tpu.memref_slice %arg8[%select_n3A_142, %dma_start3A_294, %dma_start3A_295] : memref<2x5x64xi32, #tpu.memory_space<vmem>> -> memref<1x1x64xi32, #tpu.memory_space<vmem>>
      %dma_start3A_297 = tpu.memref_squeeze %dma_start3A_296 : memref<1x1x64xi32, #tpu.memory_space<vmem>> -> memref<64xi32, #tpu.memory_space<vmem>>
      %dma_start3A_298 = arith.constant 0 : i32
      %dma_start3A_299 = arith.constant 0 : i32
      %dma_start3A_300 = tpu.memref_slice %arg14[%dma_start3A_298, %dma_start3A_299] : memref<10008x128xf32, #tpu.memory_space<vmem_shared>> -> memref<10008x128xf32, #tpu.memory_space<vmem_shared>>
      tpu.enqueue_indirect_dma source(%arg10 : memref<64x128xf32, #tpu.memory_space<vmem>>) target(%dma_start3A_300 : memref<10008x128xf32, #tpu.memory_space<vmem_shared>>) offsets(%dma_start3A_297 : memref<64xi32, #tpu.memory_space<vmem>>) semaphore(%arg21 : memref<!tpu.dma_semaphore, #tpu.memory_space<semaphore_mem>>) {add = true}
      %dma_wait3A_301 = arith.constant 2 : i32
      %dma_wait3A_302 = arith.constant 0 : i32
      %dma_wait3A_303 = tpu.memref_slice %arg7[%select_n3A_142, %dma_wait3A_301, %dma_wait3A_302] : memref<2x5x64xi32, #tpu.memory_space<vmem>> -> memref<1x1x64xi32, #tpu.memory_space<vmem>>
      %dma_wait3A_304 = tpu.memref_squeeze %dma_wait3A_303 : memref<1x1x64xi32, #tpu.memory_space<vmem>> -> memref<64xi32, #tpu.memory_space<vmem>>
      %dma_wait3A_305 = arith.constant 0 : i32
      %dma_wait3A_306 = arith.constant 0 : i32
      %dma_wait3A_307 = tpu.memref_slice %arg2[%dma_wait3A_305, %dma_wait3A_306] : memref<20224x128xf32, #tpu.memory_space<hbm>> -> memref<20224x128xf32, #tpu.memory_space<hbm>>
      tpu.wait_indirect_dma semaphore(%arg17 : memref<!tpu.dma_semaphore, #tpu.memory_space<semaphore_mem>>) src(%dma_wait3A_307 : memref<20224x128xf32, #tpu.memory_space<hbm>>) dst(%arg11 : memref<64x128xf32, #tpu.memory_space<vmem>>)
      %dma_start3A_308 = arith.constant 2 : i32
      %dma_start3A_309 = arith.constant 0 : i32
      %dma_start3A_310 = tpu.memref_slice %arg8[%select_n3A_142, %dma_start3A_308, %dma_start3A_309] : memref<2x5x64xi32, #tpu.memory_space<vmem>> -> memref<1x1x64xi32, #tpu.memory_space<vmem>>
      %dma_start3A_311 = tpu.memref_squeeze %dma_start3A_310 : memref<1x1x64xi32, #tpu.memory_space<vmem>> -> memref<64xi32, #tpu.memory_space<vmem>>
      %dma_start3A_312 = arith.constant 0 : i32
      %dma_start3A_313 = arith.constant 0 : i32
      %dma_start3A_314 = tpu.memref_slice %arg14[%dma_start3A_312, %dma_start3A_313] : memref<10008x128xf32, #tpu.memory_space<vmem_shared>> -> memref<10008x128xf32, #tpu.memory_space<vmem_shared>>
      tpu.enqueue_indirect_dma source(%arg11 : memref<64x128xf32, #tpu.memory_space<vmem>>) target(%dma_start3A_314 : memref<10008x128xf32, #tpu.memory_space<vmem_shared>>) offsets(%dma_start3A_311 : memref<64xi32, #tpu.memory_space<vmem>>) semaphore(%arg22 : memref<!tpu.dma_semaphore, #tpu.memory_space<semaphore_mem>>) {add = true}
      %dma_wait3A_315 = arith.constant 3 : i32
      %dma_wait3A_316 = arith.constant 0 : i32
      %dma_wait3A_317 = tpu.memref_slice %arg7[%select_n3A_142, %dma_wait3A_315, %dma_wait3A_316] : memref<2x5x64xi32, #tpu.memory_space<vmem>> -> memref<1x1x64xi32, #tpu.memory_space<vmem>>
      %dma_wait3A_318 = tpu.memref_squeeze %dma_wait3A_317 : memref<1x1x64xi32, #tpu.memory_space<vmem>> -> memref<64xi32, #tpu.memory_space<vmem>>
      %dma_wait3A_319 = arith.constant 0 : i32
      %dma_wait3A_320 = arith.constant 0 : i32
      %dma_wait3A_321 = tpu.memref_slice %arg2[%dma_wait3A_319, %dma_wait3A_320] : memref<20224x128xf32, #tpu.memory_space<hbm>> -> memref<20224x128xf32, #tpu.memory_space<hbm>>
      tpu.wait_indirect_dma semaphore(%arg18 : memref<!tpu.dma_semaphore, #tpu.memory_space<semaphore_mem>>) src(%dma_wait3A_321 : memref<20224x128xf32, #tpu.memory_space<hbm>>) dst(%arg12 : memref<64x128xf32, #tpu.memory_space<vmem>>)
      %dma_start3A_322 = arith.constant 3 : i32
      %dma_start3A_323 = arith.constant 0 : i32
      %dma_start3A_324 = tpu.memref_slice %arg8[%select_n3A_142, %dma_start3A_322, %dma_start3A_323] : memref<2x5x64xi32, #tpu.memory_space<vmem>> -> memref<1x1x64xi32, #tpu.memory_space<vmem>>
      %dma_start3A_325 = tpu.memref_squeeze %dma_start3A_324 : memref<1x1x64xi32, #tpu.memory_space<vmem>> -> memref<64xi32, #tpu.memory_space<vmem>>
      %dma_start3A_326 = arith.constant 0 : i32
      %dma_start3A_327 = arith.constant 0 : i32
      %dma_start3A_328 = tpu.memref_slice %arg14[%dma_start3A_326, %dma_start3A_327] : memref<10008x128xf32, #tpu.memory_space<vmem_shared>> -> memref<10008x128xf32, #tpu.memory_space<vmem_shared>>
      tpu.enqueue_indirect_dma source(%arg12 : memref<64x128xf32, #tpu.memory_space<vmem>>) target(%dma_start3A_328 : memref<10008x128xf32, #tpu.memory_space<vmem_shared>>) offsets(%dma_start3A_325 : memref<64xi32, #tpu.memory_space<vmem>>) semaphore(%arg23 : memref<!tpu.dma_semaphore, #tpu.memory_space<semaphore_mem>>) {add = true}
      %dma_wait3A_329 = arith.constant 4 : i32
      %dma_wait3A_330 = arith.constant 0 : i32
      %dma_wait3A_331 = tpu.memref_slice %arg7[%select_n3A_142, %dma_wait3A_329, %dma_wait3A_330] : memref<2x5x64xi32, #tpu.memory_space<vmem>> -> memref<1x1x64xi32, #tpu.memory_space<vmem>>
      %dma_wait3A_332 = tpu.memref_squeeze %dma_wait3A_331 : memref<1x1x64xi32, #tpu.memory_space<vmem>> -> memref<64xi32, #tpu.memory_space<vmem>>
      %dma_wait3A_333 = arith.constant 0 : i32
      %dma_wait3A_334 = arith.constant 0 : i32
      %dma_wait3A_335 = tpu.memref_slice %arg2[%dma_wait3A_333, %dma_wait3A_334] : memref<20224x128xf32, #tpu.memory_space<hbm>> -> memref<20224x128xf32, #tpu.memory_space<hbm>>
      tpu.wait_indirect_dma semaphore(%arg19 : memref<!tpu.dma_semaphore, #tpu.memory_space<semaphore_mem>>) src(%dma_wait3A_335 : memref<20224x128xf32, #tpu.memory_space<hbm>>) dst(%arg13 : memref<64x128xf32, #tpu.memory_space<vmem>>)
      %dma_start3A_336 = arith.constant 4 : i32
      %dma_start3A_337 = arith.constant 0 : i32
      %dma_start3A_338 = tpu.memref_slice %arg8[%select_n3A_142, %dma_start3A_336, %dma_start3A_337] : memref<2x5x64xi32, #tpu.memory_space<vmem>> -> memref<1x1x64xi32, #tpu.memory_space<vmem>>
      %dma_start3A_339 = tpu.memref_squeeze %dma_start3A_338 : memref<1x1x64xi32, #tpu.memory_space<vmem>> -> memref<64xi32, #tpu.memory_space<vmem>>
      %dma_start3A_340 = arith.constant 0 : i32
      %dma_start3A_341 = arith.constant 0 : i32
      %dma_start3A_342 = tpu.memref_slice %arg14[%dma_start3A_340, %dma_start3A_341] : memref<10008x128xf32, #tpu.memory_space<vmem_shared>> -> memref<10008x128xf32, #tpu.memory_space<vmem_shared>>
      tpu.enqueue_indirect_dma source(%arg13 : memref<64x128xf32, #tpu.memory_space<vmem>>) target(%dma_start3A_342 : memref<10008x128xf32, #tpu.memory_space<vmem_shared>>) offsets(%dma_start3A_339 : memref<64xi32, #tpu.memory_space<vmem>>) semaphore(%arg24 : memref<!tpu.dma_semaphore, #tpu.memory_space<semaphore_mem>>) {add = true}
    }
    %scan3A_45 = arith.constant 63 : i32
    %dma_wait3A = arith.constant 63 : i32
    %dma_wait3A_46 = arith.constant 1 : i32
    %dma_wait3A_47 = arith.constant 0 : i32
    %dma_wait3A_48 = arith.constant 0 : i32
    %dma_wait3A_49 = tpu.memref_slice %arg7[%dma_wait3A_46, %dma_wait3A_47, %dma_wait3A_48] : memref<2x5x64xi32, #tpu.memory_space<vmem>> -> memref<1x5x64xi32, #tpu.memory_space<vmem>>
    %dma_wait3A_50 = tpu.memref_squeeze %dma_wait3A_49 : memref<1x5x64xi32, #tpu.memory_space<vmem>> -> memref<5x64xi32, #tpu.memory_space<vmem>>
    %dma_wait3A_51 = arith.constant 0 : i32
    %dma_wait3A_52 = arith.constant 0 : i32
    %dma_wait3A_53 = tpu.memref_slice %arg3[%arg0, %arg1, %dma_wait3A, %dma_wait3A_51, %dma_wait3A_52] : memref<2x16x64x5x64xi32, #tpu.memory_space<hbm>> -> memref<1x1x1x5x64xi32, #tpu.memory_space<hbm>>
    %dma_wait3A_54 = tpu.memref_squeeze %dma_wait3A_53 : memref<1x1x1x5x64xi32, #tpu.memory_space<hbm>> -> memref<5x64xi32, #tpu.memory_space<hbm>>
    %dma_wait3A_55 = arith.constant 0 : i32
    %dma_wait3A_56 = arith.constant 0 : i32
    %dma_wait3A_57 = tpu.memref_slice %arg7[%dma_wait3A_46, %dma_wait3A_55, %dma_wait3A_56] : memref<2x5x64xi32, #tpu.memory_space<vmem>> -> memref<1x5x64xi32, #tpu.memory_space<vmem>>
    %dma_wait3A_58 = tpu.memref_squeeze %dma_wait3A_57 : memref<1x5x64xi32, #tpu.memory_space<vmem>> -> memref<5x64xi32, #tpu.memory_space<vmem>>
    %dma_wait3A_59 = arith.constant 0 : i32
    %dma_wait3A_60 = arith.constant 0 : i32
    %dma_wait3A_61 = tpu.memref_slice %arg3[%arg0, %arg1, %dma_wait3A, %dma_wait3A_59, %dma_wait3A_60] : memref<2x16x64x5x64xi32, #tpu.memory_space<hbm>> -> memref<1x1x1x5x64xi32, #tpu.memory_space<hbm>>
    %dma_wait3A_62 = tpu.memref_squeeze %dma_wait3A_61 : memref<1x1x1x5x64xi32, #tpu.memory_space<hbm>> -> memref<5x64xi32, #tpu.memory_space<hbm>>
    tpu.wait_dma2 semaphore(%arg25 : memref<!tpu.dma_semaphore, #tpu.memory_space<semaphore_mem>>) src(%dma_wait3A_62 : memref<5x64xi32, #tpu.memory_space<hbm>>) dst(%dma_wait3A_58 : memref<5x64xi32, #tpu.memory_space<vmem>>)
    %dma_wait3A_63 = arith.constant 63 : i32
    %dma_wait3A_64 = arith.constant 1 : i32
    %dma_wait3A_65 = arith.constant 0 : i32
    %dma_wait3A_66 = arith.constant 0 : i32
    %dma_wait3A_67 = tpu.memref_slice %arg8[%dma_wait3A_64, %dma_wait3A_65, %dma_wait3A_66] : memref<2x5x64xi32, #tpu.memory_space<vmem>> -> memref<1x5x64xi32, #tpu.memory_space<vmem>>
    %dma_wait3A_68 = tpu.memref_squeeze %dma_wait3A_67 : memref<1x5x64xi32, #tpu.memory_space<vmem>> -> memref<5x64xi32, #tpu.memory_space<vmem>>
    %dma_wait3A_69 = arith.constant 0 : i32
    %dma_wait3A_70 = arith.constant 0 : i32
    %dma_wait3A_71 = tpu.memref_slice %arg4[%arg1, %dma_wait3A_63, %dma_wait3A_69, %dma_wait3A_70] : memref<16x64x5x64xi32, #tpu.memory_space<hbm>> -> memref<1x1x5x64xi32, #tpu.memory_space<hbm>>
    %dma_wait3A_72 = tpu.memref_squeeze %dma_wait3A_71 : memref<1x1x5x64xi32, #tpu.memory_space<hbm>> -> memref<5x64xi32, #tpu.memory_space<hbm>>
    %dma_wait3A_73 = arith.constant 0 : i32
    %dma_wait3A_74 = arith.constant 0 : i32
    %dma_wait3A_75 = tpu.memref_slice %arg8[%dma_wait3A_64, %dma_wait3A_73, %dma_wait3A_74] : memref<2x5x64xi32, #tpu.memory_space<vmem>> -> memref<1x5x64xi32, #tpu.memory_space<vmem>>
    %dma_wait3A_76 = tpu.memref_squeeze %dma_wait3A_75 : memref<1x5x64xi32, #tpu.memory_space<vmem>> -> memref<5x64xi32, #tpu.memory_space<vmem>>
    %dma_wait3A_77 = arith.constant 0 : i32
    %dma_wait3A_78 = arith.constant 0 : i32
    %dma_wait3A_79 = tpu.memref_slice %arg4[%arg1, %dma_wait3A_63, %dma_wait3A_77, %dma_wait3A_78] : memref<16x64x5x64xi32, #tpu.memory_space<hbm>> -> memref<1x1x5x64xi32, #tpu.memory_space<hbm>>
    %dma_wait3A_80 = tpu.memref_squeeze %dma_wait3A_79 : memref<1x1x5x64xi32, #tpu.memory_space<hbm>> -> memref<5x64xi32, #tpu.memory_space<hbm>>
    tpu.wait_dma2 semaphore(%arg25 : memref<!tpu.dma_semaphore, #tpu.memory_space<semaphore_mem>>) src(%dma_wait3A_80 : memref<5x64xi32, #tpu.memory_space<hbm>>) dst(%dma_wait3A_76 : memref<5x64xi32, #tpu.memory_space<vmem>>)
    %dma_wait3A_81 = arith.constant 0 : i32
    %dma_wait3A_82 = arith.constant 0 : i32
    %dma_wait3A_83 = arith.constant 0 : i32
    %dma_wait3A_84 = tpu.memref_slice %arg8[%dma_wait3A_81, %dma_wait3A_82, %dma_wait3A_83] : memref<2x5x64xi32, #tpu.memory_space<vmem>> -> memref<1x1x64xi32, #tpu.memory_space<vmem>>
    %dma_wait3A_85 = tpu.memref_squeeze %dma_wait3A_84 : memref<1x1x64xi32, #tpu.memory_space<vmem>> -> memref<64xi32, #tpu.memory_space<vmem>>
    %dma_wait3A_86 = arith.constant 0 : i32
    %dma_wait3A_87 = arith.constant 0 : i32
    %dma_wait3A_88 = tpu.memref_slice %arg14[%dma_wait3A_86, %dma_wait3A_87] : memref<10008x128xf32, #tpu.memory_space<vmem_shared>> -> memref<10008x128xf32, #tpu.memory_space<vmem_shared>>
    tpu.wait_indirect_dma semaphore(%arg20 : memref<!tpu.dma_semaphore, #tpu.memory_space<semaphore_mem>>) src(%arg9 : memref<64x128xf32, #tpu.memory_space<vmem>>) dst(%dma_wait3A_88 : memref<10008x128xf32, #tpu.memory_space<vmem_shared>>)
    %dma_wait3A_89 = arith.constant 0 : i32
    %dma_wait3A_90 = arith.constant 1 : i32
    %dma_wait3A_91 = arith.constant 0 : i32
    %dma_wait3A_92 = tpu.memref_slice %arg8[%dma_wait3A_89, %dma_wait3A_90, %dma_wait3A_91] : memref<2x5x64xi32, #tpu.memory_space<vmem>> -> memref<1x1x64xi32, #tpu.memory_space<vmem>>
    %dma_wait3A_93 = tpu.memref_squeeze %dma_wait3A_92 : memref<1x1x64xi32, #tpu.memory_space<vmem>> -> memref<64xi32, #tpu.memory_space<vmem>>
    %dma_wait3A_94 = arith.constant 0 : i32
    %dma_wait3A_95 = arith.constant 0 : i32
    %dma_wait3A_96 = tpu.memref_slice %arg14[%dma_wait3A_94, %dma_wait3A_95] : memref<10008x128xf32, #tpu.memory_space<vmem_shared>> -> memref<10008x128xf32, #tpu.memory_space<vmem_shared>>
    tpu.wait_indirect_dma semaphore(%arg21 : memref<!tpu.dma_semaphore, #tpu.memory_space<semaphore_mem>>) src(%arg10 : memref<64x128xf32, #tpu.memory_space<vmem>>) dst(%dma_wait3A_96 : memref<10008x128xf32, #tpu.memory_space<vmem_shared>>)
    %dma_wait3A_97 = arith.constant 0 : i32
    %dma_wait3A_98 = arith.constant 2 : i32
    %dma_wait3A_99 = arith.constant 0 : i32
    %dma_wait3A_100 = tpu.memref_slice %arg8[%dma_wait3A_97, %dma_wait3A_98, %dma_wait3A_99] : memref<2x5x64xi32, #tpu.memory_space<vmem>> -> memref<1x1x64xi32, #tpu.memory_space<vmem>>
    %dma_wait3A_101 = tpu.memref_squeeze %dma_wait3A_100 : memref<1x1x64xi32, #tpu.memory_space<vmem>> -> memref<64xi32, #tpu.memory_space<vmem>>
    %dma_wait3A_102 = arith.constant 0 : i32
    %dma_wait3A_103 = arith.constant 0 : i32
    %dma_wait3A_104 = tpu.memref_slice %arg14[%dma_wait3A_102, %dma_wait3A_103] : memref<10008x128xf32, #tpu.memory_space<vmem_shared>> -> memref<10008x128xf32, #tpu.memory_space<vmem_shared>>
    tpu.wait_indirect_dma semaphore(%arg22 : memref<!tpu.dma_semaphore, #tpu.memory_space<semaphore_mem>>) src(%arg11 : memref<64x128xf32, #tpu.memory_space<vmem>>) dst(%dma_wait3A_104 : memref<10008x128xf32, #tpu.memory_space<vmem_shared>>)
    %dma_wait3A_105 = arith.constant 0 : i32
    %dma_wait3A_106 = arith.constant 3 : i32
    %dma_wait3A_107 = arith.constant 0 : i32
    %dma_wait3A_108 = tpu.memref_slice %arg8[%dma_wait3A_105, %dma_wait3A_106, %dma_wait3A_107] : memref<2x5x64xi32, #tpu.memory_space<vmem>> -> memref<1x1x64xi32, #tpu.memory_space<vmem>>
    %dma_wait3A_109 = tpu.memref_squeeze %dma_wait3A_108 : memref<1x1x64xi32, #tpu.memory_space<vmem>> -> memref<64xi32, #tpu.memory_space<vmem>>
    %dma_wait3A_110 = arith.constant 0 : i32
    %dma_wait3A_111 = arith.constant 0 : i32
    %dma_wait3A_112 = tpu.memref_slice %arg14[%dma_wait3A_110, %dma_wait3A_111] : memref<10008x128xf32, #tpu.memory_space<vmem_shared>> -> memref<10008x128xf32, #tpu.memory_space<vmem_shared>>
    tpu.wait_indirect_dma semaphore(%arg23 : memref<!tpu.dma_semaphore, #tpu.memory_space<semaphore_mem>>) src(%arg12 : memref<64x128xf32, #tpu.memory_space<vmem>>) dst(%dma_wait3A_112 : memref<10008x128xf32, #tpu.memory_space<vmem_shared>>)
    %dma_wait3A_113 = arith.constant 0 : i32
    %dma_wait3A_114 = arith.constant 4 : i32
    %dma_wait3A_115 = arith.constant 0 : i32
    %dma_wait3A_116 = tpu.memref_slice %arg8[%dma_wait3A_113, %dma_wait3A_114, %dma_wait3A_115] : memref<2x5x64xi32, #tpu.memory_space<vmem>> -> memref<1x1x64xi32, #tpu.memory_space<vmem>>
    %dma_wait3A_117 = tpu.memref_squeeze %dma_wait3A_116 : memref<1x1x64xi32, #tpu.memory_space<vmem>> -> memref<64xi32, #tpu.memory_space<vmem>>
    %dma_wait3A_118 = arith.constant 0 : i32
    %dma_wait3A_119 = arith.constant 0 : i32
    %dma_wait3A_120 = tpu.memref_slice %arg14[%dma_wait3A_118, %dma_wait3A_119] : memref<10008x128xf32, #tpu.memory_space<vmem_shared>> -> memref<10008x128xf32, #tpu.memory_space<vmem_shared>>
    tpu.wait_indirect_dma semaphore(%arg24 : memref<!tpu.dma_semaphore, #tpu.memory_space<semaphore_mem>>) src(%arg13 : memref<64x128xf32, #tpu.memory_space<vmem>>) dst(%dma_wait3A_120 : memref<10008x128xf32, #tpu.memory_space<vmem_shared>>)
    %barrier3A_121 = arith.constant 0 : index
    tpu.barrier barrier_id(%barrier3A_121)
    %lt3A_122 = arith.constant 15 : i32
    %lt3A_123 = arith.cmpi slt, %arg1, %lt3A_122 : i32
    %convert_element_type3A_124 = arith.extui %lt3A_123 : i1 to i32
    %cond3A_125 = arith.constant 0 : i32
    %cond3A_126 = arith.cmpi ne, %convert_element_type3A_124, %cond3A_125 : i32
    scf.if %cond3A_126 {
      %mul3A = arith.constant 624 : i32
      %mul3A_132 = arith.muli %arg1, %mul3A : i32
      %mul3A_133 = arith.constant 624 : i32
      %mul3A_134 = arith.muli %arg1, %mul3A_133 : i32
      "tpu.region"() ({
        %run_scoped3A = tpu.sem_alloc : memref<!tpu.dma_semaphore, #tpu.memory_space<semaphore_mem>>
        %dma_start3A_135 = arith.constant 0 : i32
        %dma_start3A_136 = tpu.memref_slice %arg6[%arg0, %mul3A_134, %dma_start3A_135] : memref<2x10112x128xf32, #tpu.memory_space<hbm>> -> memref<1x624x128xf32, #tpu.memory_space<hbm>>
        %dma_start3A_137 = tpu.memref_squeeze %dma_start3A_136 : memref<1x624x128xf32, #tpu.memory_space<hbm>> -> memref<624x128xf32, #tpu.memory_space<hbm>>
        %dma_start3A_138 = arith.constant 0 : i32
        %dma_start3A_139 = tpu.memref_slice %arg14[%mul3A_132, %dma_start3A_138] : memref<10008x128xf32, #tpu.memory_space<vmem_shared>> -> memref<624x128xf32, #tpu.memory_space<vmem_shared>>
        tpu.enqueue_dma source(%dma_start3A_139 : memref<624x128xf32, #tpu.memory_space<vmem_shared>>) target(%dma_start3A_137 : memref<624x128xf32, #tpu.memory_space<hbm>>) target_semaphore(%run_scoped3A : memref<!tpu.dma_semaphore, #tpu.memory_space<semaphore_mem>>)
        %dma_wait3A_140 = arith.constant 0 : i32
        %dma_wait3A_141 = tpu.memref_slice %arg6[%arg0, %mul3A_134, %dma_wait3A_140] : memref<2x10112x128xf32, #tpu.memory_space<hbm>> -> memref<1x624x128xf32, #tpu.memory_space<hbm>>
        %dma_wait3A_142 = tpu.memref_squeeze %dma_wait3A_141 : memref<1x624x128xf32, #tpu.memory_space<hbm>> -> memref<624x128xf32, #tpu.memory_space<hbm>>
        %dma_wait3A_143 = arith.constant 0 : i32
        %dma_wait3A_144 = tpu.memref_slice %arg14[%mul3A_132, %dma_wait3A_143] : memref<10008x128xf32, #tpu.memory_space<vmem_shared>> -> memref<624x128xf32, #tpu.memory_space<vmem_shared>>
        tpu.wait_dma2 semaphore(%run_scoped3A : memref<!tpu.dma_semaphore, #tpu.memory_space<semaphore_mem>>) src(%dma_wait3A_144 : memref<624x128xf32, #tpu.memory_space<vmem_shared>>) dst(%dma_wait3A_142 : memref<624x128xf32, #tpu.memory_space<hbm>>)
        tpu.yield
      }) : () -> ()
    } else {
    }
    %eq3A_127 = arith.constant 15 : i32
    %eq3A_128 = arith.cmpi eq, %arg1, %eq3A_127 : i32
    %convert_element_type3A_129 = arith.extui %eq3A_128 : i1 to i32
    %cond3A_130 = arith.constant 0 : i32
    %cond3A_131 = arith.cmpi ne, %convert_element_type3A_129, %cond3A_130 : i32
    scf.if %cond3A_131 {
      "tpu.region"() ({
        %run_scoped3A = tpu.sem_alloc : memref<!tpu.dma_semaphore, #tpu.memory_space<semaphore_mem>>
        %dma_start3A_132 = arith.constant 9360 : i32
        %dma_start3A_133 = arith.constant 0 : i32
        %dma_start3A_134 = tpu.memref_slice %arg6[%arg0, %dma_start3A_132, %dma_start3A_133] : memref<2x10112x128xf32, #tpu.memory_space<hbm>> -> memref<1x640x128xf32, #tpu.memory_space<hbm>>
        %dma_start3A_135 = tpu.memref_squeeze %dma_start3A_134 : memref<1x640x128xf32, #tpu.memory_space<hbm>> -> memref<640x128xf32, #tpu.memory_space<hbm>>
        %dma_start3A_136 = arith.constant 9360 : i32
        %dma_start3A_137 = arith.constant 0 : i32
        %dma_start3A_138 = tpu.memref_slice %arg14[%dma_start3A_136, %dma_start3A_137] : memref<10008x128xf32, #tpu.memory_space<vmem_shared>> -> memref<640x128xf32, #tpu.memory_space<vmem_shared>>
        tpu.enqueue_dma source(%dma_start3A_138 : memref<640x128xf32, #tpu.memory_space<vmem_shared>>) target(%dma_start3A_135 : memref<640x128xf32, #tpu.memory_space<hbm>>) target_semaphore(%run_scoped3A : memref<!tpu.dma_semaphore, #tpu.memory_space<semaphore_mem>>)
        %dma_wait3A_139 = arith.constant 9360 : i32
        %dma_wait3A_140 = arith.constant 0 : i32
        %dma_wait3A_141 = tpu.memref_slice %arg6[%arg0, %dma_wait3A_139, %dma_wait3A_140] : memref<2x10112x128xf32, #tpu.memory_space<hbm>> -> memref<1x640x128xf32, #tpu.memory_space<hbm>>
        %dma_wait3A_142 = tpu.memref_squeeze %dma_wait3A_141 : memref<1x640x128xf32, #tpu.memory_space<hbm>> -> memref<640x128xf32, #tpu.memory_space<hbm>>
        %dma_wait3A_143 = arith.constant 9360 : i32
        %dma_wait3A_144 = arith.constant 0 : i32
        %dma_wait3A_145 = tpu.memref_slice %arg14[%dma_wait3A_143, %dma_wait3A_144] : memref<10008x128xf32, #tpu.memory_space<vmem_shared>> -> memref<640x128xf32, #tpu.memory_space<vmem_shared>>
        tpu.wait_dma2 semaphore(%run_scoped3A : memref<!tpu.dma_semaphore, #tpu.memory_space<semaphore_mem>>) src(%dma_wait3A_145 : memref<640x128xf32, #tpu.memory_space<vmem_shared>>) dst(%dma_wait3A_142 : memref<640x128xf32, #tpu.memory_space<hbm>>)
        tpu.yield
      }) : () -> ()
    } else {
    }
    return
  }
}

module attributes {stable_mosaic.version = 14 : i64} {
  func.func @_prep_body(%arg0: memref<10000x128xf32, #tpu.memory_space<vmem>>, %arg1: memref<20224x128xf32, #tpu.memory_space<vmem>>) attributes {dimension_semantics = [], scalar_prefetch = 0 : i64, scratch_operands = 0 : i64, tpu.core_type = #tpu.core_type<tc>} {
    %get3A = arith.constant 0 : index
    %get3A_0 = arith.constant 0 : index
    %get3A_1 = vector.load %arg0[%get3A, %get3A_0] : memref<10000x128xf32, #tpu.memory_space<vmem>>, vector<10000x128xf32>
    %max3A = arith.constant 0.000000e+00 : f32
    %max3A_2 = vector.broadcast %max3A : f32 to vector<10000x128xf32>
    %max3A_3 = arith.maximumf %get3A_1, %max3A_2 : vector<10000x128xf32>
    %add3A = arith.constant 1.000000e-07 : f32
    %add3A_4 = vector.broadcast %add3A : f32 to vector<10000x128xf32>
    %add3A_5 = arith.addf %max3A_3, %add3A_4 : vector<10000x128xf32>
    %exp3A = math.exp %add3A_5 : vector<10000x128xf32>
    %mul3A = arith.mulf %add3A_5, %exp3A : vector<10000x128xf32>
    %swap3A = arith.constant 0 : index
    %swap3A_6 = arith.constant 0 : index
    %swap3A_7 = vector.load %arg1[%swap3A, %swap3A_6] : memref<20224x128xf32, #tpu.memory_space<vmem>>, vector<10000x128xf32>
    tpu.vector_store %arg1[%swap3A, %swap3A_6], %mul3A {strides = array<i32>} : memref<20224x128xf32, #tpu.memory_space<vmem>>, vector<10000x128xf32>,
    %swap3A_8 = arith.constant 10112 : index
    %swap3A_9 = arith.constant 0 : index
    %swap3A_10 = vector.load %arg1[%swap3A_8, %swap3A_9] : memref<20224x128xf32, #tpu.memory_space<vmem>>, vector<10000x128xf32>
    tpu.vector_store %arg1[%swap3A_8, %swap3A_9], %exp3A {strides = array<i32>} : memref<20224x128xf32, #tpu.memory_space<vmem>>, vector<10000x128xf32>,
    return
  }
}

module attributes {stable_mosaic.version = 14 : i64} {
  func.func @_dense_body(%arg0: memref<10000x128xf32, #tpu.memory_space<vmem>>, %arg1: memref<2x10112x128xf32, #tpu.memory_space<vmem>>, %arg2: memref<128x256xf32, #tpu.memory_space<vmem>>, %arg3: memref<1x256xf32, #tpu.memory_space<vmem>>, %arg4: memref<1x256xf32, #tpu.memory_space<vmem>>, %arg5: memref<1x256xf32, #tpu.memory_space<vmem>>, %arg6: memref<256x128xf32, #tpu.memory_space<vmem>>, %arg7: memref<1x128xf32, #tpu.memory_space<vmem>>, %arg8: memref<128x128xf32, #tpu.memory_space<vmem>>, %arg9: memref<1x128xf32, #tpu.memory_space<vmem>>, %arg10: memref<10000x128xf32, #tpu.memory_space<vmem>>, %arg11: memref<20224x128xf32, #tpu.memory_space<vmem>>) attributes {dimension_semantics = [], scalar_prefetch = 0 : i64, scratch_operands = 0 : i64, tpu.core_type = #tpu.core_type<tc>} {
    %get3A = arith.constant 0 : index
    %get3A_0 = arith.constant 0 : index
    %get3A_1 = arith.constant 0 : index
    %get3A_2 = vector.load %arg1[%get3A, %get3A_0, %get3A_1] : memref<2x10112x128xf32, #tpu.memory_space<vmem>>, vector<1x10000x128xf32>
    %get3A_3 = vector.shape_cast %get3A_2 : vector<1x10000x128xf32> to vector<10000x128xf32>
    %get3A_4 = arith.constant 1 : index
    %get3A_5 = arith.constant 0 : index
    %get3A_6 = arith.constant 0 : index
    %get3A_7 = vector.load %arg1[%get3A_4, %get3A_5, %get3A_6] : memref<2x10112x128xf32, #tpu.memory_space<vmem>>, vector<1x10000x128xf32>
    %get3A_8 = vector.shape_cast %get3A_7 : vector<1x10000x128xf32> to vector<10000x128xf32>
    %add3A = arith.constant 1.000000e-16 : f32
    %add3A_9 = vector.broadcast %add3A : f32 to vector<10000x128xf32>
    %add3A_10 = arith.addf %get3A_8, %add3A_9 : vector<10000x128xf32>
    %div3A = arith.divf %get3A_3, %add3A_10 : vector<10000x128xf32>
    %get3A_11 = arith.constant 0 : index
    %get3A_12 = arith.constant 0 : index
    %get3A_13 = vector.load %arg0[%get3A_11, %get3A_12] : memref<10000x128xf32, #tpu.memory_space<vmem>>, vector<10000x128xf32>
    %add3A_14 = arith.addf %div3A, %get3A_13 : vector<10000x128xf32>
    %get3A_15 = arith.constant 0 : index
    %get3A_16 = arith.constant 0 : index
    %get3A_17 = vector.load %arg2[%get3A_15, %get3A_16] : memref<128x256xf32, #tpu.memory_space<vmem>>, vector<128x256xf32>
    %dot_general3A = arith.constant dense<0.000000e+00> : vector<10000x256xf32>
    %dot_general3A_18 = tpu.matmul %add3A_14, %get3A_17, %dot_general3A {dimension_numbers = #tpu.dot_dimension_numbers<[1], [0], [0], [1], [0, 0, 1, 1], [], []>, transpose_lhs_hint = false} : vector<10000x128xf32>, vector<128x256xf32>, vector<10000x256xf32> -> vector<10000x256xf32>
    %get3A_19 = arith.constant 0 : index
    %get3A_20 = arith.constant 0 : index
    %get3A_21 = vector.load %arg3[%get3A_19, %get3A_20] : memref<1x256xf32, #tpu.memory_space<vmem>>, vector<1x256xf32>
    %add3A_22 = vector.broadcast %get3A_21 : vector<1x256xf32> to vector<10000x256xf32>
    %add3A_23 = arith.addf %dot_general3A_18, %add3A_22 : vector<10000x256xf32>
    %reduce_sum3A = arith.constant dense<0.000000e+00> : vector<256xf32>
    %reduce_sum3A_24 = vector.multi_reduction <add>, %add3A_23, %reduce_sum3A [0] : vector<10000x256xf32> to vector<256xf32>
    %broadcast_in_dim3A = vector.shape_cast %reduce_sum3A_24 : vector<256xf32> to vector<1x256xf32>
    %div3A_25 = arith.constant 1.000000e+04 : f32
    %div3A_26 = vector.broadcast %div3A_25 : f32 to vector<1x256xf32>
    %div3A_27 = arith.divf %broadcast_in_dim3A, %div3A_26 : vector<1x256xf32>
    %sub3A = vector.broadcast %div3A_27 : vector<1x256xf32> to vector<10000x256xf32>
    %sub3A_28 = arith.subf %add3A_23, %sub3A : vector<10000x256xf32>
    %integer_pow3A = arith.mulf %sub3A_28, %sub3A_28 : vector<10000x256xf32>
    %reduce_sum3A_29 = arith.constant dense<0.000000e+00> : vector<256xf32>
    %reduce_sum3A_30 = vector.multi_reduction <add>, %integer_pow3A, %reduce_sum3A_29 [0] : vector<10000x256xf32> to vector<256xf32>
    %broadcast_in_dim3A_31 = vector.shape_cast %reduce_sum3A_30 : vector<256xf32> to vector<1x256xf32>
    %div3A_32 = arith.constant 1.000000e+04 : f32
    %div3A_33 = vector.broadcast %div3A_32 : f32 to vector<1x256xf32>
    %div3A_34 = arith.divf %broadcast_in_dim3A_31, %div3A_33 : vector<1x256xf32>
    %sub3A_35 = vector.broadcast %div3A_27 : vector<1x256xf32> to vector<10000x256xf32>
    %sub3A_36 = arith.subf %add3A_23, %sub3A_35 : vector<10000x256xf32>
    %get3A_37 = arith.constant 0 : index
    %get3A_38 = arith.constant 0 : index
    %get3A_39 = vector.load %arg4[%get3A_37, %get3A_38] : memref<1x256xf32, #tpu.memory_space<vmem>>, vector<1x256xf32>
    %add3A_40 = arith.constant 9.99999974E-6 : f32
    %add3A_41 = vector.broadcast %add3A_40 : f32 to vector<1x256xf32>
    %add3A_42 = arith.addf %div3A_34, %add3A_41 : vector<1x256xf32>
    %rsqrt3A = math.rsqrt %add3A_42 : vector<1x256xf32>
    %mul3A = arith.mulf %get3A_39, %rsqrt3A : vector<1x256xf32>
    %mul3A_43 = vector.broadcast %mul3A : vector<1x256xf32> to vector<10000x256xf32>
    %mul3A_44 = arith.mulf %sub3A_36, %mul3A_43 : vector<10000x256xf32>
    %get3A_45 = arith.constant 0 : index
    %get3A_46 = arith.constant 0 : index
    %get3A_47 = vector.load %arg5[%get3A_45, %get3A_46] : memref<1x256xf32, #tpu.memory_space<vmem>>, vector<1x256xf32>
    %add3A_48 = vector.broadcast %get3A_47 : vector<1x256xf32> to vector<10000x256xf32>
    %add3A_49 = arith.addf %mul3A_44, %add3A_48 : vector<10000x256xf32>
    %max3A = arith.constant 0.000000e+00 : f32
    %max3A_50 = vector.broadcast %max3A : f32 to vector<10000x256xf32>
    %max3A_51 = arith.maximumf %add3A_49, %max3A_50 : vector<10000x256xf32>
    %get3A_52 = arith.constant 0 : index
    %get3A_53 = arith.constant 0 : index
    %get3A_54 = vector.load %arg6[%get3A_52, %get3A_53] : memref<256x128xf32, #tpu.memory_space<vmem>>, vector<256x128xf32>
    %dot_general3A_55 = arith.constant dense<0.000000e+00> : vector<10000x128xf32>
    %dot_general3A_56 = tpu.matmul %max3A_51, %get3A_54, %dot_general3A_55 {dimension_numbers = #tpu.dot_dimension_numbers<[1], [0], [0], [1], [0, 0, 1, 1], [], []>, transpose_lhs_hint = false} : vector<10000x256xf32>, vector<256x128xf32>, vector<10000x128xf32> -> vector<10000x128xf32>
    %get3A_57 = arith.constant 0 : index
    %get3A_58 = arith.constant 0 : index
    %get3A_59 = vector.load %arg7[%get3A_57, %get3A_58] : memref<1x128xf32, #tpu.memory_space<vmem>>, vector<1x128xf32>
    %add3A_60 = vector.broadcast %get3A_59 : vector<1x128xf32> to vector<10000x128xf32>
    %add3A_61 = arith.addf %dot_general3A_56, %add3A_60 : vector<10000x128xf32>
    %get3A_62 = arith.constant 0 : index
    %get3A_63 = arith.constant 0 : index
    %get3A_64 = vector.load %arg8[%get3A_62, %get3A_63] : memref<128x128xf32, #tpu.memory_space<vmem>>, vector<128x128xf32>
    %dot_general3A_65 = arith.constant dense<0.000000e+00> : vector<10000x128xf32>
    %dot_general3A_66 = tpu.matmul %add3A_61, %get3A_64, %dot_general3A_65 {dimension_numbers = #tpu.dot_dimension_numbers<[1], [0], [0], [1], [0, 0, 1, 1], [], []>, transpose_lhs_hint = false} : vector<10000x128xf32>, vector<128x128xf32>, vector<10000x128xf32> -> vector<10000x128xf32>
    %get3A_67 = arith.constant 0 : index
    %get3A_68 = arith.constant 0 : index
    %get3A_69 = vector.load %arg9[%get3A_67, %get3A_68] : memref<1x128xf32, #tpu.memory_space<vmem>>, vector<1x128xf32>
    %add3A_70 = vector.broadcast %get3A_69 : vector<1x128xf32> to vector<10000x128xf32>
    %add3A_71 = arith.addf %dot_general3A_66, %add3A_70 : vector<10000x128xf32>
    %max3A_72 = arith.constant 0.000000e+00 : f32
    %max3A_73 = vector.broadcast %max3A_72 : f32 to vector<10000x128xf32>
    %max3A_74 = arith.maximumf %add3A_71, %max3A_73 : vector<10000x128xf32>
    %swap3A = arith.constant 0 : index
    %swap3A_75 = arith.constant 0 : index
    %swap3A_76 = vector.load %arg10[%swap3A, %swap3A_75] : memref<10000x128xf32, #tpu.memory_space<vmem>>, vector<10000x128xf32>
    tpu.vector_store %arg10[%swap3A, %swap3A_75], %max3A_74 {strides = array<i32>} : memref<10000x128xf32, #tpu.memory_space<vmem>>, vector<10000x128xf32>,
    %add3A_77 = arith.constant 1.000000e-07 : f32
    %add3A_78 = vector.broadcast %add3A_77 : f32 to vector<10000x128xf32>
    %add3A_79 = arith.addf %max3A_74, %add3A_78 : vector<10000x128xf32>
    %exp3A = math.exp %add3A_79 : vector<10000x128xf32>
    %mul3A_80 = arith.mulf %add3A_79, %exp3A : vector<10000x128xf32>
    %swap3A_81 = arith.constant 0 : index
    %swap3A_82 = arith.constant 0 : index
    %swap3A_83 = vector.load %arg11[%swap3A_81, %swap3A_82] : memref<20224x128xf32, #tpu.memory_space<vmem>>, vector<10000x128xf32>
    tpu.vector_store %arg11[%swap3A_81, %swap3A_82], %mul3A_80 {strides = array<i32>} : memref<20224x128xf32, #tpu.memory_space<vmem>>, vector<10000x128xf32>,
    %swap3A_84 = arith.constant 10112 : index
    %swap3A_85 = arith.constant 0 : index
    %swap3A_86 = vector.load %arg11[%swap3A_84, %swap3A_85] : memref<20224x128xf32, #tpu.memory_space<vmem>>, vector<10000x128xf32>
    tpu.vector_store %arg11[%swap3A_84, %swap3A_85], %exp3A {strides = array<i32>} : memref<20224x128xf32, #tpu.memory_space<vmem>>, vector<10000x128xf32>,
    return
  }
}

module attributes {stable_mosaic.version = 14 : i64} {
  func.func @_dense_body(%arg0: memref<10000x128xf32, #tpu.memory_space<vmem>>, %arg1: memref<2x10112x128xf32, #tpu.memory_space<vmem>>, %arg2: memref<128x256xf32, #tpu.memory_space<vmem>>, %arg3: memref<1x256xf32, #tpu.memory_space<vmem>>, %arg4: memref<1x256xf32, #tpu.memory_space<vmem>>, %arg5: memref<1x256xf32, #tpu.memory_space<vmem>>, %arg6: memref<256x128xf32, #tpu.memory_space<vmem>>, %arg7: memref<1x128xf32, #tpu.memory_space<vmem>>, %arg8: memref<128x128xf32, #tpu.memory_space<vmem>>, %arg9: memref<1x128xf32, #tpu.memory_space<vmem>>, %arg10: memref<10000x128xf32, #tpu.memory_space<vmem>>) attributes {dimension_semantics = [], scalar_prefetch = 0 : i64, scratch_operands = 0 : i64, tpu.core_type = #tpu.core_type<tc>} {
    %get3A = arith.constant 0 : index
    %get3A_0 = arith.constant 0 : index
    %get3A_1 = arith.constant 0 : index
    %get3A_2 = vector.load %arg1[%get3A, %get3A_0, %get3A_1] : memref<2x10112x128xf32, #tpu.memory_space<vmem>>, vector<1x10000x128xf32>
    %get3A_3 = vector.shape_cast %get3A_2 : vector<1x10000x128xf32> to vector<10000x128xf32>
    %get3A_4 = arith.constant 1 : index
    %get3A_5 = arith.constant 0 : index
    %get3A_6 = arith.constant 0 : index
    %get3A_7 = vector.load %arg1[%get3A_4, %get3A_5, %get3A_6] : memref<2x10112x128xf32, #tpu.memory_space<vmem>>, vector<1x10000x128xf32>
    %get3A_8 = vector.shape_cast %get3A_7 : vector<1x10000x128xf32> to vector<10000x128xf32>
    %add3A = arith.constant 1.000000e-16 : f32
    %add3A_9 = vector.broadcast %add3A : f32 to vector<10000x128xf32>
    %add3A_10 = arith.addf %get3A_8, %add3A_9 : vector<10000x128xf32>
    %div3A = arith.divf %get3A_3, %add3A_10 : vector<10000x128xf32>
    %get3A_11 = arith.constant 0 : index
    %get3A_12 = arith.constant 0 : index
    %get3A_13 = vector.load %arg0[%get3A_11, %get3A_12] : memref<10000x128xf32, #tpu.memory_space<vmem>>, vector<10000x128xf32>
    %add3A_14 = arith.addf %div3A, %get3A_13 : vector<10000x128xf32>
    %get3A_15 = arith.constant 0 : index
    %get3A_16 = arith.constant 0 : index
    %get3A_17 = vector.load %arg2[%get3A_15, %get3A_16] : memref<128x256xf32, #tpu.memory_space<vmem>>, vector<128x256xf32>
    %dot_general3A = arith.constant dense<0.000000e+00> : vector<10000x256xf32>
    %dot_general3A_18 = tpu.matmul %add3A_14, %get3A_17, %dot_general3A {dimension_numbers = #tpu.dot_dimension_numbers<[1], [0], [0], [1], [0, 0, 1, 1], [], []>, transpose_lhs_hint = false} : vector<10000x128xf32>, vector<128x256xf32>, vector<10000x256xf32> -> vector<10000x256xf32>
    %get3A_19 = arith.constant 0 : index
    %get3A_20 = arith.constant 0 : index
    %get3A_21 = vector.load %arg3[%get3A_19, %get3A_20] : memref<1x256xf32, #tpu.memory_space<vmem>>, vector<1x256xf32>
    %add3A_22 = vector.broadcast %get3A_21 : vector<1x256xf32> to vector<10000x256xf32>
    %add3A_23 = arith.addf %dot_general3A_18, %add3A_22 : vector<10000x256xf32>
    %reduce_sum3A = arith.constant dense<0.000000e+00> : vector<256xf32>
    %reduce_sum3A_24 = vector.multi_reduction <add>, %add3A_23, %reduce_sum3A [0] : vector<10000x256xf32> to vector<256xf32>
    %broadcast_in_dim3A = vector.shape_cast %reduce_sum3A_24 : vector<256xf32> to vector<1x256xf32>
    %div3A_25 = arith.constant 1.000000e+04 : f32
    %div3A_26 = vector.broadcast %div3A_25 : f32 to vector<1x256xf32>
    %div3A_27 = arith.divf %broadcast_in_dim3A, %div3A_26 : vector<1x256xf32>
    %sub3A = vector.broadcast %div3A_27 : vector<1x256xf32> to vector<10000x256xf32>
    %sub3A_28 = arith.subf %add3A_23, %sub3A : vector<10000x256xf32>
    %integer_pow3A = arith.mulf %sub3A_28, %sub3A_28 : vector<10000x256xf32>
    %reduce_sum3A_29 = arith.constant dense<0.000000e+00> : vector<256xf32>
    %reduce_sum3A_30 = vector.multi_reduction <add>, %integer_pow3A, %reduce_sum3A_29 [0] : vector<10000x256xf32> to vector<256xf32>
    %broadcast_in_dim3A_31 = vector.shape_cast %reduce_sum3A_30 : vector<256xf32> to vector<1x256xf32>
    %div3A_32 = arith.constant 1.000000e+04 : f32
    %div3A_33 = vector.broadcast %div3A_32 : f32 to vector<1x256xf32>
    %div3A_34 = arith.divf %broadcast_in_dim3A_31, %div3A_33 : vector<1x256xf32>
    %sub3A_35 = vector.broadcast %div3A_27 : vector<1x256xf32> to vector<10000x256xf32>
    %sub3A_36 = arith.subf %add3A_23, %sub3A_35 : vector<10000x256xf32>
    %get3A_37 = arith.constant 0 : index
    %get3A_38 = arith.constant 0 : index
    %get3A_39 = vector.load %arg4[%get3A_37, %get3A_38] : memref<1x256xf32, #tpu.memory_space<vmem>>, vector<1x256xf32>
    %add3A_40 = arith.constant 9.99999974E-6 : f32
    %add3A_41 = vector.broadcast %add3A_40 : f32 to vector<1x256xf32>
    %add3A_42 = arith.addf %div3A_34, %add3A_41 : vector<1x256xf32>
    %rsqrt3A = math.rsqrt %add3A_42 : vector<1x256xf32>
    %mul3A = arith.mulf %get3A_39, %rsqrt3A : vector<1x256xf32>
    %mul3A_43 = vector.broadcast %mul3A : vector<1x256xf32> to vector<10000x256xf32>
    %mul3A_44 = arith.mulf %sub3A_36, %mul3A_43 : vector<10000x256xf32>
    %get3A_45 = arith.constant 0 : index
    %get3A_46 = arith.constant 0 : index
    %get3A_47 = vector.load %arg5[%get3A_45, %get3A_46] : memref<1x256xf32, #tpu.memory_space<vmem>>, vector<1x256xf32>
    %add3A_48 = vector.broadcast %get3A_47 : vector<1x256xf32> to vector<10000x256xf32>
    %add3A_49 = arith.addf %mul3A_44, %add3A_48 : vector<10000x256xf32>
    %max3A = arith.constant 0.000000e+00 : f32
    %max3A_50 = vector.broadcast %max3A : f32 to vector<10000x256xf32>
    %max3A_51 = arith.maximumf %add3A_49, %max3A_50 : vector<10000x256xf32>
    %get3A_52 = arith.constant 0 : index
    %get3A_53 = arith.constant 0 : index
    %get3A_54 = vector.load %arg6[%get3A_52, %get3A_53] : memref<256x128xf32, #tpu.memory_space<vmem>>, vector<256x128xf32>
    %dot_general3A_55 = arith.constant dense<0.000000e+00> : vector<10000x128xf32>
    %dot_general3A_56 = tpu.matmul %max3A_51, %get3A_54, %dot_general3A_55 {dimension_numbers = #tpu.dot_dimension_numbers<[1], [0], [0], [1], [0, 0, 1, 1], [], []>, transpose_lhs_hint = false} : vector<10000x256xf32>, vector<256x128xf32>, vector<10000x128xf32> -> vector<10000x128xf32>
    %get3A_57 = arith.constant 0 : index
    %get3A_58 = arith.constant 0 : index
    %get3A_59 = vector.load %arg7[%get3A_57, %get3A_58] : memref<1x128xf32, #tpu.memory_space<vmem>>, vector<1x128xf32>
    %add3A_60 = vector.broadcast %get3A_59 : vector<1x128xf32> to vector<10000x128xf32>
    %add3A_61 = arith.addf %dot_general3A_56, %add3A_60 : vector<10000x128xf32>
    %get3A_62 = arith.constant 0 : index
    %get3A_63 = arith.constant 0 : index
    %get3A_64 = vector.load %arg8[%get3A_62, %get3A_63] : memref<128x128xf32, #tpu.memory_space<vmem>>, vector<128x128xf32>
    %dot_general3A_65 = arith.constant dense<0.000000e+00> : vector<10000x128xf32>
    %dot_general3A_66 = tpu.matmul %add3A_61, %get3A_64, %dot_general3A_65 {dimension_numbers = #tpu.dot_dimension_numbers<[1], [0], [0], [1], [0, 0, 1, 1], [], []>, transpose_lhs_hint = false} : vector<10000x128xf32>, vector<128x128xf32>, vector<10000x128xf32> -> vector<10000x128xf32>
    %get3A_67 = arith.constant 0 : index
    %get3A_68 = arith.constant 0 : index
    %get3A_69 = vector.load %arg9[%get3A_67, %get3A_68] : memref<1x128xf32, #tpu.memory_space<vmem>>, vector<1x128xf32>
    %add3A_70 = vector.broadcast %get3A_69 : vector<1x128xf32> to vector<10000x128xf32>
    %add3A_71 = arith.addf %dot_general3A_66, %add3A_70 : vector<10000x128xf32>
    %max3A_72 = arith.constant 0.000000e+00 : f32
    %max3A_73 = vector.broadcast %max3A_72 : f32 to vector<10000x128xf32>
    %max3A_74 = arith.maximumf %add3A_71, %max3A_73 : vector<10000x128xf32>
    %swap3A = arith.constant 0 : index
    %swap3A_75 = arith.constant 0 : index
    %swap3A_76 = vector.load %arg10[%swap3A, %swap3A_75] : memref<10000x128xf32, #tpu.memory_space<vmem>>, vector<10000x128xf32>
    tpu.vector_store %arg10[%swap3A, %swap3A_75], %max3A_74 {strides = array<i32>} : memref<10000x128xf32, #tpu.memory_space<vmem>>, vector<10000x128xf32>,
    return
  }
}

</mosaic_0001>

<sc_bundles>
// kernel: kernel.12.cloned.1.call-start
scs
__scs_entry_jumppad:
0x0: {  	(pc) =	sbr.rel $0x88, $3  }
0x1: {  	(tag) =	ssettag $0x0;
	lr =	simm.s32 $0x1  }
0x2: {  	[smem:$0x3F87] =	sst lr;
	_ =	strace $0xD0000000  }
0x3: {  	_ = 	snop  }
0x4: {  	_ = 	snop  }
0x5: {  	_ = 	snop  }
0x6: {  	_ = 	snop  }
0x7: {  	_ = 	snop  }
__scs_overlays_trampoline_lowered:
0x8: {  	[smem:$0x3F96] =	sst s0  }
0x9: {  	[smem:$0x3F97] =	sst s1  }
0xa: {  	[smem:$0x3F98] =	sst s2  }
0xb: {  	[smem:$0x3F99] =	sst s3  }
0xc: {  	[smem:$0x3F9A] =	sst s4  }
0xd: {  	[smem:$0x3F9B] =	sst s5  }
0xe: {  	[smem:$0x3F9C] =	sst s6  }
0xf: {  	[smem:$0x3F9D] =	sst s7  }
0x10: {  	[smem:$0x3F9E] =	sst s8  }
0x11: {  	[smem:$0x3F9F] =	sst s9;
	s0 =	simm.s32 @!p0 $0x0  }
0x12: {  	s1 =	sld [smem:$0x3F85];
	s0 =	simm.s32 @p0 $0x1  }
0x13: {  	[smem:$0x3FA0] =	sst s0;
	s0 =	simm.s32 @!p1 $0x0  }
0x14: {  	s2 =	sld [smem:$0x3F84];
	s0 =	simm.s32 @p1 $0x1  }
0x15: {  	[smem:$0x3FA1] =	sst s0;
	s0 =	simm.s32 @!p2 $0x0  }
0x16: {  	s3 =	sld [smem:$0x3FDB];
	s0 =	simm.s32 @p2 $0x1  }
0x17: {  	s4 =	simm.s32 $0x1BF5;
	[smem:$0x3FA3] =	sst s0  }
0x18: {  	s0 =	sld [smem:$0x3F86];
	_ =	swait.ge [sflag:s4], $0x0  }
0x19: {  	s7 =	sld [smem:$0x3F87]  }
0x1a: {  	s8 =	sadd.s32 $0xFFFFE003, lr  }
0x1b: {  	s9 =	sadd.s32 $0xFFFFFEF7, lr;
	s5 =	simm.s32 $0xFFFFFFFF;
	p2 =	slt.u32 s8, $0xFFFFF086  }
0x1c: {  	p1 =	slt.u32 s9, $0xF7A;
	s5 =	simm.s32 @!p2 $0x0  }
0x1d: {  	s5 =	simm.s32 @p1 $0x1;
	p0 =	seq.s32 s7, s2  }
0x1e: {  	s7 =	smul.u32 @!p0 $0xF7A, s2;
	p2 =	seq.s32 @!p0 s5, $0x0  }
0x1f: {  	s9 =	smul.u32 $0xF7A, s1;
	s8 =	simm.s32 @!p0 $0x1BF5;
	p2 =	por !p2, p0  }
0x20: {  	[sflag:s8] =	ssyncset.s32 @!p0 $0xFFFFF086;
	s6 =	sadd.s32 @!p0 s3, s7;
	s7 =	simm.s32 @!p0 $0x108  }
0x21: {  	s3 =	sadd.s32 s3, s9;
	s6 =	sadd.s32 @!p0 $0x88, s6;
	s7 =	simm.s32 @p2 $0x1082  }
0x22: {  	[simem:s7], [sflag:s8] =	dma.local @!p0 [hbm:s6], $0xF7A  }
0x23: {  	s9 =	sor.u32 $0xD0000000, s2;
	s6 =	simm.s32 $0x108;
	_ =	swait.ge @!p0 [sflag:s8], $0x0  }
0x24: {  	s3 =	sadd.s32 $0x88, s3;
	s6 =	simm.s32 @!p1 $0x1082;
	[sflag:s4] =	ssyncset.s32 $0xFFFFF086  }
0x25: {  	[simem:s6], [sflag:s4] =	dma.local [hbm:s3], $0xF7A  }
0x26: {  	[smem:$0x3F87] =	sst s1;
	(tag) =	ssettag s2;
	_ =	strace s9  }
0x27: {  	s1 =	sld [smem:$0x3F97]  }
0x28: {  	s2 =	sld [smem:$0x3F98]  }
0x29: {  	s4 =	sld [smem:$0x3F9A]  }
0x2a: {  	p0 =	seq.s32 s5, $0x0;
	s5 =	sld [smem:$0x3F9B]  }
0x2b: {  	s6 =	sld [smem:$0x3F9C]  }
0x2c: {  	s7 =	sld [smem:$0x3F9D]  }
0x2d: {  	s3 =	simm.s32 $0x108;
	s8 =	sld [smem:$0x3F9E]  }
0x2e: {  	s3 =	simm.s32 @!p0 $0x1082;
	s9 =	sld [smem:$0x3F9F]  }
0x2f: {  	lr =	sadd.s32 s0, s3;
	s0 =	sld [smem:$0x3F96]  }
0x30: {  	s3 =	sld [smem:$0x3F99]  }
0x31: {  	[smem:$0x3FA2] =	sst s10  }
0x32: {  	s10 =	sld [smem:$0x3FA0];
	_ =	sdelay $0x3  }
0x33: {  	p0 =	seq.s32 s10, $0x1;
	s10 =	sld [smem:$0x3FA2];
	_ =	sdelay $0x3  }
0x34: {  	[smem:$0x3FA2] =	sst s10  }
0x35: {  	s10 =	sld [smem:$0x3FA1];
	_ =	sdelay $0x3  }
0x36: {  	p1 =	seq.s32 s10, $0x1;
	s10 =	sld [smem:$0x3FA2];
	_ =	sdelay $0x3  }
0x37: {  	[smem:$0x3FA2] =	sst s10  }
0x38: {  	s10 =	sld [smem:$0x3FA3]  }
0x39: {  	_ = 	snop;
	(pc) =	sbr.ind lr, $3  }
0x3a: {  	_ = 	snop  }
0x3b: {  	_ = 	snop  }
0x3c: {  	p2 =	seq.s32 s10, $0x1;
	s10 =	sld [smem:$0x3FA2]  }
0x3d: {  	_ =	shalt  }
0x3e: {  	_ =	shalt  }
0x3f: {  	_ =	shalt  }
0x40: {  	_ =	shalt  }
0x41: {  	_ =	shalt  }
0x42: {  	_ =	shalt  }
0x43: {  	_ =	shalt  }
0x44: {  	_ =	shalt  }
0x45: {  	_ =	shalt  }
0x46: {  	_ =	shalt  }
0x47: {  	_ =	shalt  }
0x48: {  	_ =	shalt  }
0x49: {  	_ =	shalt  }
0x4a: {  	_ =	shalt  }
0x4b: {  	_ =	shalt  }
0x4c: {  	_ =	shalt  }
0x4d: {  	_ =	shalt  }
0x4e: {  	_ =	shalt  }
0x4f: {  	_ =	shalt  }
0x50: {  	_ =	shalt  }
0x51: {  	_ =	shalt  }
0x52: {  	_ =	shalt  }
0x53: {  	_ =	shalt  }
0x54: {  	_ =	shalt  }
0x55: {  	_ =	shalt  }
0x56: {  	_ =	shalt  }
0x57: {  	_ =	shalt  }
0x58: {  	_ =	shalt  }
0x59: {  	_ =	shalt  }
0x5a: {  	_ =	shalt  }
0x5b: {  	_ =	shalt  }
0x5c: {  	_ =	shalt  }
0x5d: {  	_ =	shalt  }
0x5e: {  	_ =	shalt  }
0x5f: {  	_ =	shalt  }
0x60: {  	_ =	shalt  }
0x61: {  	_ =	shalt  }
0x62: {  	_ =	shalt  }
0x63: {  	_ =	shalt  }
0x64: {  	_ =	shalt  }
0x65: {  	_ =	shalt  }
0x66: {  	_ =	shalt  }
0x67: {  	_ =	shalt  }
0x68: {  	_ =	shalt  }
0x69: {  	_ =	shalt  }
0x6a: {  	_ =	shalt  }
0x6b: {  	_ =	shalt  }
0x6c: {  	_ =	shalt  }
0x6d: {  	_ =	shalt  }
0x6e: {  	_ =	shalt  }
0x6f: {  	_ =	shalt  }
0x70: {  	_ =	shalt  }
0x71: {  	_ =	shalt  }
0x72: {  	_ =	shalt  }
0x73: {  	_ =	shalt  }
0x74: {  	_ =	shalt  }
0x75: {  	_ =	shalt  }
0x76: {  	_ =	shalt  }
0x77: {  	_ =	shalt  }
0x78: {  	_ =	shalt  }
0x79: {  	_ =	shalt  }
0x7a: {  	_ =	shalt  }
0x7b: {  	_ =	shalt  }
0x7c: {  	_ =	shalt  }
0x7d: {  	_ =	shalt  }
0x7e: {  	_ =	shalt  }
0x7f: {  	_ =	shalt  }
0x80: {  	_ =	shalt  }
0x81: {  	_ =	shalt  }
0x82: {  	_ =	shalt  }
0x83: {  	_ =	shalt  }
0x84: {  	_ =	shalt  }
0x85: {  	_ =	shalt  }
0x86: {  	_ =	shalt  }
0x87: {  	_ =	shalt  }
.Lfunc_end0:
.L_simem_size_0:
called_computation.1_lowered:
.L_overlay_start_0:
0x88: {  	s2 =	sld [smem:$0x3FD9]  }
0x89: {  	s3 =	sld [smem:$0x3FFE];
	_ =	sdelay $0x1  }
0x8a: {  	s1 =	srdreg.scid  }
0x8b: {  	s0 =	sand.u32 $0x1, s1  }
0x8c: {  	s17 =	sshll.u32 s0, $0xA;
	s2 =	sadd.s32 s3, s2  }
0x8d: {  	s2 =	sadd.s32 s2, s17  }
0x8e: {  	[smem:$0x3FAE] =	sst s2  }
0x8f: {  	_ = 	snop  }
0x90: {  	s2 =	sld [smem:$0x3FD0];
	(tm) =	ssettm $0x1  }
0x91: {  	s18 =	sld [smem:$0x3FFB];
	_ =	sdelay $0x3  }
0x92: {  	_ =	strace s18  }
0x93: {  	s3 =	sld [smem:$0x3FFC];
	_ =	sdelay $0x3  }
0x94: {  	_ =	strace s3  }
0x95: {  	s3 =	sld [smem:$0x3FFD];
	_ =	sdelay $0x3  }
0x96: {  	_ =	strace s3  }
0x97: {  	_ =	strace $0x8FFFFFFF  }
0x98: {  	s19 =	sld [smem:$0x3FDB];
	_ =	sdelay $0x1  }
0x99: {  	s4 =	simm.s32 $_scs_section_size  }
0x9a: {  	s5 =	simm.s32 $_size__tile_overlayer_lowered;
	s6 =	simm.s32 $_tile_overlayer_lowered  }
0x9b: {  	s22 =	simm.s32 $0x1BFF;
	s21 =	sshll.u32 s6, $0x1;
	s3 =	sadd.s32 s4, s19  }
0x9c: {  	s7 =	simm.s32 $0x0;
	s20 =	sshll.u32 s5, $0x1;
	s5 =	sadd.s32 s21, s3  }
0x9d: {  	[timem:s7], [sflag:s22] =	dma.local [hbm:s5], s20  }
0x9e: {  	_ =	swait.ge [sflag:s22], s20  }
0x9f: {  	s4 =	ssub.s32 $0x0, s20;
	[sflag:s22] =	ssyncset.done $0x0  }
0xa0: {  	[sflag:s22] =	ssyncadd.s32 s4;
	_ =	sdelay $0x1  }
0xa1: {  	s23 =	simm.s32 $0x1B8B  }
0xa2: {  	_ =	swait.ge [sflag:s23], $0x1  }
0xa3: {  	[sflag:s23] =	ssyncset.done $0x0  }
0xa4: {  	s25 =	simm.s32 $0x1B8E;
	s24 =	sld [smem:$0x3FFE];
	[sflag:s23] =	ssyncadd.s32 $0xFFFFFFFF  }
0xa5: {  	s26 =	simm.s32 $execute0_lowered;
	[smem:$0x3FD2] =	sst s25  }
0xa6: {  	s5 =	sshll.u32 s26, $0x1;
	_ =	strace $0x80000049;
	[dreg:$0x1] =	wrdreg $0xFFFFFFFF  }
0xa7: {  	s28 =	simm.s32 $_size_execute0_lowered;
	s3 =	sadd.s32 s3, s5;
	[dreg:$0x0] =	wrdreg $0x0  }
0xa8: {  	s5 =	sshll.u32 s28, $0x1;
	[dreg:$0x2] =	wrdreg s3  }
0xa9: {  	[dreg:$0x3] =	wrdreg s5  }
0xaa: {  	[dreg:$0x4] =	wrdreg $0xC0  }
0xab: {  	_ =	task [dreg:s7], $0x5FFFF  }
0xac: {  	[dreg:$0x1] =	wrdreg $0xFFFFFFFF  }
0xad: {  	[dreg:$0x0] =	wrdreg $0x60  }
0xae: {  	[dreg:$0x2] =	wrdreg s24  }
0xaf: {  	[dreg:$0x3] =	wrdreg s2  }
0xb0: {  	[dreg:$0x4] =	wrdreg $0xB0000  }
0xb1: {  	[dreg:$0x5] =	wrdreg $0x9  }
0xb2: {  	_ =	task.clear_ibuf [dreg:s7], $0x6FFFF;
	_ =	strace $0x90000049  }
0xb3: {  	s29 =	simm.s32 $0x9;
	_ =	strace $0x8000004B  }
0xb4: {  	_ =	swait.ge [sflag:s29], $0x1  }
0xb5: {  	[sflag:s29] =	ssyncadd.s32 $0xFFFFFFFF  }
0xb6: {  	_ =	strace $0x9000004B  }
0xb7: {  	_ =	sfence  }
0xb8: {  	s30 =	sld [smem:$0x0];
	_ =	sdelay $0x2  }
0xb9: {  	s31 =	sshll.u32 s1, $0xD;
	s1 =	sshrl.u32 s1, $0x2  }
0xba: {  	s3 =	sand.u32 $0x4000, s31;
	s1 =	sadd.s32 s1, s30  }
0xbb: {  	s0 =	sor.u32 s3, s0;
	s1 =	sshll.u32 s1, $0x11  }
0xbc: {  	s0 =	sor.u32 s1, s0  }
0xbd: {  	s0 =	sadd.s32 $0x8F2B, s0  }
0xbe: {  	[sflag:s0] =	ssyncadd.remote.s32 $0x1  }
0xbf: {  	_ =	sfence.sel $0xFFFF  }
0xc0: {  	[dreg:$0x0] =	wrdreg $0xFFFFFFFF;
	(pc) =	sbr.abs _section_cstart, $3  }
0xc1: {  	[dreg:$0x1] =	wrdreg $0xFFFFFFFF  }
0xc2: {  	_ =	task.clear_ibuf [dreg:s7], $0x2FFFF;
	_ =	strace $0x9FFFFFFF  }
0xc3: {  	(tm) =	ssettm $0x7FFFFFFF  }
tec
execute0_lowered:
.L_overlay_start_1:
0x0: {  	(tag) =	ssettag $0x1  }
0x1: {  	s0 =	rddreg [dreg:$0x0]  }
0x2: {  	s3 =	rddreg [dreg:$0x1]  }
0x3: {  	s1 =	rddreg [dreg:$0x2];
	s2 =	simm.s32 $0x0;
	s4 =	srdreg.scid  }
0x4: {  	s12 =	stileid.u32;
	s25 =	simm.s32 $0x1000;
	s26 =	simm.s32 $0x3000  }
0x5: {  	s28 =	simm.s32 $0x5000;
	s29 =	simm.s32 $0x7000;
	s30 =	simm.s32 $0xA  }
0x6: {  	s31 =	simm.s32 $0x0;
	[smem:$0x7FF] =	sst s2;
	s6 =	sand.u32 $0x1, s4  }
0x7: {  	s4 =	sadd.s32 $0x44A00, s0;
	s8 =	sadd.s32 $0x4A00, s0;
	s5 =	sadd.s32 $0x93A00, s0  }
0x8: {  	s0 =	sadd.s32 $0x96200, s0;
	s17 =	smul.u32 $0x4E000, s12;
	s11 =	sshll.u32 s12, $0x10  }
0x9: {  	s18 =	smul.u32 $0x13800, s12;
	s13 =	sadd.s32 $0x124800, s1;
	s20 =	sshll.u32 s12, $0xD  }
0xa: {  	p0 =	seq.s32 s12, $0xF;
	_ =	strace $0x8000004A;
	[dreg:$0x4] =	wrdreg s25  }
0xb: {  	s7 =	ssub.s32 $0x2, s6;
	s10 =	sshll.u32 s6, $0x14;
	[dreg:$0x5] =	wrdreg s26  }
0xc: {  	s6 =	smul.u32 $0x13C000, s6;
	s13 =	sshrl.u32 @p0 s13, $0x3;
	[dreg:$0x6] =	wrdreg s28  }
0xd: {  	[dreg:$0x7] =	wrdreg s29;
	s9 =	sshrl.u32 s7, $0x1;
	s10 =	sor.u32 s11, s10  }
0xe: {  	s9 =	ssub.s32 s7, s9;
	s7 =	sshrl.u32 s17, $0x2;
	s19 =	sshrl.u32 s10, $0x3  }
0xf: {  	s11 =	sadd.s32 s18, s6;
	s6 =	sshrl.u32 s6, $0x3;
	s22 =	sor.u32 $0x400, s10  }
0x10: {  	s17 =	simm.s32 $0xB;
	s18 =	simm.s32 $0x40;
	s15 =	sadd.s32 s7, s1  }
0x11: {  	s7 =	sadd.s32 s8, s19;
	s21 =	sshrl.u32 s11, $0x3;
	s23 =	sshrl.u32 s22, $0x3  }
0x12: {  	s24 =	smax.u32 s9, $0x1;
	s19 =	simm.s32 $0x9000;
	s22 =	simm.s32 $0x3  }
0x13: {  	[dreg:$0x8] =	wrdreg s7;
	s7 =	sadd.s32 s3, s20;
	s3 =	sadd.s32 s0, s21  }
0x14: {  	s0 =	sadd.s32 s0, s6;
	[dreg:$0xc] =	wrdreg s24;
	s11 =	sadd.s32 s23, s8  }
0x15: {  	s15 =	sshrl.u32 @!p0 s15, $0x3;
	s20 =	simm.s32 $0x1;
	s21 =	simm.s32 $0x2  }
0x16: {  	s23 =	simm.s32 $0x4;
	[dreg:$0xa] =	wrdreg s3;
	s0 =	sadd.s32 $0x24900, s0  }
0x17: {  	s24 =	simm.s32 $0x5;
	[dreg:$0xb] =	wrdreg s0;
	s0 =	sshll.u32 @!p0 s12, $0x6  }
0x18: {  	[dreg:$0x9] =	wrdreg s7;
	s12 =	sadd.s32 $0x80, s7;
	s14 =	sor.u32 @!p0 $0x1C0C, s0  }
.LBB2_1:
0x19: {  	s0 =	simm.s32 @p0 $0x1FCC  }
0x1a: {  	[spmem:s13], [sflag:s0] =	dma.local @p0 [hbm:s5], $0x2800  }
0x1b: {  	s0 =	simm.s32 @p0 $0xC  }
0x1c: {  	_ =	swait.ge @p0 [sflag:s0], $0x2800  }
0x1d: {  	[sflag:s0] =	ssyncset.done @p0 $0x0  }
0x1e: {  	[sflag:s0] =	ssyncadd.s32 @p0 $0xFFFFD800;
	s0 =	simm.s32 @!p0 $0xC  }
0x1f: {  	[spmem:s15], [sflag:s14] =	dma.local @!p0 [hbm:s5], $0x2700  }
0x20: {  	_ =	swait.ge @!p0 [sflag:s0], $0x2700  }
0x21: {  	[sflag:s0] =	ssyncset.done @!p0 $0x0  }
0x22: {  	s16 =	rddreg [dreg:$0x8];
	[sflag:s0] =	ssyncadd.s32 @!p0 $0xFFFFD900  }
0x23: {  	[tilespmem:s2], [sflag:$0xB] =	stream.linear.gather [hbm4b:s16+s2], $0x280, $0x38;
	[tilespmem:$0x1E8C0] =	vst v63  }
0x24: {  	s3 =	simm.s32 $0x800;
	s25 =	rddreg [dreg:$0x9]  }
0x25: {  	[tilespmem:s3], [sflag:$0xB] =	stream.linear.gather [hbm4b:s25+s2], $0x280, $0x38;
	[tilespmem:$0x1E8C0] =	vst v63  }
0x26: {  	[bflag:$0x0] =	sbarrier.arrive $0xFFFF  }
0x27: {  	_ =	swait.ge [sflag:s17], $0x280  }
0x28: {  	[sflag:s17] =	ssyncset.done $0x0  }
0x29: {  	[sflag:s17] =	ssyncadd.s32 $0xFFFFFD80  }
0x2a: {  	_ =	swait.ge [sflag:s17], $0x280  }
0x2b: {  	p1 =	por $0x0, $0x0;
	[sflag:s17] =	ssyncset.done $0x0  }
0x2c: {  	s0 =	simm.s32 @p1 $0x6;
	[sflag:s17] =	ssyncadd.s32 $0xFFFFFD80  }
0x2d: {  	_ =	swait.ge @p1 [sflag:s0], $0x2000  }
0x2e: {  	s8 =	simm.s32 @p1 $0x7;
	s6 =	sand.u32 @p1 $0x400, s2;
	[sflag:s0] =	ssyncset.done @p1 $0x0  }
0x2f: {  	s3 =	simm.s32 @p1 $0x1000;
	[sflag:s0] =	ssyncadd.s32 @p1 $0xFFFFE000;
	s0 =	simm.s32 @p1 $0x40  }
0x30: {  	[tilespmem:s3], [sflag:$0x1] =	stream.indirect.gather @p1 [hbm4b:s4+s0], $0x80, s6, s0, $0xb8;
	[tilespmem:$0x1E8C0] =	vst v63  }
0x31: {  	_ =	swait.ge @p1 [sflag:s8], $0x2000  }
0x32: {  	s9 =	simm.s32 @p1 $0x8;
	[sflag:s8] =	ssyncset.done @p1 $0x0  }
0x33: {  	s3 =	sor.u32 @p1 $0x80, s6;
	[sflag:s8] =	ssyncadd.s32 @p1 $0xFFFFE000;
	s8 =	simm.s32 @p1 $0x3000  }
0x34: {  	[tilespmem:s8], [sflag:$0x2] =	stream.indirect.gather @p1 [hbm4b:s4+s0], $0x80, s3, s0, $0xb8;
	[tilespmem:$0x1E8C0] =	vst v63  }
0x35: {  	_ =	swait.ge @p1 [sflag:s9], $0x2000  }
0x36: {  	s10 =	simm.s32 @p1 $0x9;
	[sflag:s9] =	ssyncset.done @p1 $0x0  }
0x37: {  	s8 =	sor.u32 @p1 $0x100, s6;
	[sflag:s9] =	ssyncadd.s32 @p1 $0xFFFFE000;
	s9 =	simm.s32 @p1 $0x5000  }
0x38: {  	[tilespmem:s9], [sflag:$0x3] =	stream.indirect.gather @p1 [hbm4b:s4+s0], $0x80, s8, s0, $0xb8;
	[tilespmem:$0x1E8C0] =	vst v63  }
0x39: {  	_ =	swait.ge @p1 [sflag:s10], $0x2000  }
0x3a: {  	s16 =	simm.s32 @p1 $0xA;
	[sflag:s10] =	ssyncset.done @p1 $0x0  }
0x3b: {  	s9 =	sor.u32 @p1 $0x180, s6;
	[sflag:s10] =	ssyncadd.s32 @p1 $0xFFFFE000;
	s10 =	simm.s32 @p1 $0x7000  }
0x3c: {  	[tilespmem:s10], [sflag:$0x4] =	stream.indirect.gather @p1 [hbm4b:s4+s0], $0x80, s9, s0, $0xb8;
	[tilespmem:$0x1E8C0] =	vst v63  }
0x3d: {  	_ =	swait.ge @p1 [sflag:s16], $0x2000  }
0x3e: {  	s0 =	simm.s32 @!p1 $0x1000;
	[sflag:s16] =	ssyncset.done @p1 $0x0  }
0x3f: {  	s10 =	simm.s32 @!p1 $0x40;
	[sflag:s16] =	ssyncadd.s32 @p1 $0xFFFFE000;
	s16 =	simm.s32 @!p1 $0x0  }
0x40: {  	[tilespmem:s0], [sflag:$0x1] =	stream.indirect.gather @!p1 [hbm4b:s4+s10], $0x80, s16, s10, $0xb8;
	[tilespmem:$0x1E8C0] =	vst v63  }
0x41: {  	s0 =	simm.s32 @!p1 $0x80;
	s16 =	simm.s32 @!p1 $0x3000  }
0x42: {  	[tilespmem:s16], [sflag:$0x2] =	stream.indirect.gather @!p1 [hbm4b:s4+s10], $0x80, s0, s10, $0xb8;
	[tilespmem:$0x1E8C0] =	vst v63  }
0x43: {  	s0 =	simm.s32 @!p1 $0x100;
	s16 =	simm.s32 @!p1 $0x5000  }
0x44: {  	[tilespmem:s16], [sflag:$0x3] =	stream.indirect.gather @!p1 [hbm4b:s4+s10], $0x80, s0, s10, $0xb8;
	[tilespmem:$0x1E8C0] =	vst v63  }
0x45: {  	s6 =	simm.s32 @!p1 $0x0;
	s0 =	simm.s32 @!p1 $0x180;
	s16 =	simm.s32 @!p1 $0x7000  }
0x46: {  	[tilespmem:s16], [sflag:$0x4] =	stream.indirect.gather @!p1 [hbm4b:s4+s10], $0x80, s0, s10, $0xb8;
	[tilespmem:$0x1E8C0] =	vst v63  }
0x47: {  	s26 =	sor.u32 $0x200, s6  }
0x48: {  	[tilespmem:s19], [sflag:$0x5] =	stream.indirect.gather [hbm4b:s4+s18], $0x80, s26, s18, $0xb8;
	[tilespmem:$0x1E8C0] =	vst v63  }
0x49: {  	s28 =	sxor.u32 $0x400, s6  }
0x4a: {  	[tilespmem:s28], [sflag:$0xB] =	stream.linear.gather [hbm4b:s11+s2], $0x280, $0x38;
	[tilespmem:$0x1E8C0] =	vst v63  }
0x4b: {  	s0 =	sor.u32 $0x800, s28  }
0x4c: {  	[tilespmem:s0], [sflag:$0xB] =	stream.linear.gather [hbm4b:s12+s2], $0x280, $0x38;
	[tilespmem:$0x1E8C0] =	vst v63  }
0x4d: {  	_ =	swait.ge [sflag:s20], $0x2000  }
0x4e: {  	[sflag:s20] =	ssyncset.done $0x0  }
0x4f: {  	s7 =	sor.u32 $0x800, s6;
	s29 =	rddreg [dreg:$0x4];
	[sflag:s20] =	ssyncadd.s32 $0xFFFFE000  }
0x50: {  	[spmem:s1] =	stream.indirect.scatter.add.f32 [tilespmem:s29], [sflag:$0x6], $0x80, s7, s18, $0xb8;
	[tilespmem:$0x1E8C0] =	vst v63  }
0x51: {  	_ =	swait.ge [sflag:s21], $0x2000  }
0x52: {  	s3 =	simm.s32 @!p1 $0x80;
	[sflag:s21] =	ssyncset.done $0x0  }
0x53: {  	s3 =	sor.u32 $0x800, s3;
	s16 =	rddreg [dreg:$0x5];
	[sflag:s21] =	ssyncadd.s32 $0xFFFFE000  }
0x54: {  	[spmem:s1] =	stream.indirect.scatter.add.f32 [tilespmem:s16], [sflag:$0x7], $0x80, s3, s18, $0xb8;
	[tilespmem:$0x1E8C0] =	vst v63  }
0x55: {  	_ =	swait.ge [sflag:s22], $0x2000  }
0x56: {  	s8 =	simm.s32 @!p1 $0x100;
	[sflag:s22] =	ssyncset.done $0x0  }
0x57: {  	s26 =	sor.u32 $0x800, s8;
	s25 =	rddreg [dreg:$0x6];
	[sflag:s22] =	ssyncadd.s32 $0xFFFFE000  }
0x58: {  	[spmem:s1] =	stream.indirect.scatter.add.f32 [tilespmem:s25], [sflag:$0x8], $0x80, s26, s18, $0xb8;
	[tilespmem:$0x1E8C0] =	vst v63  }
0x59: {  	_ =	swait.ge [sflag:s23], $0x2000  }
0x5a: {  	s9 =	simm.s32 @!p1 $0x180;
	[sflag:s23] =	ssyncset.done $0x0  }
0x5b: {  	s29 =	sor.u32 $0x800, s9;
	s28 =	rddreg [dreg:$0x7];
	[sflag:s23] =	ssyncadd.s32 $0xFFFFE000  }
0x5c: {  	[spmem:s1] =	stream.indirect.scatter.add.f32 [tilespmem:s28], [sflag:$0x9], $0x80, s29, s18, $0xb8;
	[tilespmem:$0x1E8C0] =	vst v63  }
0x5d: {  	_ =	swait.ge [sflag:s24], $0x2000  }
0x5e: {  	s6 =	sor.u32 $0xA00, s6;
	s0 =	simm.s32 $0x400;
	[sflag:s24] =	ssyncset.done $0x0  }
0x5f: {  	s3 =	sadd.s32 $0x80, s12;
	s16 =	sadd.s32 $0x80, s11;
	[sflag:s24] =	ssyncadd.s32 $0xFFFFE000  }
.LBB2_2:
0x60: {  	[spmem:s1] =	stream.indirect.scatter.add.f32 [tilespmem:s19], [sflag:$0xA], $0x80, s6, s18, $0xb8;
	[tilespmem:$0x1E8C0] =	vst v63  }
0x61: {  	_ =	swait.ge [sflag:s17], $0x280  }
0x62: {  	[sflag:s17] =	ssyncset.done $0x0  }
0x63: {  	[sflag:s17] =	ssyncadd.s32 $0xFFFFFD80  }
0x64: {  	s6 =	smov.u32 s0;
	_ =	swait.ge [sflag:s17], $0x280  }
0x65: {  	p2 =	sne.s32 s6, $0x0;
	[sflag:s17] =	ssyncset.done $0x0  }
0x66: {  	s8 =	simm.s32 @p2 $0x6;
	[sflag:s17] =	ssyncadd.s32 $0xFFFFFD80  }
0x67: {  	_ =	swait.ge @p2 [sflag:s8], $0x2000  }
0x68: {  	s9 =	simm.s32 @p2 $0x1000;
	s25 =	simm.s32 @p2 $0x7;
	[sflag:s8] =	ssyncset.done @p2 $0x0  }
0x69: {  	s6 =	sand.u32 @p2 $0x400, s6;
	s7 =	simm.s32 @p2 $0x40;
	[sflag:s8] =	ssyncadd.s32 @p2 $0xFFFFE000  }
0x6a: {  	[tilespmem:s9], [sflag:$0x1] =	stream.indirect.gather @p2 [hbm4b:s4+s7], $0x80, s6, s7, $0xb8;
	[tilespmem:$0x1E8C0] =	vst v63  }
0x6b: {  	_ =	swait.ge @p2 [sflag:s25], $0x2000  }
0x6c: {  	s28 =	simm.s32 @p2 $0x8;
	[sflag:s25] =	ssyncset.done @p2 $0x0  }
0x6d: {  	s9 =	sor.u32 @p2 $0x80, s6;
	[sflag:s25] =	ssyncadd.s32 @p2 $0xFFFFE000;
	s25 =	simm.s32 @p2 $0x3000  }
0x6e: {  	[tilespmem:s25], [sflag:$0x2] =	stream.indirect.gather @p2 [hbm4b:s4+s7], $0x80, s9, s7, $0xb8;
	[tilespmem:$0x1E8C0] =	vst v63  }
0x6f: {  	_ =	swait.ge @p2 [sflag:s28], $0x2000  }
0x70: {  	s29 =	simm.s32 @p2 $0x9;
	[sflag:s28] =	ssyncset.done @p2 $0x0  }
0x71: {  	s10 =	sor.u32 @p2 $0x100, s6;
	[sflag:s28] =	ssyncadd.s32 @p2 $0xFFFFE000;
	s28 =	simm.s32 @p2 $0x5000  }
0x72: {  	[tilespmem:s28], [sflag:$0x3] =	stream.indirect.gather @p2 [hbm4b:s4+s7], $0x80, s10, s7, $0xb8;
	[tilespmem:$0x1E8C0] =	vst v63  }
0x73: {  	_ =	swait.ge @p2 [sflag:s29], $0x2000  }
0x74: {  	s8 =	sor.u32 @p2 $0x180, s6;
	s25 =	smov.u32 s10;
	[sflag:s29] =	ssyncset.done @p2 $0x0  }
0x75: {  	s10 =	simm.s32 @p2 $0x7000;
	s28 =	simm.s32 @p2 $0xA;
	[sflag:s29] =	ssyncadd.s32 @p2 $0xFFFFE000  }
0x76: {  	[tilespmem:s10], [sflag:$0x4] =	stream.indirect.gather @p2 [hbm4b:s4+s7], $0x80, s8, s7, $0xb8;
	[tilespmem:$0x1E8C0] =	vst v63  }
0x77: {  	_ =	swait.ge @p2 [sflag:s28], $0x2000  }
0x78: {  	s26 =	smov.u32 s8;
	s7 =	simm.s32 @!p2 $0x1000;
	[sflag:s28] =	ssyncset.done @p2 $0x0  }
0x79: {  	s8 =	simm.s32 @!p2 $0x40;
	s10 =	simm.s32 @!p2 $0x0;
	[sflag:s28] =	ssyncadd.s32 @p2 $0xFFFFE000  }
0x7a: {  	[tilespmem:s7], [sflag:$0x1] =	stream.indirect.gather @!p2 [hbm4b:s4+s8], $0x80, s10, s8, $0xb8;
	[tilespmem:$0x1E8C0] =	vst v63  }
0x7b: {  	s7 =	simm.s32 @!p2 $0x80;
	s10 =	simm.s32 @!p2 $0x3000  }
0x7c: {  	[tilespmem:s10], [sflag:$0x2] =	stream.indirect.gather @!p2 [hbm4b:s4+s8], $0x80, s7, s8, $0xb8;
	[tilespmem:$0x1E8C0] =	vst v63  }
0x7d: {  	s7 =	simm.s32 @!p2 $0x100;
	s10 =	simm.s32 @!p2 $0x5000  }
0x7e: {  	[tilespmem:s10], [sflag:$0x3] =	stream.indirect.gather @!p2 [hbm4b:s4+s8], $0x80, s7, s8, $0xb8;
	[tilespmem:$0x1E8C0] =	vst v63  }
0x7f: {  	s6 =	simm.s32 @!p2 $0x0;
	s7 =	simm.s32 @!p2 $0x180;
	s10 =	simm.s32 @!p2 $0x7000  }
0x80: {  	[tilespmem:s10], [sflag:$0x4] =	stream.indirect.gather @!p2 [hbm4b:s4+s8], $0x80, s7, s8, $0xb8;
	[tilespmem:$0x1E8C0] =	vst v63  }
0x81: {  	s8 =	sor.u32 $0x200, s6  }
0x82: {  	[tilespmem:s19], [sflag:$0x5] =	stream.indirect.gather [hbm4b:s4+s18], $0x80, s8, s18, $0xb8;
	[tilespmem:$0x1E8C0] =	vst v63  }
0x83: {  	s10 =	sxor.u32 $0x400, s6  }
0x84: {  	[tilespmem:s10], [sflag:$0xB] =	stream.linear.gather [hbm4b:s16+s2], $0x280, $0x38;
	[tilespmem:$0x1E8C0] =	vst v63  }
0x85: {  	s7 =	sor.u32 $0x800, s10  }
0x86: {  	[tilespmem:s7], [sflag:$0xB] =	stream.linear.gather [hbm4b:s3+s2], $0x280, $0x38;
	[tilespmem:$0x1E8C0] =	vst v63  }
0x87: {  	_ =	swait.ge [sflag:s20], $0x2000  }
0x88: {  	[sflag:s20] =	ssyncset.done $0x0  }
0x89: {  	s29 =	sor.u32 $0x800, s6;
	s28 =	rddreg [dreg:$0x4];
	[sflag:s20] =	ssyncadd.s32 $0xFFFFE000  }
0x8a: {  	[spmem:s1] =	stream.indirect.scatter.add.f32 [tilespmem:s28], [sflag:$0x6], $0x80, s29, s18, $0xb8;
	[tilespmem:$0x1E8C0] =	vst v63  }
0x8b: {  	_ =	swait.ge [sflag:s21], $0x2000  }
0x8c: {  	s9 =	simm.s32 @!p2 $0x80;
	[sflag:s21] =	ssyncset.done $0x0  }
0x8d: {  	s9 =	sor.u32 $0x800, s9;
	s8 =	rddreg [dreg:$0x5];
	[sflag:s21] =	ssyncadd.s32 $0xFFFFE000  }
0x8e: {  	[spmem:s1] =	stream.indirect.scatter.add.f32 [tilespmem:s8], [sflag:$0x7], $0x80, s9, s18, $0xb8;
	[tilespmem:$0x1E8C0] =	vst v63  }
0x8f: {  	_ =	swait.ge [sflag:s22], $0x2000  }
0x90: {  	s25 =	simm.s32 @!p2 $0x100;
	[sflag:s22] =	ssyncset.done $0x0  }
0x91: {  	s25 =	sor.u32 $0x800, s25;
	s10 =	rddreg [dreg:$0x6];
	[sflag:s22] =	ssyncadd.s32 $0xFFFFE000  }
0x92: {  	[spmem:s1] =	stream.indirect.scatter.add.f32 [tilespmem:s10], [sflag:$0x8], $0x80, s25, s18, $0xb8;
	[tilespmem:$0x1E8C0] =	vst v63  }
0x93: {  	s0 =	sadd.s32 $0x400, s0;
	s26 =	simm.s32 @!p2 $0x180;
	_ =	swait.ge [sflag:s23], $0x2000  }
0x94: {  	p1 =	sne.s32 s0, $0xFC00;
	s29 =	sor.u32 $0x800, s26;
	[sflag:s23] =	ssyncset.done $0x0  }
.Ltmp0:
0x95: {  	s28 =	rddreg [dreg:$0x7];
	[sflag:s23] =	ssyncadd.s32 $0xFFFFE000;
	(pc) =	sbr.rel @p1 .LBB2_2-.Ltmp0, $4  }
0x96: {  	[spmem:s1] =	stream.indirect.scatter.add.f32 [tilespmem:s28], [sflag:$0x9], $0x80, s29, s18, $0xb8;
	[tilespmem:$0x1E8C0] =	vst v63  }
0x97: {  	_ =	swait.ge [sflag:s24], $0x2000  }
0x98: {  	s6 =	sor.u32 $0xA00, s6;
	[sflag:s24] =	ssyncset.done $0x0  }
0x99: {  	s16 =	sadd.s32 $0x80, s16;
	s3 =	sadd.s32 $0x80, s3;
	[sflag:s24] =	ssyncadd.s32 $0xFFFFE000  }
0x9a: {  	[spmem:s1] =	stream.indirect.scatter.add.f32 [tilespmem:s19], [sflag:$0xA], $0x80, s6, s18, $0xb8;
	[tilespmem:$0x1E8C0] =	vst v63  }
0x9b: {  	_ =	swait.ge [sflag:s17], $0x280  }
0x9c: {  	[sflag:s17] =	ssyncset.done $0x0  }
0x9d: {  	[sflag:s17] =	ssyncadd.s32 $0xFFFFFD80  }
0x9e: {  	_ =	swait.ge [sflag:s17], $0x280  }
0x9f: {  	[sflag:s17] =	ssyncset.done $0x0  }
0xa0: {  	s0 =	simm.s32 $0x6;
	[sflag:s17] =	ssyncadd.s32 $0xFFFFFD80  }
0xa1: {  	_ =	swait.ge [sflag:s0], $0x2000  }
0xa2: {  	[sflag:s0] =	ssyncset.done $0x0  }
0xa3: {  	s25 =	simm.s32 $0x7;
	[sflag:s0] =	ssyncadd.s32 $0xFFFFE000  }
0xa4: {  	_ =	swait.ge [sflag:s25], $0x2000  }
0xa5: {  	[sflag:s25] =	ssyncset.done $0x0  }
0xa6: {  	s26 =	simm.s32 $0x8;
	[sflag:s25] =	ssyncadd.s32 $0xFFFFE000  }
0xa7: {  	_ =	swait.ge [sflag:s26], $0x2000  }
0xa8: {  	[sflag:s26] =	ssyncset.done $0x0  }
0xa9: {  	s28 =	simm.s32 $0x9;
	[sflag:s26] =	ssyncadd.s32 $0xFFFFE000  }
0xaa: {  	_ =	swait.ge [sflag:s28], $0x2000  }
0xab: {  	[sflag:s28] =	ssyncset.done $0x0  }
0xac: {  	[sflag:s28] =	ssyncadd.s32 $0xFFFFE000  }
0xad: {  	_ =	swait.ge [sflag:s30], $0x2000  }
0xae: {  	[sflag:s30] =	ssyncset.done $0x0  }
0xaf: {  	[sflag:s30] =	ssyncadd.s32 $0xFFFFE000  }
0xb0: {  	[bflag:$0x0] =	sbarrier.arrive $0xFFFF  }
0xb1: {  	s0 =	simm.s32 @p0 $0x1FCC;
	s3 =	rddreg [dreg:$0xb]  }
0xb2: {  	[hbm:s3], [sflag:s0] =	dma.local @p0 [spmem:s13], $0x2800  }
0xb3: {  	s0 =	simm.s32 @p0 $0xC  }
0xb4: {  	_ =	swait.ge @p0 [sflag:s0], $0x2800  }
0xb5: {  	[sflag:s0] =	ssyncset.done @p0 $0x0  }
0xb6: {  	[sflag:s0] =	ssyncadd.s32 @p0 $0xFFFFD800;
	s0 =	rddreg [dreg:$0xa]  }
0xb7: {  	[hbm:s0], [sflag:s14] =	dma.local @!p0 [spmem:s15], $0x2700  }
0xb8: {  	s0 =	simm.s32 @!p0 $0xC  }
0xb9: {  	_ =	swait.ge @!p0 [sflag:s0], $0x2700  }
0xba: {  	s31 =	sadd.s32 $0x1, s31;
	s29 =	rddreg [dreg:$0xc]  }
0xbb: {  	p1 =	sne.s32 s31, s29  }
.Ltmp1:
0xbc: {  	_ = 	snop;
	(pc) =	sbr.rel @p1 .LBB2_1-.Ltmp1, $3  }
0xbd: {  	_ =	sdelay $0x1  }
0xbe: {  	[sflag:s0] =	ssyncset.done @!p0 $0x0  }
0xbf: {  	[sflag:s0] =	ssyncadd.s32 @!p0 $0xFFFFD900  }
0xc0: {  	_ =	sfence.sel $0x180000  }
0xc1: {  	[bflag:$0x0] =	sbarrier.arrive $0xFFFF  }
0xc2: {  	_ =	strace $0x9000004A  }
0xc3: {  	s0 =	stileid.u32;
	[bflag:$0x2] =	sbarrier.arrive $0xFFFF  }
0xc4: {  	p0 =	sne.s32 s0, $0x0;
	s0 =	rddreg [dreg:$0x3]  }
0xc5: {  	s0 =	sadd.s32 @!p0 $0x100000, s0  }
0xc6: {  	[sflag:s0] =	ssyncadd.tile.s32 @!p0 $0x1;
	_ =	shalt  }
.Lfunc_end2:
_tile_overlayer_lowered:
.L_overlay_start_2:
0xc7: {  	(tag) =	ssettag $0x2  }
0xc8: {  	s0 =	rddreg [dreg:$0x0];
	s2 =	stileid.u32  }
0xc9: {  	s1 =	rddreg [dreg:$0x1];
	p0 =	sne.s32 s2, $0x0  }
0xca: {  	s3 =	rddreg [dreg:$0x2];
	[bflag:$0x3] =	sbarrier.arrive $0xFFFF;
	s2 =	simm.s32 @!p0 $0x1C0C  }
0xcb: {  	[timem:s3], [sflag:s2] =	dma.local @!p0 [hbm:s0], s1  }
0xcc: {  	s0 =	simm.s32 @!p0 $0xC  }
0xcd: {  	_ =	swait.ge @!p0 [sflag:s0], s1  }
0xce: {  	s1 =	ssub.s32 @!p0 $0x0, s1;
	[sflag:s0] =	ssyncset.done @!p0 $0x0  }
0xcf: {  	[sflag:s0] =	ssyncadd.s32 @!p0 s1  }
0xd0: {  	[bflag:$0x3] =	sbarrier.arrive $0xFFFF  }
0xd1: {  	_ =	shalt  }

// kernel: kernel.15.cloned.1.call-start
scs
__scs_entry_jumppad:
0x0: {  	(pc) =	sbr.rel $0x88, $3  }
0x1: {  	(tag) =	ssettag $0x0;
	lr =	simm.s32 $0x1  }
0x2: {  	[smem:$0x3F87] =	sst lr;
	_ =	strace $0xD0000000  }
0x3: {  	_ = 	snop  }
0x4: {  	_ = 	snop  }
0x5: {  	_ = 	snop  }
0x6: {  	_ = 	snop  }
0x7: {  	_ = 	snop  }
__scs_overlays_trampoline_lowered:
0x8: {  	[smem:$0x3F96] =	sst s0  }
0x9: {  	[smem:$0x3F97] =	sst s1  }
0xa: {  	[smem:$0x3F98] =	sst s2  }
0xb: {  	[smem:$0x3F99] =	sst s3  }
0xc: {  	[smem:$0x3F9A] =	sst s4  }
0xd: {  	[smem:$0x3F9B] =	sst s5  }
0xe: {  	[smem:$0x3F9C] =	sst s6  }
0xf: {  	[smem:$0x3F9D] =	sst s7  }
0x10: {  	[smem:$0x3F9E] =	sst s8  }
0x11: {  	[smem:$0x3F9F] =	sst s9;
	s0 =	simm.s32 @!p0 $0x0  }
0x12: {  	s1 =	sld [smem:$0x3F85];
	s0 =	simm.s32 @p0 $0x1  }
0x13: {  	[smem:$0x3FA0] =	sst s0;
	s0 =	simm.s32 @!p1 $0x0  }
0x14: {  	s2 =	sld [smem:$0x3F84];
	s0 =	simm.s32 @p1 $0x1  }
0x15: {  	[smem:$0x3FA1] =	sst s0;
	s0 =	simm.s32 @!p2 $0x0  }
0x16: {  	s3 =	sld [smem:$0x3FDB];
	s0 =	simm.s32 @p2 $0x1  }
0x17: {  	s4 =	simm.s32 $0x1BF5;
	[smem:$0x3FA3] =	sst s0  }
0x18: {  	s0 =	sld [smem:$0x3F86];
	_ =	swait.ge [sflag:s4], $0x0  }
0x19: {  	s7 =	sld [smem:$0x3F87]  }
0x1a: {  	s8 =	sadd.s32 $0xFFFFE003, lr  }
0x1b: {  	s9 =	sadd.s32 $0xFFFFFEF7, lr;
	s5 =	simm.s32 $0xFFFFFFFF;
	p2 =	slt.u32 s8, $0xFFFFF086  }
0x1c: {  	p1 =	slt.u32 s9, $0xF7A;
	s5 =	simm.s32 @!p2 $0x0  }
0x1d: {  	s5 =	simm.s32 @p1 $0x1;
	p0 =	seq.s32 s7, s2  }
0x1e: {  	s7 =	smul.u32 @!p0 $0xF7A, s2;
	p2 =	seq.s32 @!p0 s5, $0x0  }
0x1f: {  	s9 =	smul.u32 $0xF7A, s1;
	s8 =	simm.s32 @!p0 $0x1BF5;
	p2 =	por !p2, p0  }
0x20: {  	[sflag:s8] =	ssyncset.s32 @!p0 $0xFFFFF086;
	s6 =	sadd.s32 @!p0 s3, s7;
	s7 =	simm.s32 @!p0 $0x108  }
0x21: {  	s3 =	sadd.s32 s3, s9;
	s6 =	sadd.s32 @!p0 $0x88, s6;
	s7 =	simm.s32 @p2 $0x1082  }
0x22: {  	[simem:s7], [sflag:s8] =	dma.local @!p0 [hbm:s6], $0xF7A  }
0x23: {  	s9 =	sor.u32 $0xD0000000, s2;
	s6 =	simm.s32 $0x108;
	_ =	swait.ge @!p0 [sflag:s8], $0x0  }
0x24: {  	s3 =	sadd.s32 $0x88, s3;
	s6 =	simm.s32 @!p1 $0x1082;
	[sflag:s4] =	ssyncset.s32 $0xFFFFF086  }
0x25: {  	[simem:s6], [sflag:s4] =	dma.local [hbm:s3], $0xF7A  }
0x26: {  	[smem:$0x3F87] =	sst s1;
	(tag) =	ssettag s2;
	_ =	strace s9  }
0x27: {  	s1 =	sld [smem:$0x3F97]  }
0x28: {  	s2 =	sld [smem:$0x3F98]  }
0x29: {  	s4 =	sld [smem:$0x3F9A]  }
0x2a: {  	p0 =	seq.s32 s5, $0x0;
	s5 =	sld [smem:$0x3F9B]  }
0x2b: {  	s6 =	sld [smem:$0x3F9C]  }
0x2c: {  	s7 =	sld [smem:$0x3F9D]  }
0x2d: {  	s3 =	simm.s32 $0x108;
	s8 =	sld [smem:$0x3F9E]  }
0x2e: {  	s3 =	simm.s32 @!p0 $0x1082;
	s9 =	sld [smem:$0x3F9F]  }
0x2f: {  	lr =	sadd.s32 s0, s3;
	s0 =	sld [smem:$0x3F96]  }
0x30: {  	s3 =	sld [smem:$0x3F99]  }
0x31: {  	[smem:$0x3FA2] =	sst s10  }
0x32: {  	s10 =	sld [smem:$0x3FA0];
	_ =	sdelay $0x3  }
0x33: {  	p0 =	seq.s32 s10, $0x1;
	s10 =	sld [smem:$0x3FA2];
	_ =	sdelay $0x3  }
0x34: {  	[smem:$0x3FA2] =	sst s10  }
0x35: {  	s10 =	sld [smem:$0x3FA1];
	_ =	sdelay $0x3  }
0x36: {  	p1 =	seq.s32 s10, $0x1;
	s10 =	sld [smem:$0x3FA2];
	_ =	sdelay $0x3  }
0x37: {  	[smem:$0x3FA2] =	sst s10  }
0x38: {  	s10 =	sld [smem:$0x3FA3]  }
0x39: {  	_ = 	snop;
	(pc) =	sbr.ind lr, $3  }
0x3a: {  	_ = 	snop  }
0x3b: {  	_ = 	snop  }
0x3c: {  	p2 =	seq.s32 s10, $0x1;
	s10 =	sld [smem:$0x3FA2]  }
0x3d: {  	_ =	shalt  }
0x3e: {  	_ =	shalt  }
0x3f: {  	_ =	shalt  }
0x40: {  	_ =	shalt  }
0x41: {  	_ =	shalt  }
0x42: {  	_ =	shalt  }
0x43: {  	_ =	shalt  }
0x44: {  	_ =	shalt  }
0x45: {  	_ =	shalt  }
0x46: {  	_ =	shalt  }
0x47: {  	_ =	shalt  }
0x48: {  	_ =	shalt  }
0x49: {  	_ =	shalt  }
0x4a: {  	_ =	shalt  }
0x4b: {  	_ =	shalt  }
0x4c: {  	_ =	shalt  }
0x4d: {  	_ =	shalt  }
0x4e: {  	_ =	shalt  }
0x4f: {  	_ =	shalt  }
0x50: {  	_ =	shalt  }
0x51: {  	_ =	shalt  }
0x52: {  	_ =	shalt  }
0x53: {  	_ =	shalt  }
0x54: {  	_ =	shalt  }
0x55: {  	_ =	shalt  }
0x56: {  	_ =	shalt  }
0x57: {  	_ =	shalt  }
0x58: {  	_ =	shalt  }
0x59: {  	_ =	shalt  }
0x5a: {  	_ =	shalt  }
0x5b: {  	_ =	shalt  }
0x5c: {  	_ =	shalt  }
0x5d: {  	_ =	shalt  }
0x5e: {  	_ =	shalt  }
0x5f: {  	_ =	shalt  }
0x60: {  	_ =	shalt  }
0x61: {  	_ =	shalt  }
0x62: {  	_ =	shalt  }
0x63: {  	_ =	shalt  }
0x64: {  	_ =	shalt  }
0x65: {  	_ =	shalt  }
0x66: {  	_ =	shalt  }
0x67: {  	_ =	shalt  }
0x68: {  	_ =	shalt  }
0x69: {  	_ =	shalt  }
0x6a: {  	_ =	shalt  }
0x6b: {  	_ =	shalt  }
0x6c: {  	_ =	shalt  }
0x6d: {  	_ =	shalt  }
0x6e: {  	_ =	shalt  }
0x6f: {  	_ =	shalt  }
0x70: {  	_ =	shalt  }
0x71: {  	_ =	shalt  }
0x72: {  	_ =	shalt  }
0x73: {  	_ =	shalt  }
0x74: {  	_ =	shalt  }
0x75: {  	_ =	shalt  }
0x76: {  	_ =	shalt  }
0x77: {  	_ =	shalt  }
0x78: {  	_ =	shalt  }
0x79: {  	_ =	shalt  }
0x7a: {  	_ =	shalt  }
0x7b: {  	_ =	shalt  }
0x7c: {  	_ =	shalt  }
0x7d: {  	_ =	shalt  }
0x7e: {  	_ =	shalt  }
0x7f: {  	_ =	shalt  }
0x80: {  	_ =	shalt  }
0x81: {  	_ =	shalt  }
0x82: {  	_ =	shalt  }
0x83: {  	_ =	shalt  }
0x84: {  	_ =	shalt  }
0x85: {  	_ =	shalt  }
0x86: {  	_ =	shalt  }
0x87: {  	_ =	shalt  }
.Lfunc_end0:
.L_simem_size_0:
called_computation.2_lowered:
.L_overlay_start_0:
0x88: {  	s2 =	sld [smem:$0x3FD9]  }
0x89: {  	s3 =	sld [smem:$0x3FFE];
	_ =	sdelay $0x1  }
0x8a: {  	s1 =	srdreg.scid  }
0x8b: {  	s0 =	sand.u32 $0x1, s1  }
0x8c: {  	s17 =	sshll.u32 s0, $0xA;
	s2 =	sadd.s32 s3, s2  }
0x8d: {  	s2 =	sadd.s32 s2, s17  }
0x8e: {  	[smem:$0x3FAE] =	sst s2  }
0x8f: {  	_ = 	snop  }
0x90: {  	s2 =	sld [smem:$0x3FD0];
	(tm) =	ssettm $0x1  }
0x91: {  	s18 =	sld [smem:$0x3FFB];
	_ =	sdelay $0x3  }
0x92: {  	_ =	strace s18  }
0x93: {  	s3 =	sld [smem:$0x3FFC];
	_ =	sdelay $0x3  }
0x94: {  	_ =	strace s3  }
0x95: {  	s3 =	sld [smem:$0x3FFD];
	_ =	sdelay $0x3  }
0x96: {  	_ =	strace s3  }
0x97: {  	_ =	strace $0x8FFFFFFF  }
0x98: {  	s19 =	sld [smem:$0x3FDB];
	_ =	sdelay $0x1  }
0x99: {  	s4 =	simm.s32 $_scs_section_size  }
0x9a: {  	s5 =	simm.s32 $_size__tile_overlayer_lowered;
	s6 =	simm.s32 $_tile_overlayer_lowered  }
0x9b: {  	s22 =	simm.s32 $0x1BFF;
	s21 =	sshll.u32 s6, $0x1;
	s3 =	sadd.s32 s4, s19  }
0x9c: {  	s7 =	simm.s32 $0x0;
	s20 =	sshll.u32 s5, $0x1;
	s5 =	sadd.s32 s21, s3  }
0x9d: {  	[timem:s7], [sflag:s22] =	dma.local [hbm:s5], s20  }
0x9e: {  	_ =	swait.ge [sflag:s22], s20  }
0x9f: {  	s4 =	ssub.s32 $0x0, s20;
	[sflag:s22] =	ssyncset.done $0x0  }
0xa0: {  	[sflag:s22] =	ssyncadd.s32 s4;
	_ =	sdelay $0x1  }
0xa1: {  	s23 =	simm.s32 $0x1B8B  }
0xa2: {  	_ =	swait.ge [sflag:s23], $0x1  }
0xa3: {  	[sflag:s23] =	ssyncset.done $0x0  }
0xa4: {  	s25 =	simm.s32 $0x1B8E;
	s24 =	sld [smem:$0x3FFE];
	[sflag:s23] =	ssyncadd.s32 $0xFFFFFFFF  }
0xa5: {  	s26 =	simm.s32 $execute0_lowered;
	[smem:$0x3FD2] =	sst s25  }
0xa6: {  	s5 =	sshll.u32 s26, $0x1;
	_ =	strace $0x8000004C;
	[dreg:$0x1] =	wrdreg $0xFFFFFFFF  }
0xa7: {  	s28 =	simm.s32 $_size_execute0_lowered;
	s3 =	sadd.s32 s3, s5;
	[dreg:$0x0] =	wrdreg $0x0  }
0xa8: {  	s5 =	sshll.u32 s28, $0x1;
	[dreg:$0x2] =	wrdreg s3  }
0xa9: {  	[dreg:$0x3] =	wrdreg s5  }
0xaa: {  	[dreg:$0x4] =	wrdreg $0xC0  }
0xab: {  	_ =	task [dreg:s7], $0x5FFFF  }
0xac: {  	[dreg:$0x1] =	wrdreg $0xFFFFFFFF  }
0xad: {  	[dreg:$0x0] =	wrdreg $0x60  }
0xae: {  	[dreg:$0x2] =	wrdreg s24  }
0xaf: {  	[dreg:$0x3] =	wrdreg s2  }
0xb0: {  	[dreg:$0x4] =	wrdreg $0xB0000  }
0xb1: {  	[dreg:$0x5] =	wrdreg $0x9  }
0xb2: {  	_ =	task.clear_ibuf [dreg:s7], $0x6FFFF;
	_ =	strace $0x9000004C  }
0xb3: {  	s29 =	simm.s32 $0x9;
	_ =	strace $0x8000004E  }
0xb4: {  	_ =	swait.ge [sflag:s29], $0x1  }
0xb5: {  	[sflag:s29] =	ssyncadd.s32 $0xFFFFFFFF  }
0xb6: {  	_ =	strace $0x9000004E  }
0xb7: {  	_ =	sfence  }
0xb8: {  	s30 =	sld [smem:$0x0];
	_ =	sdelay $0x2  }
0xb9: {  	s31 =	sshll.u32 s1, $0xD;
	s1 =	sshrl.u32 s1, $0x2  }
0xba: {  	s3 =	sand.u32 $0x4000, s31;
	s1 =	sadd.s32 s1, s30  }
0xbb: {  	s0 =	sor.u32 s3, s0;
	s1 =	sshll.u32 s1, $0x11  }
0xbc: {  	s0 =	sor.u32 s1, s0  }
0xbd: {  	s0 =	sadd.s32 $0x8F2B, s0  }
0xbe: {  	[sflag:s0] =	ssyncadd.remote.s32 $0x1  }
0xbf: {  	_ =	sfence.sel $0xFFFF  }
0xc0: {  	[dreg:$0x0] =	wrdreg $0xFFFFFFFF;
	(pc) =	sbr.abs _section_cstart, $3  }
0xc1: {  	[dreg:$0x1] =	wrdreg $0xFFFFFFFF  }
0xc2: {  	_ =	task.clear_ibuf [dreg:s7], $0x2FFFF;
	_ =	strace $0x9FFFFFFF  }
0xc3: {  	(tm) =	ssettm $0x7FFFFFFF  }
tec
execute0_lowered:
.L_overlay_start_1:
0x0: {  	(tag) =	ssettag $0x1  }
0x1: {  	s0 =	rddreg [dreg:$0x0]  }
0x2: {  	s3 =	rddreg [dreg:$0x1]  }
0x3: {  	s1 =	rddreg [dreg:$0x2];
	s2 =	simm.s32 $0x0;
	s4 =	srdreg.scid  }
0x4: {  	s12 =	stileid.u32;
	s25 =	simm.s32 $0x1000;
	s26 =	simm.s32 $0x3000  }
0x5: {  	s28 =	simm.s32 $0x5000;
	s29 =	simm.s32 $0x7000;
	s30 =	simm.s32 $0xA  }
0x6: {  	s31 =	simm.s32 $0x0;
	[smem:$0x7FF] =	sst s2;
	s6 =	sand.u32 $0x1, s4  }
0x7: {  	s4 =	sadd.s32 $0x44A00, s0;
	s8 =	sadd.s32 $0x4A00, s0;
	s5 =	sadd.s32 $0x93A00, s0  }
0x8: {  	s0 =	sadd.s32 $0x96200, s0;
	s17 =	smul.u32 $0x4E000, s12;
	s11 =	sshll.u32 s12, $0x10  }
0x9: {  	s18 =	smul.u32 $0x13800, s12;
	s13 =	sadd.s32 $0x124800, s1;
	s20 =	sshll.u32 s12, $0xD  }
0xa: {  	p0 =	seq.s32 s12, $0xF;
	_ =	strace $0x8000004D;
	[dreg:$0x4] =	wrdreg s25  }
0xb: {  	s7 =	ssub.s32 $0x2, s6;
	s10 =	sshll.u32 s6, $0x14;
	[dreg:$0x5] =	wrdreg s26  }
0xc: {  	s6 =	smul.u32 $0x13C000, s6;
	s13 =	sshrl.u32 @p0 s13, $0x3;
	[dreg:$0x6] =	wrdreg s28  }
0xd: {  	[dreg:$0x7] =	wrdreg s29;
	s9 =	sshrl.u32 s7, $0x1;
	s10 =	sor.u32 s11, s10  }
0xe: {  	s9 =	ssub.s32 s7, s9;
	s7 =	sshrl.u32 s17, $0x2;
	s19 =	sshrl.u32 s10, $0x3  }
0xf: {  	s11 =	sadd.s32 s18, s6;
	s6 =	sshrl.u32 s6, $0x3;
	s22 =	sor.u32 $0x400, s10  }
0x10: {  	s17 =	simm.s32 $0xB;
	s18 =	simm.s32 $0x40;
	s15 =	sadd.s32 s7, s1  }
0x11: {  	s7 =	sadd.s32 s8, s19;
	s21 =	sshrl.u32 s11, $0x3;
	s23 =	sshrl.u32 s22, $0x3  }
0x12: {  	s24 =	smax.u32 s9, $0x1;
	s19 =	simm.s32 $0x9000;
	s22 =	simm.s32 $0x3  }
0x13: {  	[dreg:$0x8] =	wrdreg s7;
	s7 =	sadd.s32 s3, s20;
	s3 =	sadd.s32 s0, s21  }
0x14: {  	s0 =	sadd.s32 s0, s6;
	[dreg:$0xc] =	wrdreg s24;
	s11 =	sadd.s32 s23, s8  }
0x15: {  	s15 =	sshrl.u32 @!p0 s15, $0x3;
	s20 =	simm.s32 $0x1;
	s21 =	simm.s32 $0x2  }
0x16: {  	s23 =	simm.s32 $0x4;
	[dreg:$0xa] =	wrdreg s3;
	s0 =	sadd.s32 $0x24900, s0  }
0x17: {  	s24 =	simm.s32 $0x5;
	[dreg:$0xb] =	wrdreg s0;
	s0 =	sshll.u32 @!p0 s12, $0x6  }
0x18: {  	[dreg:$0x9] =	wrdreg s7;
	s12 =	sadd.s32 $0x80, s7;
	s14 =	sor.u32 @!p0 $0x1C0C, s0  }
.LBB2_1:
0x19: {  	s0 =	simm.s32 @p0 $0x1FCC  }
0x1a: {  	[spmem:s13], [sflag:s0] =	dma.local @p0 [hbm:s5], $0x2800  }
0x1b: {  	s0 =	simm.s32 @p0 $0xC  }
0x1c: {  	_ =	swait.ge @p0 [sflag:s0], $0x2800  }
0x1d: {  	[sflag:s0] =	ssyncset.done @p0 $0x0  }
0x1e: {  	[sflag:s0] =	ssyncadd.s32 @p0 $0xFFFFD800;
	s0 =	simm.s32 @!p0 $0xC  }
0x1f: {  	[spmem:s15], [sflag:s14] =	dma.local @!p0 [hbm:s5], $0x2700  }
0x20: {  	_ =	swait.ge @!p0 [sflag:s0], $0x2700  }
0x21: {  	[sflag:s0] =	ssyncset.done @!p0 $0x0  }
0x22: {  	s16 =	rddreg [dreg:$0x8];
	[sflag:s0] =	ssyncadd.s32 @!p0 $0xFFFFD900  }
0x23: {  	[tilespmem:s2], [sflag:$0xB] =	stream.linear.gather [hbm4b:s16+s2], $0x280, $0x38;
	[tilespmem:$0x1E8C0] =	vst v63  }
0x24: {  	s3 =	simm.s32 $0x800;
	s25 =	rddreg [dreg:$0x9]  }
0x25: {  	[tilespmem:s3], [sflag:$0xB] =	stream.linear.gather [hbm4b:s25+s2], $0x280, $0x38;
	[tilespmem:$0x1E8C0] =	vst v63  }
0x26: {  	[bflag:$0x0] =	sbarrier.arrive $0xFFFF  }
0x27: {  	_ =	swait.ge [sflag:s17], $0x280  }
0x28: {  	[sflag:s17] =	ssyncset.done $0x0  }
0x29: {  	[sflag:s17] =	ssyncadd.s32 $0xFFFFFD80  }
0x2a: {  	_ =	swait.ge [sflag:s17], $0x280  }
0x2b: {  	p1 =	por $0x0, $0x0;
	[sflag:s17] =	ssyncset.done $0x0  }
0x2c: {  	s0 =	simm.s32 @p1 $0x6;
	[sflag:s17] =	ssyncadd.s32 $0xFFFFFD80  }
0x2d: {  	_ =	swait.ge @p1 [sflag:s0], $0x2000  }
0x2e: {  	s8 =	simm.s32 @p1 $0x7;
	s6 =	sand.u32 @p1 $0x400, s2;
	[sflag:s0] =	ssyncset.done @p1 $0x0  }
0x2f: {  	s3 =	simm.s32 @p1 $0x1000;
	[sflag:s0] =	ssyncadd.s32 @p1 $0xFFFFE000;
	s0 =	simm.s32 @p1 $0x40  }
0x30: {  	[tilespmem:s3], [sflag:$0x1] =	stream.indirect.gather @p1 [hbm4b:s4+s0], $0x80, s6, s0, $0xb8;
	[tilespmem:$0x1E8C0] =	vst v63  }
0x31: {  	_ =	swait.ge @p1 [sflag:s8], $0x2000  }
0x32: {  	s9 =	simm.s32 @p1 $0x8;
	[sflag:s8] =	ssyncset.done @p1 $0x0  }
0x33: {  	s3 =	sor.u32 @p1 $0x80, s6;
	[sflag:s8] =	ssyncadd.s32 @p1 $0xFFFFE000;
	s8 =	simm.s32 @p1 $0x3000  }
0x34: {  	[tilespmem:s8], [sflag:$0x2] =	stream.indirect.gather @p1 [hbm4b:s4+s0], $0x80, s3, s0, $0xb8;
	[tilespmem:$0x1E8C0] =	vst v63  }
0x35: {  	_ =	swait.ge @p1 [sflag:s9], $0x2000  }
0x36: {  	s10 =	simm.s32 @p1 $0x9;
	[sflag:s9] =	ssyncset.done @p1 $0x0  }
0x37: {  	s8 =	sor.u32 @p1 $0x100, s6;
	[sflag:s9] =	ssyncadd.s32 @p1 $0xFFFFE000;
	s9 =	simm.s32 @p1 $0x5000  }
0x38: {  	[tilespmem:s9], [sflag:$0x3] =	stream.indirect.gather @p1 [hbm4b:s4+s0], $0x80, s8, s0, $0xb8;
	[tilespmem:$0x1E8C0] =	vst v63  }
0x39: {  	_ =	swait.ge @p1 [sflag:s10], $0x2000  }
0x3a: {  	s16 =	simm.s32 @p1 $0xA;
	[sflag:s10] =	ssyncset.done @p1 $0x0  }
0x3b: {  	s9 =	sor.u32 @p1 $0x180, s6;
	[sflag:s10] =	ssyncadd.s32 @p1 $0xFFFFE000;
	s10 =	simm.s32 @p1 $0x7000  }
0x3c: {  	[tilespmem:s10], [sflag:$0x4] =	stream.indirect.gather @p1 [hbm4b:s4+s0], $0x80, s9, s0, $0xb8;
	[tilespmem:$0x1E8C0] =	vst v63  }
0x3d: {  	_ =	swait.ge @p1 [sflag:s16], $0x2000  }
0x3e: {  	s0 =	simm.s32 @!p1 $0x1000;
	[sflag:s16] =	ssyncset.done @p1 $0x0  }
0x3f: {  	s10 =	simm.s32 @!p1 $0x40;
	[sflag:s16] =	ssyncadd.s32 @p1 $0xFFFFE000;
	s16 =	simm.s32 @!p1 $0x0  }
0x40: {  	[tilespmem:s0], [sflag:$0x1] =	stream.indirect.gather @!p1 [hbm4b:s4+s10], $0x80, s16, s10, $0xb8;
	[tilespmem:$0x1E8C0] =	vst v63  }
0x41: {  	s0 =	simm.s32 @!p1 $0x80;
	s16 =	simm.s32 @!p1 $0x3000  }
0x42: {  	[tilespmem:s16], [sflag:$0x2] =	stream.indirect.gather @!p1 [hbm4b:s4+s10], $0x80, s0, s10, $0xb8;
	[tilespmem:$0x1E8C0] =	vst v63  }
0x43: {  	s0 =	simm.s32 @!p1 $0x100;
	s16 =	simm.s32 @!p1 $0x5000  }
0x44: {  	[tilespmem:s16], [sflag:$0x3] =	stream.indirect.gather @!p1 [hbm4b:s4+s10], $0x80, s0, s10, $0xb8;
	[tilespmem:$0x1E8C0] =	vst v63  }
0x45: {  	s6 =	simm.s32 @!p1 $0x0;
	s0 =	simm.s32 @!p1 $0x180;
	s16 =	simm.s32 @!p1 $0x7000  }
0x46: {  	[tilespmem:s16], [sflag:$0x4] =	stream.indirect.gather @!p1 [hbm4b:s4+s10], $0x80, s0, s10, $0xb8;
	[tilespmem:$0x1E8C0] =	vst v63  }
0x47: {  	s26 =	sor.u32 $0x200, s6  }
0x48: {  	[tilespmem:s19], [sflag:$0x5] =	stream.indirect.gather [hbm4b:s4+s18], $0x80, s26, s18, $0xb8;
	[tilespmem:$0x1E8C0] =	vst v63  }
0x49: {  	s28 =	sxor.u32 $0x400, s6  }
0x4a: {  	[tilespmem:s28], [sflag:$0xB] =	stream.linear.gather [hbm4b:s11+s2], $0x280, $0x38;
	[tilespmem:$0x1E8C0] =	vst v63  }
0x4b: {  	s0 =	sor.u32 $0x800, s28  }
0x4c: {  	[tilespmem:s0], [sflag:$0xB] =	stream.linear.gather [hbm4b:s12+s2], $0x280, $0x38;
	[tilespmem:$0x1E8C0] =	vst v63  }
0x4d: {  	_ =	swait.ge [sflag:s20], $0x2000  }
0x4e: {  	[sflag:s20] =	ssyncset.done $0x0  }
0x4f: {  	s7 =	sor.u32 $0x800, s6;
	s29 =	rddreg [dreg:$0x4];
	[sflag:s20] =	ssyncadd.s32 $0xFFFFE000  }
0x50: {  	[spmem:s1] =	stream.indirect.scatter.add.f32 [tilespmem:s29], [sflag:$0x6], $0x80, s7, s18, $0xb8;
	[tilespmem:$0x1E8C0] =	vst v63  }
0x51: {  	_ =	swait.ge [sflag:s21], $0x2000  }
0x52: {  	s3 =	simm.s32 @!p1 $0x80;
	[sflag:s21] =	ssyncset.done $0x0  }
0x53: {  	s3 =	sor.u32 $0x800, s3;
	s16 =	rddreg [dreg:$0x5];
	[sflag:s21] =	ssyncadd.s32 $0xFFFFE000  }
0x54: {  	[spmem:s1] =	stream.indirect.scatter.add.f32 [tilespmem:s16], [sflag:$0x7], $0x80, s3, s18, $0xb8;
	[tilespmem:$0x1E8C0] =	vst v63  }
0x55: {  	_ =	swait.ge [sflag:s22], $0x2000  }
0x56: {  	s8 =	simm.s32 @!p1 $0x100;
	[sflag:s22] =	ssyncset.done $0x0  }
0x57: {  	s26 =	sor.u32 $0x800, s8;
	s25 =	rddreg [dreg:$0x6];
	[sflag:s22] =	ssyncadd.s32 $0xFFFFE000  }
0x58: {  	[spmem:s1] =	stream.indirect.scatter.add.f32 [tilespmem:s25], [sflag:$0x8], $0x80, s26, s18, $0xb8;
	[tilespmem:$0x1E8C0] =	vst v63  }
0x59: {  	_ =	swait.ge [sflag:s23], $0x2000  }
0x5a: {  	s9 =	simm.s32 @!p1 $0x180;
	[sflag:s23] =	ssyncset.done $0x0  }
0x5b: {  	s29 =	sor.u32 $0x800, s9;
	s28 =	rddreg [dreg:$0x7];
	[sflag:s23] =	ssyncadd.s32 $0xFFFFE000  }
0x5c: {  	[spmem:s1] =	stream.indirect.scatter.add.f32 [tilespmem:s28], [sflag:$0x9], $0x80, s29, s18, $0xb8;
	[tilespmem:$0x1E8C0] =	vst v63  }
0x5d: {  	_ =	swait.ge [sflag:s24], $0x2000  }
0x5e: {  	s6 =	sor.u32 $0xA00, s6;
	s0 =	simm.s32 $0x400;
	[sflag:s24] =	ssyncset.done $0x0  }
0x5f: {  	s3 =	sadd.s32 $0x80, s12;
	s16 =	sadd.s32 $0x80, s11;
	[sflag:s24] =	ssyncadd.s32 $0xFFFFE000  }
.LBB2_2:
0x60: {  	[spmem:s1] =	stream.indirect.scatter.add.f32 [tilespmem:s19], [sflag:$0xA], $0x80, s6, s18, $0xb8;
	[tilespmem:$0x1E8C0] =	vst v63  }
0x61: {  	_ =	swait.ge [sflag:s17], $0x280  }
0x62: {  	[sflag:s17] =	ssyncset.done $0x0  }
0x63: {  	[sflag:s17] =	ssyncadd.s32 $0xFFFFFD80  }
0x64: {  	s6 =	smov.u32 s0;
	_ =	swait.ge [sflag:s17], $0x280  }
0x65: {  	p2 =	sne.s32 s6, $0x0;
	[sflag:s17] =	ssyncset.done $0x0  }
0x66: {  	s8 =	simm.s32 @p2 $0x6;
	[sflag:s17] =	ssyncadd.s32 $0xFFFFFD80  }
0x67: {  	_ =	swait.ge @p2 [sflag:s8], $0x2000  }
0x68: {  	s9 =	simm.s32 @p2 $0x1000;
	s25 =	simm.s32 @p2 $0x7;
	[sflag:s8] =	ssyncset.done @p2 $0x0  }
0x69: {  	s6 =	sand.u32 @p2 $0x400, s6;
	s7 =	simm.s32 @p2 $0x40;
	[sflag:s8] =	ssyncadd.s32 @p2 $0xFFFFE000  }
0x6a: {  	[tilespmem:s9], [sflag:$0x1] =	stream.indirect.gather @p2 [hbm4b:s4+s7], $0x80, s6, s7, $0xb8;
	[tilespmem:$0x1E8C0] =	vst v63  }
0x6b: {  	_ =	swait.ge @p2 [sflag:s25], $0x2000  }
0x6c: {  	s28 =	simm.s32 @p2 $0x8;
	[sflag:s25] =	ssyncset.done @p2 $0x0  }
0x6d: {  	s9 =	sor.u32 @p2 $0x80, s6;
	[sflag:s25] =	ssyncadd.s32 @p2 $0xFFFFE000;
	s25 =	simm.s32 @p2 $0x3000  }
0x6e: {  	[tilespmem:s25], [sflag:$0x2] =	stream.indirect.gather @p2 [hbm4b:s4+s7], $0x80, s9, s7, $0xb8;
	[tilespmem:$0x1E8C0] =	vst v63  }
0x6f: {  	_ =	swait.ge @p2 [sflag:s28], $0x2000  }
0x70: {  	s29 =	simm.s32 @p2 $0x9;
	[sflag:s28] =	ssyncset.done @p2 $0x0  }
0x71: {  	s10 =	sor.u32 @p2 $0x100, s6;
	[sflag:s28] =	ssyncadd.s32 @p2 $0xFFFFE000;
	s28 =	simm.s32 @p2 $0x5000  }
0x72: {  	[tilespmem:s28], [sflag:$0x3] =	stream.indirect.gather @p2 [hbm4b:s4+s7], $0x80, s10, s7, $0xb8;
	[tilespmem:$0x1E8C0] =	vst v63  }
0x73: {  	_ =	swait.ge @p2 [sflag:s29], $0x2000  }
0x74: {  	s8 =	sor.u32 @p2 $0x180, s6;
	s25 =	smov.u32 s10;
	[sflag:s29] =	ssyncset.done @p2 $0x0  }
0x75: {  	s10 =	simm.s32 @p2 $0x7000;
	s28 =	simm.s32 @p2 $0xA;
	[sflag:s29] =	ssyncadd.s32 @p2 $0xFFFFE000  }
0x76: {  	[tilespmem:s10], [sflag:$0x4] =	stream.indirect.gather @p2 [hbm4b:s4+s7], $0x80, s8, s7, $0xb8;
	[tilespmem:$0x1E8C0] =	vst v63  }
0x77: {  	_ =	swait.ge @p2 [sflag:s28], $0x2000  }
0x78: {  	s26 =	smov.u32 s8;
	s7 =	simm.s32 @!p2 $0x1000;
	[sflag:s28] =	ssyncset.done @p2 $0x0  }
0x79: {  	s8 =	simm.s32 @!p2 $0x40;
	s10 =	simm.s32 @!p2 $0x0;
	[sflag:s28] =	ssyncadd.s32 @p2 $0xFFFFE000  }
0x7a: {  	[tilespmem:s7], [sflag:$0x1] =	stream.indirect.gather @!p2 [hbm4b:s4+s8], $0x80, s10, s8, $0xb8;
	[tilespmem:$0x1E8C0] =	vst v63  }
0x7b: {  	s7 =	simm.s32 @!p2 $0x80;
	s10 =	simm.s32 @!p2 $0x3000  }
0x7c: {  	[tilespmem:s10], [sflag:$0x2] =	stream.indirect.gather @!p2 [hbm4b:s4+s8], $0x80, s7, s8, $0xb8;
	[tilespmem:$0x1E8C0] =	vst v63  }
0x7d: {  	s7 =	simm.s32 @!p2 $0x100;
	s10 =	simm.s32 @!p2 $0x5000  }
0x7e: {  	[tilespmem:s10], [sflag:$0x3] =	stream.indirect.gather @!p2 [hbm4b:s4+s8], $0x80, s7, s8, $0xb8;
	[tilespmem:$0x1E8C0] =	vst v63  }
0x7f: {  	s6 =	simm.s32 @!p2 $0x0;
	s7 =	simm.s32 @!p2 $0x180;
	s10 =	simm.s32 @!p2 $0x7000  }
0x80: {  	[tilespmem:s10], [sflag:$0x4] =	stream.indirect.gather @!p2 [hbm4b:s4+s8], $0x80, s7, s8, $0xb8;
	[tilespmem:$0x1E8C0] =	vst v63  }
0x81: {  	s8 =	sor.u32 $0x200, s6  }
0x82: {  	[tilespmem:s19], [sflag:$0x5] =	stream.indirect.gather [hbm4b:s4+s18], $0x80, s8, s18, $0xb8;
	[tilespmem:$0x1E8C0] =	vst v63  }
0x83: {  	s10 =	sxor.u32 $0x400, s6  }
0x84: {  	[tilespmem:s10], [sflag:$0xB] =	stream.linear.gather [hbm4b:s16+s2], $0x280, $0x38;
	[tilespmem:$0x1E8C0] =	vst v63  }
0x85: {  	s7 =	sor.u32 $0x800, s10  }
0x86: {  	[tilespmem:s7], [sflag:$0xB] =	stream.linear.gather [hbm4b:s3+s2], $0x280, $0x38;
	[tilespmem:$0x1E8C0] =	vst v63  }
0x87: {  	_ =	swait.ge [sflag:s20], $0x2000  }
0x88: {  	[sflag:s20] =	ssyncset.done $0x0  }
0x89: {  	s29 =	sor.u32 $0x800, s6;
	s28 =	rddreg [dreg:$0x4];
	[sflag:s20] =	ssyncadd.s32 $0xFFFFE000  }
0x8a: {  	[spmem:s1] =	stream.indirect.scatter.add.f32 [tilespmem:s28], [sflag:$0x6], $0x80, s29, s18, $0xb8;
	[tilespmem:$0x1E8C0] =	vst v63  }
0x8b: {  	_ =	swait.ge [sflag:s21], $0x2000  }
0x8c: {  	s9 =	simm.s32 @!p2 $0x80;
	[sflag:s21] =	ssyncset.done $0x0  }
0x8d: {  	s9 =	sor.u32 $0x800, s9;
	s8 =	rddreg [dreg:$0x5];
	[sflag:s21] =	ssyncadd.s32 $0xFFFFE000  }
0x8e: {  	[spmem:s1] =	stream.indirect.scatter.add.f32 [tilespmem:s8], [sflag:$0x7], $0x80, s9, s18, $0xb8;
	[tilespmem:$0x1E8C0] =	vst v63  }
0x8f: {  	_ =	swait.ge [sflag:s22], $0x2000  }
0x90: {  	s25 =	simm.s32 @!p2 $0x100;
	[sflag:s22] =	ssyncset.done $0x0  }
0x91: {  	s25 =	sor.u32 $0x800, s25;
	s10 =	rddreg [dreg:$0x6];
	[sflag:s22] =	ssyncadd.s32 $0xFFFFE000  }
0x92: {  	[spmem:s1] =	stream.indirect.scatter.add.f32 [tilespmem:s10], [sflag:$0x8], $0x80, s25, s18, $0xb8;
	[tilespmem:$0x1E8C0] =	vst v63  }
0x93: {  	s0 =	sadd.s32 $0x400, s0;
	s26 =	simm.s32 @!p2 $0x180;
	_ =	swait.ge [sflag:s23], $0x2000  }
0x94: {  	p1 =	sne.s32 s0, $0xFC00;
	s29 =	sor.u32 $0x800, s26;
	[sflag:s23] =	ssyncset.done $0x0  }
.Ltmp0:
0x95: {  	s28 =	rddreg [dreg:$0x7];
	[sflag:s23] =	ssyncadd.s32 $0xFFFFE000;
	(pc) =	sbr.rel @p1 .LBB2_2-.Ltmp0, $4  }
0x96: {  	[spmem:s1] =	stream.indirect.scatter.add.f32 [tilespmem:s28], [sflag:$0x9], $0x80, s29, s18, $0xb8;
	[tilespmem:$0x1E8C0] =	vst v63  }
0x97: {  	_ =	swait.ge [sflag:s24], $0x2000  }
0x98: {  	s6 =	sor.u32 $0xA00, s6;
	[sflag:s24] =	ssyncset.done $0x0  }
0x99: {  	s16 =	sadd.s32 $0x80, s16;
	s3 =	sadd.s32 $0x80, s3;
	[sflag:s24] =	ssyncadd.s32 $0xFFFFE000  }
0x9a: {  	[spmem:s1] =	stream.indirect.scatter.add.f32 [tilespmem:s19], [sflag:$0xA], $0x80, s6, s18, $0xb8;
	[tilespmem:$0x1E8C0] =	vst v63  }
0x9b: {  	_ =	swait.ge [sflag:s17], $0x280  }
0x9c: {  	[sflag:s17] =	ssyncset.done $0x0  }
0x9d: {  	[sflag:s17] =	ssyncadd.s32 $0xFFFFFD80  }
0x9e: {  	_ =	swait.ge [sflag:s17], $0x280  }
0x9f: {  	[sflag:s17] =	ssyncset.done $0x0  }
0xa0: {  	s0 =	simm.s32 $0x6;
	[sflag:s17] =	ssyncadd.s32 $0xFFFFFD80  }
0xa1: {  	_ =	swait.ge [sflag:s0], $0x2000  }
0xa2: {  	[sflag:s0] =	ssyncset.done $0x0  }
0xa3: {  	s25 =	simm.s32 $0x7;
	[sflag:s0] =	ssyncadd.s32 $0xFFFFE000  }
0xa4: {  	_ =	swait.ge [sflag:s25], $0x2000  }
0xa5: {  	[sflag:s25] =	ssyncset.done $0x0  }
0xa6: {  	s26 =	simm.s32 $0x8;
	[sflag:s25] =	ssyncadd.s32 $0xFFFFE000  }
0xa7: {  	_ =	swait.ge [sflag:s26], $0x2000  }
0xa8: {  	[sflag:s26] =	ssyncset.done $0x0  }
0xa9: {  	s28 =	simm.s32 $0x9;
	[sflag:s26] =	ssyncadd.s32 $0xFFFFE000  }
0xaa: {  	_ =	swait.ge [sflag:s28], $0x2000  }
0xab: {  	[sflag:s28] =	ssyncset.done $0x0  }
0xac: {  	[sflag:s28] =	ssyncadd.s32 $0xFFFFE000  }
0xad: {  	_ =	swait.ge [sflag:s30], $0x2000  }
0xae: {  	[sflag:s30] =	ssyncset.done $0x0  }
0xaf: {  	[sflag:s30] =	ssyncadd.s32 $0xFFFFE000  }
0xb0: {  	[bflag:$0x0] =	sbarrier.arrive $0xFFFF  }
0xb1: {  	s0 =	simm.s32 @p0 $0x1FCC;
	s3 =	rddreg [dreg:$0xb]  }
0xb2: {  	[hbm:s3], [sflag:s0] =	dma.local @p0 [spmem:s13], $0x2800  }
0xb3: {  	s0 =	simm.s32 @p0 $0xC  }
0xb4: {  	_ =	swait.ge @p0 [sflag:s0], $0x2800  }
0xb5: {  	[sflag:s0] =	ssyncset.done @p0 $0x0  }
0xb6: {  	[sflag:s0] =	ssyncadd.s32 @p0 $0xFFFFD800;
	s0 =	rddreg [dreg:$0xa]  }
0xb7: {  	[hbm:s0], [sflag:s14] =	dma.local @!p0 [spmem:s15], $0x2700  }
0xb8: {  	s0 =	simm.s32 @!p0 $0xC  }
0xb9: {  	_ =	swait.ge @!p0 [sflag:s0], $0x2700  }
0xba: {  	s31 =	sadd.s32 $0x1, s31;
	s29 =	rddreg [dreg:$0xc]  }
0xbb: {  	p1 =	sne.s32 s31, s29  }
.Ltmp1:
0xbc: {  	_ = 	snop;
	(pc) =	sbr.rel @p1 .LBB2_1-.Ltmp1, $3  }
0xbd: {  	_ =	sdelay $0x1  }
0xbe: {  	[sflag:s0] =	ssyncset.done @!p0 $0x0  }
0xbf: {  	[sflag:s0] =	ssyncadd.s32 @!p0 $0xFFFFD900  }
0xc0: {  	_ =	sfence.sel $0x180000  }
0xc1: {  	[bflag:$0x0] =	sbarrier.arrive $0xFFFF  }
0xc2: {  	_ =	strace $0x9000004D  }
0xc3: {  	s0 =	stileid.u32;
	[bflag:$0x2] =	sbarrier.arrive $0xFFFF  }
0xc4: {  	p0 =	sne.s32 s0, $0x0;
	s0 =	rddreg [dreg:$0x3]  }
0xc5: {  	s0 =	sadd.s32 @!p0 $0x100000, s0  }
0xc6: {  	[sflag:s0] =	ssyncadd.tile.s32 @!p0 $0x1;
	_ =	shalt  }
.Lfunc_end2:
_tile_overlayer_lowered:
.L_overlay_start_2:
0xc7: {  	(tag) =	ssettag $0x2  }
0xc8: {  	s0 =	rddreg [dreg:$0x0];
	s2 =	stileid.u32  }
0xc9: {  	s1 =	rddreg [dreg:$0x1];
	p0 =	sne.s32 s2, $0x0  }
0xca: {  	s3 =	rddreg [dreg:$0x2];
	[bflag:$0x3] =	sbarrier.arrive $0xFFFF;
	s2 =	simm.s32 @!p0 $0x1C0C  }
0xcb: {  	[timem:s3], [sflag:s2] =	dma.local @!p0 [hbm:s0], s1  }
0xcc: {  	s0 =	simm.s32 @!p0 $0xC  }
0xcd: {  	_ =	swait.ge @!p0 [sflag:s0], s1  }
0xce: {  	s1 =	ssub.s32 @!p0 $0x0, s1;
	[sflag:s0] =	ssyncset.done @!p0 $0x0  }
0xcf: {  	[sflag:s0] =	ssyncadd.s32 @!p0 s1  }
0xd0: {  	[bflag:$0x3] =	sbarrier.arrive $0xFFFF  }
0xd1: {  	_ =	shalt  }

// kernel: kernel.9.cloned.1.call-start
scs
__scs_entry_jumppad:
0x0: {  	(pc) =	sbr.rel $0x88, $3  }
0x1: {  	(tag) =	ssettag $0x0;
	lr =	simm.s32 $0x1  }
0x2: {  	[smem:$0x3F87] =	sst lr;
	_ =	strace $0xD0000000  }
0x3: {  	_ = 	snop  }
0x4: {  	_ = 	snop  }
0x5: {  	_ = 	snop  }
0x6: {  	_ = 	snop  }
0x7: {  	_ = 	snop  }
__scs_overlays_trampoline_lowered:
0x8: {  	[smem:$0x3F96] =	sst s0  }
0x9: {  	[smem:$0x3F97] =	sst s1  }
0xa: {  	[smem:$0x3F98] =	sst s2  }
0xb: {  	[smem:$0x3F99] =	sst s3  }
0xc: {  	[smem:$0x3F9A] =	sst s4  }
0xd: {  	[smem:$0x3F9B] =	sst s5  }
0xe: {  	[smem:$0x3F9C] =	sst s6  }
0xf: {  	[smem:$0x3F9D] =	sst s7  }
0x10: {  	[smem:$0x3F9E] =	sst s8  }
0x11: {  	[smem:$0x3F9F] =	sst s9;
	s0 =	simm.s32 @!p0 $0x0  }
0x12: {  	s1 =	sld [smem:$0x3F85];
	s0 =	simm.s32 @p0 $0x1  }
0x13: {  	[smem:$0x3FA0] =	sst s0;
	s0 =	simm.s32 @!p1 $0x0  }
0x14: {  	s2 =	sld [smem:$0x3F84];
	s0 =	simm.s32 @p1 $0x1  }
0x15: {  	[smem:$0x3FA1] =	sst s0;
	s0 =	simm.s32 @!p2 $0x0  }
0x16: {  	s3 =	sld [smem:$0x3FDB];
	s0 =	simm.s32 @p2 $0x1  }
0x17: {  	s4 =	simm.s32 $0x1BF5;
	[smem:$0x3FA3] =	sst s0  }
0x18: {  	s0 =	sld [smem:$0x3F86];
	_ =	swait.ge [sflag:s4], $0x0  }
0x19: {  	s7 =	sld [smem:$0x3F87]  }
0x1a: {  	s8 =	sadd.s32 $0xFFFFE003, lr  }
0x1b: {  	s9 =	sadd.s32 $0xFFFFFEF7, lr;
	s5 =	simm.s32 $0xFFFFFFFF;
	p2 =	slt.u32 s8, $0xFFFFF086  }
0x1c: {  	p1 =	slt.u32 s9, $0xF7A;
	s5 =	simm.s32 @!p2 $0x0  }
0x1d: {  	s5 =	simm.s32 @p1 $0x1;
	p0 =	seq.s32 s7, s2  }
0x1e: {  	s7 =	smul.u32 @!p0 $0xF7A, s2;
	p2 =	seq.s32 @!p0 s5, $0x0  }
0x1f: {  	s9 =	smul.u32 $0xF7A, s1;
	s8 =	simm.s32 @!p0 $0x1BF5;
	p2 =	por !p2, p0  }
0x20: {  	[sflag:s8] =	ssyncset.s32 @!p0 $0xFFFFF086;
	s6 =	sadd.s32 @!p0 s3, s7;
	s7 =	simm.s32 @!p0 $0x108  }
0x21: {  	s3 =	sadd.s32 s3, s9;
	s6 =	sadd.s32 @!p0 $0x88, s6;
	s7 =	simm.s32 @p2 $0x1082  }
0x22: {  	[simem:s7], [sflag:s8] =	dma.local @!p0 [hbm:s6], $0xF7A  }
0x23: {  	s9 =	sor.u32 $0xD0000000, s2;
	s6 =	simm.s32 $0x108;
	_ =	swait.ge @!p0 [sflag:s8], $0x0  }
0x24: {  	s3 =	sadd.s32 $0x88, s3;
	s6 =	simm.s32 @!p1 $0x1082;
	[sflag:s4] =	ssyncset.s32 $0xFFFFF086  }
0x25: {  	[simem:s6], [sflag:s4] =	dma.local [hbm:s3], $0xF7A  }
0x26: {  	[smem:$0x3F87] =	sst s1;
	(tag) =	ssettag s2;
	_ =	strace s9  }
0x27: {  	s1 =	sld [smem:$0x3F97]  }
0x28: {  	s2 =	sld [smem:$0x3F98]  }
0x29: {  	s4 =	sld [smem:$0x3F9A]  }
0x2a: {  	p0 =	seq.s32 s5, $0x0;
	s5 =	sld [smem:$0x3F9B]  }
0x2b: {  	s6 =	sld [smem:$0x3F9C]  }
0x2c: {  	s7 =	sld [smem:$0x3F9D]  }
0x2d: {  	s3 =	simm.s32 $0x108;
	s8 =	sld [smem:$0x3F9E]  }
0x2e: {  	s3 =	simm.s32 @!p0 $0x1082;
	s9 =	sld [smem:$0x3F9F]  }
0x2f: {  	lr =	sadd.s32 s0, s3;
	s0 =	sld [smem:$0x3F96]  }
0x30: {  	s3 =	sld [smem:$0x3F99]  }
0x31: {  	[smem:$0x3FA2] =	sst s10  }
0x32: {  	s10 =	sld [smem:$0x3FA0];
	_ =	sdelay $0x3  }
0x33: {  	p0 =	seq.s32 s10, $0x1;
	s10 =	sld [smem:$0x3FA2];
	_ =	sdelay $0x3  }
0x34: {  	[smem:$0x3FA2] =	sst s10  }
0x35: {  	s10 =	sld [smem:$0x3FA1];
	_ =	sdelay $0x3  }
0x36: {  	p1 =	seq.s32 s10, $0x1;
	s10 =	sld [smem:$0x3FA2];
	_ =	sdelay $0x3  }
0x37: {  	[smem:$0x3FA2] =	sst s10  }
0x38: {  	s10 =	sld [smem:$0x3FA3]  }
0x39: {  	_ = 	snop;
	(pc) =	sbr.ind lr, $3  }
0x3a: {  	_ = 	snop  }
0x3b: {  	_ = 	snop  }
0x3c: {  	p2 =	seq.s32 s10, $0x1;
	s10 =	sld [smem:$0x3FA2]  }
0x3d: {  	_ =	shalt  }
0x3e: {  	_ =	shalt  }
0x3f: {  	_ =	shalt  }
0x40: {  	_ =	shalt  }
0x41: {  	_ =	shalt  }
0x42: {  	_ =	shalt  }
0x43: {  	_ =	shalt  }
0x44: {  	_ =	shalt  }
0x45: {  	_ =	shalt  }
0x46: {  	_ =	shalt  }
0x47: {  	_ =	shalt  }
0x48: {  	_ =	shalt  }
0x49: {  	_ =	shalt  }
0x4a: {  	_ =	shalt  }
0x4b: {  	_ =	shalt  }
0x4c: {  	_ =	shalt  }
0x4d: {  	_ =	shalt  }
0x4e: {  	_ =	shalt  }
0x4f: {  	_ =	shalt  }
0x50: {  	_ =	shalt  }
0x51: {  	_ =	shalt  }
0x52: {  	_ =	shalt  }
0x53: {  	_ =	shalt  }
0x54: {  	_ =	shalt  }
0x55: {  	_ =	shalt  }
0x56: {  	_ =	shalt  }
0x57: {  	_ =	shalt  }
0x58: {  	_ =	shalt  }
0x59: {  	_ =	shalt  }
0x5a: {  	_ =	shalt  }
0x5b: {  	_ =	shalt  }
0x5c: {  	_ =	shalt  }
0x5d: {  	_ =	shalt  }
0x5e: {  	_ =	shalt  }
0x5f: {  	_ =	shalt  }
0x60: {  	_ =	shalt  }
0x61: {  	_ =	shalt  }
0x62: {  	_ =	shalt  }
0x63: {  	_ =	shalt  }
0x64: {  	_ =	shalt  }
0x65: {  	_ =	shalt  }
0x66: {  	_ =	shalt  }
0x67: {  	_ =	shalt  }
0x68: {  	_ =	shalt  }
0x69: {  	_ =	shalt  }
0x6a: {  	_ =	shalt  }
0x6b: {  	_ =	shalt  }
0x6c: {  	_ =	shalt  }
0x6d: {  	_ =	shalt  }
0x6e: {  	_ =	shalt  }
0x6f: {  	_ =	shalt  }
0x70: {  	_ =	shalt  }
0x71: {  	_ =	shalt  }
0x72: {  	_ =	shalt  }
0x73: {  	_ =	shalt  }
0x74: {  	_ =	shalt  }
0x75: {  	_ =	shalt  }
0x76: {  	_ =	shalt  }
0x77: {  	_ =	shalt  }
0x78: {  	_ =	shalt  }
0x79: {  	_ =	shalt  }
0x7a: {  	_ =	shalt  }
0x7b: {  	_ =	shalt  }
0x7c: {  	_ =	shalt  }
0x7d: {  	_ =	shalt  }
0x7e: {  	_ =	shalt  }
0x7f: {  	_ =	shalt  }
0x80: {  	_ =	shalt  }
0x81: {  	_ =	shalt  }
0x82: {  	_ =	shalt  }
0x83: {  	_ =	shalt  }
0x84: {  	_ =	shalt  }
0x85: {  	_ =	shalt  }
0x86: {  	_ =	shalt  }
0x87: {  	_ =	shalt  }
.Lfunc_end0:
.L_simem_size_0:
called_computation_lowered:
.L_overlay_start_0:
0x88: {  	s2 =	sld [smem:$0x3FD9]  }
0x89: {  	s3 =	sld [smem:$0x3FFE];
	_ =	sdelay $0x1  }
0x8a: {  	s1 =	srdreg.scid  }
0x8b: {  	s0 =	sand.u32 $0x1, s1  }
0x8c: {  	s17 =	sshll.u32 s0, $0xA;
	s2 =	sadd.s32 s3, s2  }
0x8d: {  	s2 =	sadd.s32 s2, s17  }
0x8e: {  	[smem:$0x3FAE] =	sst s2  }
0x8f: {  	_ = 	snop  }
0x90: {  	s2 =	sld [smem:$0x3FD0];
	(tm) =	ssettm $0x1  }
0x91: {  	s18 =	sld [smem:$0x3FFB];
	_ =	sdelay $0x3  }
0x92: {  	_ =	strace s18  }
0x93: {  	s3 =	sld [smem:$0x3FFC];
	_ =	sdelay $0x3  }
0x94: {  	_ =	strace s3  }
0x95: {  	s3 =	sld [smem:$0x3FFD];
	_ =	sdelay $0x3  }
0x96: {  	_ =	strace s3  }
0x97: {  	_ =	strace $0x8FFFFFFF  }
0x98: {  	s19 =	sld [smem:$0x3FDB];
	_ =	sdelay $0x1  }
0x99: {  	s4 =	simm.s32 $_scs_section_size  }
0x9a: {  	s5 =	simm.s32 $_size__tile_overlayer_lowered;
	s6 =	simm.s32 $_tile_overlayer_lowered  }
0x9b: {  	s22 =	simm.s32 $0x1BFF;
	s21 =	sshll.u32 s6, $0x1;
	s3 =	sadd.s32 s4, s19  }
0x9c: {  	s7 =	simm.s32 $0x0;
	s20 =	sshll.u32 s5, $0x1;
	s5 =	sadd.s32 s21, s3  }
0x9d: {  	[timem:s7], [sflag:s22] =	dma.local [hbm:s5], s20  }
0x9e: {  	_ =	swait.ge [sflag:s22], s20  }
0x9f: {  	s4 =	ssub.s32 $0x0, s20;
	[sflag:s22] =	ssyncset.done $0x0  }
0xa0: {  	[sflag:s22] =	ssyncadd.s32 s4;
	_ =	sdelay $0x1  }
0xa1: {  	s23 =	simm.s32 $0x1B8B  }
0xa2: {  	_ =	swait.ge [sflag:s23], $0x1  }
0xa3: {  	[sflag:s23] =	ssyncset.done $0x0  }
0xa4: {  	s25 =	simm.s32 $0x1B8E;
	s24 =	sld [smem:$0x3FFE];
	[sflag:s23] =	ssyncadd.s32 $0xFFFFFFFF  }
0xa5: {  	s26 =	simm.s32 $execute0_lowered;
	[smem:$0x3FD2] =	sst s25  }
0xa6: {  	s5 =	sshll.u32 s26, $0x1;
	_ =	strace $0x80000046;
	[dreg:$0x1] =	wrdreg $0xFFFFFFFF  }
0xa7: {  	s28 =	simm.s32 $_size_execute0_lowered;
	s3 =	sadd.s32 s3, s5;
	[dreg:$0x0] =	wrdreg $0x0  }
0xa8: {  	s5 =	sshll.u32 s28, $0x1;
	[dreg:$0x2] =	wrdreg s3  }
0xa9: {  	[dreg:$0x3] =	wrdreg s5  }
0xaa: {  	[dreg:$0x4] =	wrdreg $0xC0  }
0xab: {  	_ =	task [dreg:s7], $0x5FFFF  }
0xac: {  	[dreg:$0x1] =	wrdreg $0xFFFFFFFF  }
0xad: {  	[dreg:$0x0] =	wrdreg $0x60  }
0xae: {  	[dreg:$0x2] =	wrdreg s24  }
0xaf: {  	[dreg:$0x3] =	wrdreg s2  }
0xb0: {  	[dreg:$0x4] =	wrdreg $0xB0000  }
0xb1: {  	[dreg:$0x5] =	wrdreg $0x9  }
0xb2: {  	_ =	task.clear_ibuf [dreg:s7], $0x6FFFF;
	_ =	strace $0x90000046  }
0xb3: {  	s29 =	simm.s32 $0x9;
	_ =	strace $0x80000048  }
0xb4: {  	_ =	swait.ge [sflag:s29], $0x1  }
0xb5: {  	[sflag:s29] =	ssyncadd.s32 $0xFFFFFFFF  }
0xb6: {  	_ =	strace $0x90000048  }
0xb7: {  	_ =	sfence  }
0xb8: {  	s30 =	sld [smem:$0x0];
	_ =	sdelay $0x2  }
0xb9: {  	s31 =	sshll.u32 s1, $0xD;
	s1 =	sshrl.u32 s1, $0x2  }
0xba: {  	s3 =	sand.u32 $0x4000, s31;
	s1 =	sadd.s32 s1, s30  }
0xbb: {  	s0 =	sor.u32 s3, s0;
	s1 =	sshll.u32 s1, $0x11  }
0xbc: {  	s0 =	sor.u32 s1, s0  }
0xbd: {  	s0 =	sadd.s32 $0x8F2B, s0  }
0xbe: {  	[sflag:s0] =	ssyncadd.remote.s32 $0x1  }
0xbf: {  	_ =	sfence.sel $0xFFFF  }
0xc0: {  	[dreg:$0x0] =	wrdreg $0xFFFFFFFF;
	(pc) =	sbr.abs _section_cstart, $3  }
0xc1: {  	[dreg:$0x1] =	wrdreg $0xFFFFFFFF  }
0xc2: {  	_ =	task.clear_ibuf [dreg:s7], $0x2FFFF;
	_ =	strace $0x9FFFFFFF  }
0xc3: {  	(tm) =	ssettm $0x7FFFFFFF  }
tec
execute0_lowered:
.L_overlay_start_1:
0x0: {  	(tag) =	ssettag $0x1  }
0x1: {  	s0 =	rddreg [dreg:$0x0]  }
0x2: {  	s3 =	rddreg [dreg:$0x1]  }
0x3: {  	s1 =	rddreg [dreg:$0x2];
	s2 =	simm.s32 $0x0;
	s4 =	srdreg.scid  }
0x4: {  	s12 =	stileid.u32;
	s25 =	simm.s32 $0x1000;
	s26 =	simm.s32 $0x3000  }
0x5: {  	s28 =	simm.s32 $0x5000;
	s29 =	simm.s32 $0x7000;
	s30 =	simm.s32 $0xA  }
0x6: {  	s31 =	simm.s32 $0x0;
	[smem:$0x7FF] =	sst s2;
	s6 =	sand.u32 $0x1, s4  }
0x7: {  	s4 =	sadd.s32 $0x44A00, s0;
	s8 =	sadd.s32 $0x4A00, s0;
	s5 =	sadd.s32 $0x93A00, s0  }
0x8: {  	s0 =	sadd.s32 $0x96200, s0;
	s17 =	smul.u32 $0x4E000, s12;
	s11 =	sshll.u32 s12, $0x10  }
0x9: {  	s18 =	smul.u32 $0x13800, s12;
	s13 =	sadd.s32 $0x124800, s1;
	s20 =	sshll.u32 s12, $0xD  }
0xa: {  	p0 =	seq.s32 s12, $0xF;
	_ =	strace $0x80000047;
	[dreg:$0x4] =	wrdreg s25  }
0xb: {  	s7 =	ssub.s32 $0x2, s6;
	s10 =	sshll.u32 s6, $0x14;
	[dreg:$0x5] =	wrdreg s26  }
0xc: {  	s6 =	smul.u32 $0x13C000, s6;
	s13 =	sshrl.u32 @p0 s13, $0x3;
	[dreg:$0x6] =	wrdreg s28  }
0xd: {  	[dreg:$0x7] =	wrdreg s29;
	s9 =	sshrl.u32 s7, $0x1;
	s10 =	sor.u32 s11, s10  }
0xe: {  	s9 =	ssub.s32 s7, s9;
	s7 =	sshrl.u32 s17, $0x2;
	s19 =	sshrl.u32 s10, $0x3  }
0xf: {  	s11 =	sadd.s32 s18, s6;
	s6 =	sshrl.u32 s6, $0x3;
	s22 =	sor.u32 $0x400, s10  }
0x10: {  	s17 =	simm.s32 $0xB;
	s18 =	simm.s32 $0x40;
	s15 =	sadd.s32 s7, s1  }
0x11: {  	s7 =	sadd.s32 s8, s19;
	s21 =	sshrl.u32 s11, $0x3;
	s23 =	sshrl.u32 s22, $0x3  }
0x12: {  	s24 =	smax.u32 s9, $0x1;
	s19 =	simm.s32 $0x9000;
	s22 =	simm.s32 $0x3  }
0x13: {  	[dreg:$0x8] =	wrdreg s7;
	s7 =	sadd.s32 s3, s20;
	s3 =	sadd.s32 s0, s21  }
0x14: {  	s0 =	sadd.s32 s0, s6;
	[dreg:$0xc] =	wrdreg s24;
	s11 =	sadd.s32 s23, s8  }
0x15: {  	s15 =	sshrl.u32 @!p0 s15, $0x3;
	s20 =	simm.s32 $0x1;
	s21 =	simm.s32 $0x2  }
0x16: {  	s23 =	simm.s32 $0x4;
	[dreg:$0xa] =	wrdreg s3;
	s0 =	sadd.s32 $0x24900, s0  }
0x17: {  	s24 =	simm.s32 $0x5;
	[dreg:$0xb] =	wrdreg s0;
	s0 =	sshll.u32 @!p0 s12, $0x6  }
0x18: {  	[dreg:$0x9] =	wrdreg s7;
	s12 =	sadd.s32 $0x80, s7;
	s14 =	sor.u32 @!p0 $0x1C0C, s0  }
.LBB2_1:
0x19: {  	s0 =	simm.s32 @p0 $0x1FCC  }
0x1a: {  	[spmem:s13], [sflag:s0] =	dma.local @p0 [hbm:s5], $0x2800  }
0x1b: {  	s0 =	simm.s32 @p0 $0xC  }
0x1c: {  	_ =	swait.ge @p0 [sflag:s0], $0x2800  }
0x1d: {  	[sflag:s0] =	ssyncset.done @p0 $0x0  }
0x1e: {  	[sflag:s0] =	ssyncadd.s32 @p0 $0xFFFFD800;
	s0 =	simm.s32 @!p0 $0xC  }
0x1f: {  	[spmem:s15], [sflag:s14] =	dma.local @!p0 [hbm:s5], $0x2700  }
0x20: {  	_ =	swait.ge @!p0 [sflag:s0], $0x2700  }
0x21: {  	[sflag:s0] =	ssyncset.done @!p0 $0x0  }
0x22: {  	s16 =	rddreg [dreg:$0x8];
	[sflag:s0] =	ssyncadd.s32 @!p0 $0xFFFFD900  }
0x23: {  	[tilespmem:s2], [sflag:$0xB] =	stream.linear.gather [hbm4b:s16+s2], $0x280, $0x38;
	[tilespmem:$0x1E8C0] =	vst v63  }
0x24: {  	s3 =	simm.s32 $0x800;
	s25 =	rddreg [dreg:$0x9]  }
0x25: {  	[tilespmem:s3], [sflag:$0xB] =	stream.linear.gather [hbm4b:s25+s2], $0x280, $0x38;
	[tilespmem:$0x1E8C0] =	vst v63  }
0x26: {  	[bflag:$0x0] =	sbarrier.arrive $0xFFFF  }
0x27: {  	_ =	swait.ge [sflag:s17], $0x280  }
0x28: {  	[sflag:s17] =	ssyncset.done $0x0  }
0x29: {  	[sflag:s17] =	ssyncadd.s32 $0xFFFFFD80  }
0x2a: {  	_ =	swait.ge [sflag:s17], $0x280  }
0x2b: {  	p1 =	por $0x0, $0x0;
	[sflag:s17] =	ssyncset.done $0x0  }
0x2c: {  	s0 =	simm.s32 @p1 $0x6;
	[sflag:s17] =	ssyncadd.s32 $0xFFFFFD80  }
0x2d: {  	_ =	swait.ge @p1 [sflag:s0], $0x2000  }
0x2e: {  	s8 =	simm.s32 @p1 $0x7;
	s6 =	sand.u32 @p1 $0x400, s2;
	[sflag:s0] =	ssyncset.done @p1 $0x0  }
0x2f: {  	s3 =	simm.s32 @p1 $0x1000;
	[sflag:s0] =	ssyncadd.s32 @p1 $0xFFFFE000;
	s0 =	simm.s32 @p1 $0x40  }
0x30: {  	[tilespmem:s3], [sflag:$0x1] =	stream.indirect.gather @p1 [hbm4b:s4+s0], $0x80, s6, s0, $0xb8;
	[tilespmem:$0x1E8C0] =	vst v63  }
0x31: {  	_ =	swait.ge @p1 [sflag:s8], $0x2000  }
0x32: {  	s9 =	simm.s32 @p1 $0x8;
	[sflag:s8] =	ssyncset.done @p1 $0x0  }
0x33: {  	s3 =	sor.u32 @p1 $0x80, s6;
	[sflag:s8] =	ssyncadd.s32 @p1 $0xFFFFE000;
	s8 =	simm.s32 @p1 $0x3000  }
0x34: {  	[tilespmem:s8], [sflag:$0x2] =	stream.indirect.gather @p1 [hbm4b:s4+s0], $0x80, s3, s0, $0xb8;
	[tilespmem:$0x1E8C0] =	vst v63  }
0x35: {  	_ =	swait.ge @p1 [sflag:s9], $0x2000  }
0x36: {  	s10 =	simm.s32 @p1 $0x9;
	[sflag:s9] =	ssyncset.done @p1 $0x0  }
0x37: {  	s8 =	sor.u32 @p1 $0x100, s6;
	[sflag:s9] =	ssyncadd.s32 @p1 $0xFFFFE000;
	s9 =	simm.s32 @p1 $0x5000  }
0x38: {  	[tilespmem:s9], [sflag:$0x3] =	stream.indirect.gather @p1 [hbm4b:s4+s0], $0x80, s8, s0, $0xb8;
	[tilespmem:$0x1E8C0] =	vst v63  }
0x39: {  	_ =	swait.ge @p1 [sflag:s10], $0x2000  }
0x3a: {  	s16 =	simm.s32 @p1 $0xA;
	[sflag:s10] =	ssyncset.done @p1 $0x0  }
0x3b: {  	s9 =	sor.u32 @p1 $0x180, s6;
	[sflag:s10] =	ssyncadd.s32 @p1 $0xFFFFE000;
	s10 =	simm.s32 @p1 $0x7000  }
0x3c: {  	[tilespmem:s10], [sflag:$0x4] =	stream.indirect.gather @p1 [hbm4b:s4+s0], $0x80, s9, s0, $0xb8;
	[tilespmem:$0x1E8C0] =	vst v63  }
0x3d: {  	_ =	swait.ge @p1 [sflag:s16], $0x2000  }
0x3e: {  	s0 =	simm.s32 @!p1 $0x1000;
	[sflag:s16] =	ssyncset.done @p1 $0x0  }
0x3f: {  	s10 =	simm.s32 @!p1 $0x40;
	[sflag:s16] =	ssyncadd.s32 @p1 $0xFFFFE000;
	s16 =	simm.s32 @!p1 $0x0  }
0x40: {  	[tilespmem:s0], [sflag:$0x1] =	stream.indirect.gather @!p1 [hbm4b:s4+s10], $0x80, s16, s10, $0xb8;
	[tilespmem:$0x1E8C0] =	vst v63  }
0x41: {  	s0 =	simm.s32 @!p1 $0x80;
	s16 =	simm.s32 @!p1 $0x3000  }
0x42: {  	[tilespmem:s16], [sflag:$0x2] =	stream.indirect.gather @!p1 [hbm4b:s4+s10], $0x80, s0, s10, $0xb8;
	[tilespmem:$0x1E8C0] =	vst v63  }
0x43: {  	s0 =	simm.s32 @!p1 $0x100;
	s16 =	simm.s32 @!p1 $0x5000  }
0x44: {  	[tilespmem:s16], [sflag:$0x3] =	stream.indirect.gather @!p1 [hbm4b:s4+s10], $0x80, s0, s10, $0xb8;
	[tilespmem:$0x1E8C0] =	vst v63  }
0x45: {  	s6 =	simm.s32 @!p1 $0x0;
	s0 =	simm.s32 @!p1 $0x180;
	s16 =	simm.s32 @!p1 $0x7000  }
0x46: {  	[tilespmem:s16], [sflag:$0x4] =	stream.indirect.gather @!p1 [hbm4b:s4+s10], $0x80, s0, s10, $0xb8;
	[tilespmem:$0x1E8C0] =	vst v63  }
0x47: {  	s26 =	sor.u32 $0x200, s6  }
0x48: {  	[tilespmem:s19], [sflag:$0x5] =	stream.indirect.gather [hbm4b:s4+s18], $0x80, s26, s18, $0xb8;
	[tilespmem:$0x1E8C0] =	vst v63  }
0x49: {  	s28 =	sxor.u32 $0x400, s6  }
0x4a: {  	[tilespmem:s28], [sflag:$0xB] =	stream.linear.gather [hbm4b:s11+s2], $0x280, $0x38;
	[tilespmem:$0x1E8C0] =	vst v63  }
0x4b: {  	s0 =	sor.u32 $0x800, s28  }
0x4c: {  	[tilespmem:s0], [sflag:$0xB] =	stream.linear.gather [hbm4b:s12+s2], $0x280, $0x38;
	[tilespmem:$0x1E8C0] =	vst v63  }
0x4d: {  	_ =	swait.ge [sflag:s20], $0x2000  }
0x4e: {  	[sflag:s20] =	ssyncset.done $0x0  }
0x4f: {  	s7 =	sor.u32 $0x800, s6;
	s29 =	rddreg [dreg:$0x4];
	[sflag:s20] =	ssyncadd.s32 $0xFFFFE000  }
0x50: {  	[spmem:s1] =	stream.indirect.scatter.add.f32 [tilespmem:s29], [sflag:$0x6], $0x80, s7, s18, $0xb8;
	[tilespmem:$0x1E8C0] =	vst v63  }
0x51: {  	_ =	swait.ge [sflag:s21], $0x2000  }
0x52: {  	s3 =	simm.s32 @!p1 $0x80;
	[sflag:s21] =	ssyncset.done $0x0  }
0x53: {  	s3 =	sor.u32 $0x800, s3;
	s16 =	rddreg [dreg:$0x5];
	[sflag:s21] =	ssyncadd.s32 $0xFFFFE000  }
0x54: {  	[spmem:s1] =	stream.indirect.scatter.add.f32 [tilespmem:s16], [sflag:$0x7], $0x80, s3, s18, $0xb8;
	[tilespmem:$0x1E8C0] =	vst v63  }
0x55: {  	_ =	swait.ge [sflag:s22], $0x2000  }
0x56: {  	s8 =	simm.s32 @!p1 $0x100;
	[sflag:s22] =	ssyncset.done $0x0  }
0x57: {  	s26 =	sor.u32 $0x800, s8;
	s25 =	rddreg [dreg:$0x6];
	[sflag:s22] =	ssyncadd.s32 $0xFFFFE000  }
0x58: {  	[spmem:s1] =	stream.indirect.scatter.add.f32 [tilespmem:s25], [sflag:$0x8], $0x80, s26, s18, $0xb8;
	[tilespmem:$0x1E8C0] =	vst v63  }
0x59: {  	_ =	swait.ge [sflag:s23], $0x2000  }
0x5a: {  	s9 =	simm.s32 @!p1 $0x180;
	[sflag:s23] =	ssyncset.done $0x0  }
0x5b: {  	s29 =	sor.u32 $0x800, s9;
	s28 =	rddreg [dreg:$0x7];
	[sflag:s23] =	ssyncadd.s32 $0xFFFFE000  }
0x5c: {  	[spmem:s1] =	stream.indirect.scatter.add.f32 [tilespmem:s28], [sflag:$0x9], $0x80, s29, s18, $0xb8;
	[tilespmem:$0x1E8C0] =	vst v63  }
0x5d: {  	_ =	swait.ge [sflag:s24], $0x2000  }
0x5e: {  	s6 =	sor.u32 $0xA00, s6;
	s0 =	simm.s32 $0x400;
	[sflag:s24] =	ssyncset.done $0x0  }
0x5f: {  	s3 =	sadd.s32 $0x80, s12;
	s16 =	sadd.s32 $0x80, s11;
	[sflag:s24] =	ssyncadd.s32 $0xFFFFE000  }
.LBB2_2:
0x60: {  	[spmem:s1] =	stream.indirect.scatter.add.f32 [tilespmem:s19], [sflag:$0xA], $0x80, s6, s18, $0xb8;
	[tilespmem:$0x1E8C0] =	vst v63  }
0x61: {  	_ =	swait.ge [sflag:s17], $0x280  }
0x62: {  	[sflag:s17] =	ssyncset.done $0x0  }
0x63: {  	[sflag:s17] =	ssyncadd.s32 $0xFFFFFD80  }
0x64: {  	s6 =	smov.u32 s0;
	_ =	swait.ge [sflag:s17], $0x280  }
0x65: {  	p2 =	sne.s32 s6, $0x0;
	[sflag:s17] =	ssyncset.done $0x0  }
0x66: {  	s8 =	simm.s32 @p2 $0x6;
	[sflag:s17] =	ssyncadd.s32 $0xFFFFFD80  }
0x67: {  	_ =	swait.ge @p2 [sflag:s8], $0x2000  }
0x68: {  	s9 =	simm.s32 @p2 $0x1000;
	s25 =	simm.s32 @p2 $0x7;
	[sflag:s8] =	ssyncset.done @p2 $0x0  }
0x69: {  	s6 =	sand.u32 @p2 $0x400, s6;
	s7 =	simm.s32 @p2 $0x40;
	[sflag:s8] =	ssyncadd.s32 @p2 $0xFFFFE000  }
0x6a: {  	[tilespmem:s9], [sflag:$0x1] =	stream.indirect.gather @p2 [hbm4b:s4+s7], $0x80, s6, s7, $0xb8;
	[tilespmem:$0x1E8C0] =	vst v63  }
0x6b: {  	_ =	swait.ge @p2 [sflag:s25], $0x2000  }
0x6c: {  	s28 =	simm.s32 @p2 $0x8;
	[sflag:s25] =	ssyncset.done @p2 $0x0  }
0x6d: {  	s9 =	sor.u32 @p2 $0x80, s6;
	[sflag:s25] =	ssyncadd.s32 @p2 $0xFFFFE000;
	s25 =	simm.s32 @p2 $0x3000  }
0x6e: {  	[tilespmem:s25], [sflag:$0x2] =	stream.indirect.gather @p2 [hbm4b:s4+s7], $0x80, s9, s7, $0xb8;
	[tilespmem:$0x1E8C0] =	vst v63  }
0x6f: {  	_ =	swait.ge @p2 [sflag:s28], $0x2000  }
0x70: {  	s29 =	simm.s32 @p2 $0x9;
	[sflag:s28] =	ssyncset.done @p2 $0x0  }
0x71: {  	s10 =	sor.u32 @p2 $0x100, s6;
	[sflag:s28] =	ssyncadd.s32 @p2 $0xFFFFE000;
	s28 =	simm.s32 @p2 $0x5000  }
0x72: {  	[tilespmem:s28], [sflag:$0x3] =	stream.indirect.gather @p2 [hbm4b:s4+s7], $0x80, s10, s7, $0xb8;
	[tilespmem:$0x1E8C0] =	vst v63  }
0x73: {  	_ =	swait.ge @p2 [sflag:s29], $0x2000  }
0x74: {  	s8 =	sor.u32 @p2 $0x180, s6;
	s25 =	smov.u32 s10;
	[sflag:s29] =	ssyncset.done @p2 $0x0  }
0x75: {  	s10 =	simm.s32 @p2 $0x7000;
	s28 =	simm.s32 @p2 $0xA;
	[sflag:s29] =	ssyncadd.s32 @p2 $0xFFFFE000  }
0x76: {  	[tilespmem:s10], [sflag:$0x4] =	stream.indirect.gather @p2 [hbm4b:s4+s7], $0x80, s8, s7, $0xb8;
	[tilespmem:$0x1E8C0] =	vst v63  }
0x77: {  	_ =	swait.ge @p2 [sflag:s28], $0x2000  }
0x78: {  	s26 =	smov.u32 s8;
	s7 =	simm.s32 @!p2 $0x1000;
	[sflag:s28] =	ssyncset.done @p2 $0x0  }
0x79: {  	s8 =	simm.s32 @!p2 $0x40;
	s10 =	simm.s32 @!p2 $0x0;
	[sflag:s28] =	ssyncadd.s32 @p2 $0xFFFFE000  }
0x7a: {  	[tilespmem:s7], [sflag:$0x1] =	stream.indirect.gather @!p2 [hbm4b:s4+s8], $0x80, s10, s8, $0xb8;
	[tilespmem:$0x1E8C0] =	vst v63  }
0x7b: {  	s7 =	simm.s32 @!p2 $0x80;
	s10 =	simm.s32 @!p2 $0x3000  }
0x7c: {  	[tilespmem:s10], [sflag:$0x2] =	stream.indirect.gather @!p2 [hbm4b:s4+s8], $0x80, s7, s8, $0xb8;
	[tilespmem:$0x1E8C0] =	vst v63  }
0x7d: {  	s7 =	simm.s32 @!p2 $0x100;
	s10 =	simm.s32 @!p2 $0x5000  }
0x7e: {  	[tilespmem:s10], [sflag:$0x3] =	stream.indirect.gather @!p2 [hbm4b:s4+s8], $0x80, s7, s8, $0xb8;
	[tilespmem:$0x1E8C0] =	vst v63  }
0x7f: {  	s6 =	simm.s32 @!p2 $0x0;
	s7 =	simm.s32 @!p2 $0x180;
	s10 =	simm.s32 @!p2 $0x7000  }
0x80: {  	[tilespmem:s10], [sflag:$0x4] =	stream.indirect.gather @!p2 [hbm4b:s4+s8], $0x80, s7, s8, $0xb8;
	[tilespmem:$0x1E8C0] =	vst v63  }
0x81: {  	s8 =	sor.u32 $0x200, s6  }
0x82: {  	[tilespmem:s19], [sflag:$0x5] =	stream.indirect.gather [hbm4b:s4+s18], $0x80, s8, s18, $0xb8;
	[tilespmem:$0x1E8C0] =	vst v63  }
0x83: {  	s10 =	sxor.u32 $0x400, s6  }
0x84: {  	[tilespmem:s10], [sflag:$0xB] =	stream.linear.gather [hbm4b:s16+s2], $0x280, $0x38;
	[tilespmem:$0x1E8C0] =	vst v63  }
0x85: {  	s7 =	sor.u32 $0x800, s10  }
0x86: {  	[tilespmem:s7], [sflag:$0xB] =	stream.linear.gather [hbm4b:s3+s2], $0x280, $0x38;
	[tilespmem:$0x1E8C0] =	vst v63  }
0x87: {  	_ =	swait.ge [sflag:s20], $0x2000  }
0x88: {  	[sflag:s20] =	ssyncset.done $0x0  }
0x89: {  	s29 =	sor.u32 $0x800, s6;
	s28 =	rddreg [dreg:$0x4];
	[sflag:s20] =	ssyncadd.s32 $0xFFFFE000  }
0x8a: {  	[spmem:s1] =	stream.indirect.scatter.add.f32 [tilespmem:s28], [sflag:$0x6], $0x80, s29, s18, $0xb8;
	[tilespmem:$0x1E8C0] =	vst v63  }
0x8b: {  	_ =	swait.ge [sflag:s21], $0x2000  }
0x8c: {  	s9 =	simm.s32 @!p2 $0x80;
	[sflag:s21] =	ssyncset.done $0x0  }
0x8d: {  	s9 =	sor.u32 $0x800, s9;
	s8 =	rddreg [dreg:$0x5];
	[sflag:s21] =	ssyncadd.s32 $0xFFFFE000  }
0x8e: {  	[spmem:s1] =	stream.indirect.scatter.add.f32 [tilespmem:s8], [sflag:$0x7], $0x80, s9, s18, $0xb8;
	[tilespmem:$0x1E8C0] =	vst v63  }
0x8f: {  	_ =	swait.ge [sflag:s22], $0x2000  }
0x90: {  	s25 =	simm.s32 @!p2 $0x100;
	[sflag:s22] =	ssyncset.done $0x0  }
0x91: {  	s25 =	sor.u32 $0x800, s25;
	s10 =	rddreg [dreg:$0x6];
	[sflag:s22] =	ssyncadd.s32 $0xFFFFE000  }
0x92: {  	[spmem:s1] =	stream.indirect.scatter.add.f32 [tilespmem:s10], [sflag:$0x8], $0x80, s25, s18, $0xb8;
	[tilespmem:$0x1E8C0] =	vst v63  }
0x93: {  	s0 =	sadd.s32 $0x400, s0;
	s26 =	simm.s32 @!p2 $0x180;
	_ =	swait.ge [sflag:s23], $0x2000  }
0x94: {  	p1 =	sne.s32 s0, $0xFC00;
	s29 =	sor.u32 $0x800, s26;
	[sflag:s23] =	ssyncset.done $0x0  }
.Ltmp0:
0x95: {  	s28 =	rddreg [dreg:$0x7];
	[sflag:s23] =	ssyncadd.s32 $0xFFFFE000;
	(pc) =	sbr.rel @p1 .LBB2_2-.Ltmp0, $4  }
0x96: {  	[spmem:s1] =	stream.indirect.scatter.add.f32 [tilespmem:s28], [sflag:$0x9], $0x80, s29, s18, $0xb8;
	[tilespmem:$0x1E8C0] =	vst v63  }
0x97: {  	_ =	swait.ge [sflag:s24], $0x2000  }
0x98: {  	s6 =	sor.u32 $0xA00, s6;
	[sflag:s24] =	ssyncset.done $0x0  }
0x99: {  	s16 =	sadd.s32 $0x80, s16;
	s3 =	sadd.s32 $0x80, s3;
	[sflag:s24] =	ssyncadd.s32 $0xFFFFE000  }
0x9a: {  	[spmem:s1] =	stream.indirect.scatter.add.f32 [tilespmem:s19], [sflag:$0xA], $0x80, s6, s18, $0xb8;
	[tilespmem:$0x1E8C0] =	vst v63  }
0x9b: {  	_ =	swait.ge [sflag:s17], $0x280  }
0x9c: {  	[sflag:s17] =	ssyncset.done $0x0  }
0x9d: {  	[sflag:s17] =	ssyncadd.s32 $0xFFFFFD80  }
0x9e: {  	_ =	swait.ge [sflag:s17], $0x280  }
0x9f: {  	[sflag:s17] =	ssyncset.done $0x0  }
0xa0: {  	s0 =	simm.s32 $0x6;
	[sflag:s17] =	ssyncadd.s32 $0xFFFFFD80  }
0xa1: {  	_ =	swait.ge [sflag:s0], $0x2000  }
0xa2: {  	[sflag:s0] =	ssyncset.done $0x0  }
0xa3: {  	s25 =	simm.s32 $0x7;
	[sflag:s0] =	ssyncadd.s32 $0xFFFFE000  }
0xa4: {  	_ =	swait.ge [sflag:s25], $0x2000  }
0xa5: {  	[sflag:s25] =	ssyncset.done $0x0  }
0xa6: {  	s26 =	simm.s32 $0x8;
	[sflag:s25] =	ssyncadd.s32 $0xFFFFE000  }
0xa7: {  	_ =	swait.ge [sflag:s26], $0x2000  }
0xa8: {  	[sflag:s26] =	ssyncset.done $0x0  }
0xa9: {  	s28 =	simm.s32 $0x9;
	[sflag:s26] =	ssyncadd.s32 $0xFFFFE000  }
0xaa: {  	_ =	swait.ge [sflag:s28], $0x2000  }
0xab: {  	[sflag:s28] =	ssyncset.done $0x0  }
0xac: {  	[sflag:s28] =	ssyncadd.s32 $0xFFFFE000  }
0xad: {  	_ =	swait.ge [sflag:s30], $0x2000  }
0xae: {  	[sflag:s30] =	ssyncset.done $0x0  }
0xaf: {  	[sflag:s30] =	ssyncadd.s32 $0xFFFFE000  }
0xb0: {  	[bflag:$0x0] =	sbarrier.arrive $0xFFFF  }
0xb1: {  	s0 =	simm.s32 @p0 $0x1FCC;
	s3 =	rddreg [dreg:$0xb]  }
0xb2: {  	[hbm:s3], [sflag:s0] =	dma.local @p0 [spmem:s13], $0x2800  }
0xb3: {  	s0 =	simm.s32 @p0 $0xC  }
0xb4: {  	_ =	swait.ge @p0 [sflag:s0], $0x2800  }
0xb5: {  	[sflag:s0] =	ssyncset.done @p0 $0x0  }
0xb6: {  	[sflag:s0] =	ssyncadd.s32 @p0 $0xFFFFD800;
	s0 =	rddreg [dreg:$0xa]  }
0xb7: {  	[hbm:s0], [sflag:s14] =	dma.local @!p0 [spmem:s15], $0x2700  }
0xb8: {  	s0 =	simm.s32 @!p0 $0xC  }
0xb9: {  	_ =	swait.ge @!p0 [sflag:s0], $0x2700  }
0xba: {  	s31 =	sadd.s32 $0x1, s31;
	s29 =	rddreg [dreg:$0xc]  }
0xbb: {  	p1 =	sne.s32 s31, s29  }
.Ltmp1:
0xbc: {  	_ = 	snop;
	(pc) =	sbr.rel @p1 .LBB2_1-.Ltmp1, $3  }
0xbd: {  	_ =	sdelay $0x1  }
0xbe: {  	[sflag:s0] =	ssyncset.done @!p0 $0x0  }
0xbf: {  	[sflag:s0] =	ssyncadd.s32 @!p0 $0xFFFFD900  }
0xc0: {  	_ =	sfence.sel $0x180000  }
0xc1: {  	[bflag:$0x0] =	sbarrier.arrive $0xFFFF  }
0xc2: {  	_ =	strace $0x90000047  }
0xc3: {  	s0 =	stileid.u32;
	[bflag:$0x2] =	sbarrier.arrive $0xFFFF  }
0xc4: {  	p0 =	sne.s32 s0, $0x0;
	s0 =	rddreg [dreg:$0x3]  }
0xc5: {  	s0 =	sadd.s32 @!p0 $0x100000, s0  }
0xc6: {  	[sflag:s0] =	ssyncadd.tile.s32 @!p0 $0x1;
	_ =	shalt  }
.Lfunc_end2:
_tile_overlayer_lowered:
.L_overlay_start_2:
0xc7: {  	(tag) =	ssettag $0x2  }
0xc8: {  	s0 =	rddreg [dreg:$0x0];
	s2 =	stileid.u32  }
0xc9: {  	s1 =	rddreg [dreg:$0x1];
	p0 =	sne.s32 s2, $0x0  }
0xca: {  	s3 =	rddreg [dreg:$0x2];
	[bflag:$0x3] =	sbarrier.arrive $0xFFFF;
	s2 =	simm.s32 @!p0 $0x1C0C  }
0xcb: {  	[timem:s3], [sflag:s2] =	dma.local @!p0 [hbm:s0], s1  }
0xcc: {  	s0 =	simm.s32 @!p0 $0xC  }
0xcd: {  	_ =	swait.ge @!p0 [sflag:s0], s1  }
0xce: {  	s1 =	ssub.s32 @!p0 $0x0, s1;
	[sflag:s0] =	ssyncset.done @!p0 $0x0  }
0xcf: {  	[sflag:s0] =	ssyncadd.s32 @!p0 s1  }
0xd0: {  	[bflag:$0x3] =	sbarrier.arrive $0xFFFF  }
0xd1: {  	_ =	shalt  }

</sc_bundles>
